<compile_context>
chip_gen: v7x
topology: tpu7x:2x2x1
jax: 0.10.2.dev20260603
libtpu: 0.0.44.dev20260713+nightly
codegen_flags: <defaults>
</compile_context>

<pallas_src>
import functools

import jax
import jax.numpy as jnp
from jax import lax
from jax.experimental import pallas as pl
from jax.experimental.pallas import tpu as pltpu
from jax.experimental.pallas import tpu_sc as plsc

_N = 10000
_D = 128
_H = _D // 2
_K = 128
_NP = 10240
_NC = 2
_NS = 16
_RPT = _NP // _NS
_QC = _RPT // _K


def _agg_body(src_hbm, dst_hbm, h_hbm, out_hbm, src_t, dst_t, rows0, rows1,
              zbuf, acc, g0, g1):
    c = lax.axis_index("c")
    s = lax.axis_index("s")
    ch = src_t.shape[0]
    rows = (rows0, rows1)
    gs = (g0, g1)

    pltpu.sync_copy(src_hbm.at[c, s], src_t)
    pltpu.sync_copy(dst_hbm.at[s], dst_t)

    def _z(i, carry):
        for j in range(_H // 16):
            zbuf[i, pl.ds(j * 16, 16)] = jnp.zeros((16,), jnp.float32)
        return carry

    lax.fori_loop(0, _K, _z, 0)
    for q in range(_QC):
        pltpu.sync_copy(zbuf, acc.at[pl.ds(s * _RPT + q * _K, _K)])
    plsc.subcore_barrier()

    for b in range(2):
        pltpu.async_copy(h_hbm.at[src_t.at[b]], rows[b], gs[b])

    def _body(i, carry):
        for b in range(2):
            j = i * 2 + b
            pltpu.make_async_copy(h_hbm.at[src_t.at[j]], rows[b], gs[b]).wait()
            pltpu.sync_copy(rows[b], acc.at[dst_t.at[j]], add=True)

            @pl.when(j + 2 < ch)
            def _():
                pltpu.async_copy(h_hbm.at[src_t.at[j + 2]], rows[b], gs[b])
        return carry

    lax.fori_loop(0, ch // 2, _body, 0)
    plsc.subcore_barrier()

    for q in range(_QC):
        row0 = s * _RPT + q * _K
        pltpu.sync_copy(acc.at[pl.ds(row0, _K)], rows0)
        pltpu.sync_copy(rows0, out_hbm.at[c, pl.ds(row0, _K)])


@functools.lru_cache(maxsize=None)
def _make_agg(ch):
    mesh = plsc.VectorSubcoreMesh(
        core_axis_name="c", subcore_axis_name="s",
        num_cores=_NC, num_subcores=_NS)
    return pl.kernel(
        _agg_body,
        out_type=jax.ShapeDtypeStruct((_NC, _NP, _H), jnp.float32),
        mesh=mesh,
        compiler_params=pltpu.CompilerParams(use_tc_tiling_on_sc=False),
        scratch_types=[
            pltpu.VMEM((ch, _K), jnp.int32),
            pltpu.VMEM((ch, _K), jnp.int32),
            pltpu.VMEM((_K, _H), jnp.float32),
            pltpu.VMEM((_K, _H), jnp.float32),
            pltpu.VMEM((_K, _H), jnp.float32),
            pltpu.VMEM_SHARED((_NP, _H), jnp.float32),
        ] + [pltpu.SemaphoreType.DMA] * 2,
    )


def _mm_body(h_ref, p_ref, w_ref, s_ref, t_ref, o_ref, *, relu):
    x0 = h_ref[0] + p_ref[0]
    x1 = h_ref[1] + p_ref[1]
    y = jnp.concatenate([x0, x1], axis=1)
    y = jnp.dot(y, w_ref[...], preferred_element_type=jnp.float32)
    y = y * s_ref[...] + t_ref[...]
    if relu:
        y = jnp.maximum(y, 0.0)
    o_ref[0] = y[:, :_H]
    o_ref[1] = y[:, _H:]


def _mm(h, parts, wt, scale, shift, relu):
    blk = 512
    return pl.pallas_call(
        functools.partial(_mm_body, relu=relu),
        grid=(_NP // blk,),
        in_specs=[
            pl.BlockSpec((_NC, blk, _H), lambda i: (0, i, 0)),
            pl.BlockSpec((_NC, blk, _H), lambda i: (0, i, 0)),
            pl.BlockSpec((_D, _D), lambda i: (0, 0)),
            pl.BlockSpec((1, _D), lambda i: (0, 0)),
            pl.BlockSpec((1, _D), lambda i: (0, 0)),
        ],
        out_specs=pl.BlockSpec((_NC, blk, _H), lambda i: (0, i, 0)),
        out_shape=jax.ShapeDtypeStruct((_NC, _NP, _H), jnp.float32),
    )(h, parts, wt, scale, shift)


def kernel(x, edge_index, W1, b1, Wx, bx, W2, b2, bn_gamma, bn_beta):
    src = edge_index[0]
    dst = edge_index[1]
    e = src.shape[0]
    per_tile = e // _NS
    ch = -(-per_tile // _K)
    ch += ch % 2
    pad = ch * _K - per_tile
    src_t = src.reshape(_NS, per_tile)
    dst_t = dst.reshape(_NS, per_tile)
    src_t = jnp.pad(src_t, ((0, 0), (0, pad))).reshape(_NS, ch, _K)
    dst_t = jnp.pad(dst_t, ((0, 0), (0, pad)), constant_values=_N).reshape(
        _NS, ch, _K)
    src_t = jnp.stack([src_t, src_t + _NP])

    xp = jnp.pad(x, ((0, _NP - _N), (0, 0)))
    h = jnp.stack([xp[:, :_H], xp[:, _H:]])
    agg = _make_agg(ch)

    one = jnp.ones((1, _D), jnp.float32)
    bn_scale = (bn_gamma / jnp.sqrt(jnp.float32(1.0 + 1e-5))).reshape(1, _D)
    layers = [
        (W1.T, one, b1.reshape(1, _D), True),
        (Wx.T, one, bx.reshape(1, _D), True),
        (W2.T, bn_scale, (b2 * bn_scale[0] + bn_beta).reshape(1, _D), False),
    ]
    for wt, sc, sh, relu in layers:
        parts = agg(src_t, dst_t, h.reshape(_NC * _NP, _H))
        h = _mm(h, parts, wt, sc, sh, relu)
    return jnp.concatenate([h[0, :_N], h[1, :_N]], axis=1)

# --- scband reference (transcript-rebuilt; emitter-appended) ---
"""Pipeline reference for scband-gin-x-bn-77558519431976 (READ-ONLY COPY).

The authoritative reference and input builder live on the scoring server;
editing this copy changes nothing except your own understanding.
"""

import jax, jax.numpy as jnp
import numpy as np

N = 10000
E = 320000
D = 128


def setup_inputs(seed: int = 0) -> dict:
    key = jax.random.key(seed)
    ks = jax.random.split(key, 12)
    x = jax.random.normal(ks[0], (N, D), dtype=jnp.float32)
    edge_index = jax.random.randint(ks[1], (2, E), 0, N, dtype=jnp.int32)
    # Learned parameters: three GIN MLPs (single Linear each) and batch_norm2 affine params.
    W1 = jax.random.normal(ks[2], (D, D), dtype=jnp.float32) * 0.05
    b1 = jnp.zeros((D,), dtype=jnp.float32)
    Wx = jax.random.normal(ks[3], (D, D), dtype=jnp.float32) * 0.05
    bx = jnp.zeros((D,), dtype=jnp.float32)
    W2 = jax.random.normal(ks[4], (D, D), dtype=jnp.float32) * 0.05
    b2 = jnp.zeros((D,), dtype=jnp.float32)
    bn_gamma = jnp.ones((D,), dtype=jnp.float32)
    bn_beta = jnp.zeros((D,), dtype=jnp.float32)
    return {
        "x": x,
        "edge_index": edge_index,
        "W1": W1, "b1": b1,
        "Wx": Wx, "bx": bx,
        "W2": W2, "b2": b2,
        "bn_gamma": bn_gamma, "bn_beta": bn_beta,
    }


def _gin_conv(h, edge_index, W, b):
    # GINConv with eps=0: nn((1+eps)*x + sum_{j in N(i)} x_j)
    src = edge_index[0]
    dst = edge_index[1]
    agg = jnp.zeros_like(h).at[dst].add(h[src])
    return (h + agg) @ W.T + b


def reference(x, edge_index, W1, b1, Wx, bx, W2, b2, bn_gamma, bn_beta):
    # conv1 + relu
    h = jax.nn.relu(_gin_conv(x, edge_index, W1, b1))
    # one hidden convx layer (layer=3 -> layer-2=1); dropout is identity in eval mode
    h = jax.nn.relu(_gin_conv(h, edge_index, Wx, bx))
    # conv2
    h = _gin_conv(h, edge_index, W2, b2)
    # batch_norm2 in eval mode: running_mean=0, running_var=1, eps=1e-5
    h = (h - 0.0) / jnp.sqrt(1.0 + 1e-5) * bn_gamma + bn_beta
    # final dropout is identity in eval mode
    return h

if __name__ == "__main__":
    import jax
    _d = setup_inputs()
    print(jax.jit(kernel)(*tuple(_d.values())))

</pallas_src>

<mosaic_0001>
#map = affine_map<(d0, d1) -> (0, 0, 0, 0)>
#map1 = affine_map<(d0, d1) -> (0, 0, 0)>
#map2 = affine_map<(d0, d1) -> (0, 0)>
module attributes {stable_mosaic.version = 14 : i64} {
  func.func @_agg_body(%arg0: i32, %arg1: i32, %arg2: memref<2x16x158x128xi32, #tpu.memory_space<hbm>>, %arg3: memref<16x158x128xi32, #tpu.memory_space<hbm>>, %arg4: memref<20480x64xf32, #tpu.memory_space<hbm>>, %arg5: memref<2x10240x64xf32, #tpu.memory_space<hbm>>, %arg6: memref<158x128xi32, #tpu.memory_space<vmem>>, %arg7: memref<158x128xi32, #tpu.memory_space<vmem>>, %arg8: memref<128x64xf32, #tpu.memory_space<vmem>>, %arg9: memref<128x64xf32, #tpu.memory_space<vmem>>, %arg10: memref<128x64xf32, #tpu.memory_space<vmem>>, %arg11: memref<10240x64xf32, #tpu.memory_space<vmem_shared>>, %arg12: memref<!tpu.dma_semaphore, #tpu.memory_space<semaphore_mem>>, %arg13: memref<!tpu.dma_semaphore, #tpu.memory_space<semaphore_mem>>) attributes {dimension_semantics = [#tpu.dimension_semantics<core_parallel>, #tpu.dimension_semantics<subcore_parallel>], iteration_bounds = array<i64: 2, 16>, scalar_prefetch = 0 : i64, scratch_operands = 8 : i64, tpu.core_type = #tpu.core_type<sc_vector_subcore>, window_params = [{transform_indices = #map}, {transform_indices = #map1}, {transform_indices = #map2}, {transform_indices = #map1}]} {
    "tpu.region"() ({
      %run_scoped3A = tpu.sem_alloc : memref<!tpu.dma_semaphore, #tpu.memory_space<semaphore_mem>>
      %dma_start3A_63 = arith.constant 0 : i32
      %dma_start3A_64 = arith.constant 0 : i32
      %dma_start3A_65 = tpu.memref_slice %arg2[%arg0, %arg1, %dma_start3A_63, %dma_start3A_64] : memref<2x16x158x128xi32, #tpu.memory_space<hbm>> -> memref<1x1x158x128xi32, #tpu.memory_space<hbm>>
      %dma_start3A_66 = tpu.memref_squeeze %dma_start3A_65 : memref<1x1x158x128xi32, #tpu.memory_space<hbm>> -> memref<158x128xi32, #tpu.memory_space<hbm>>
      %dma_start3A_67 = arith.constant 0 : i32
      %dma_start3A_68 = arith.constant 0 : i32
      %dma_start3A_69 = tpu.memref_slice %arg2[%arg0, %arg1, %dma_start3A_67, %dma_start3A_68] : memref<2x16x158x128xi32, #tpu.memory_space<hbm>> -> memref<1x1x158x128xi32, #tpu.memory_space<hbm>>
      %dma_start3A_70 = tpu.memref_squeeze %dma_start3A_69 : memref<1x1x158x128xi32, #tpu.memory_space<hbm>> -> memref<158x128xi32, #tpu.memory_space<hbm>>
      tpu.enqueue_dma source(%dma_start3A_70 : memref<158x128xi32, #tpu.memory_space<hbm>>) target(%arg6 : memref<158x128xi32, #tpu.memory_space<vmem>>) target_semaphore(%run_scoped3A : memref<!tpu.dma_semaphore, #tpu.memory_space<semaphore_mem>>)
      %dma_wait3A = arith.constant 0 : i32
      %dma_wait3A_71 = arith.constant 0 : i32
      %dma_wait3A_72 = tpu.memref_slice %arg2[%arg0, %arg1, %dma_wait3A, %dma_wait3A_71] : memref<2x16x158x128xi32, #tpu.memory_space<hbm>> -> memref<1x1x158x128xi32, #tpu.memory_space<hbm>>
      %dma_wait3A_73 = tpu.memref_squeeze %dma_wait3A_72 : memref<1x1x158x128xi32, #tpu.memory_space<hbm>> -> memref<158x128xi32, #tpu.memory_space<hbm>>
      %dma_wait3A_74 = arith.constant 0 : i32
      %dma_wait3A_75 = arith.constant 0 : i32
      %dma_wait3A_76 = tpu.memref_slice %arg2[%arg0, %arg1, %dma_wait3A_74, %dma_wait3A_75] : memref<2x16x158x128xi32, #tpu.memory_space<hbm>> -> memref<1x1x158x128xi32, #tpu.memory_space<hbm>>
      %dma_wait3A_77 = tpu.memref_squeeze %dma_wait3A_76 : memref<1x1x158x128xi32, #tpu.memory_space<hbm>> -> memref<158x128xi32, #tpu.memory_space<hbm>>
      tpu.wait_dma2 semaphore(%run_scoped3A : memref<!tpu.dma_semaphore, #tpu.memory_space<semaphore_mem>>) src(%dma_wait3A_77 : memref<158x128xi32, #tpu.memory_space<hbm>>) dst(%arg6 : memref<158x128xi32, #tpu.memory_space<vmem>>)
      tpu.yield
    }) : () -> ()
    "tpu.region"() ({
      %run_scoped3A = tpu.sem_alloc : memref<!tpu.dma_semaphore, #tpu.memory_space<semaphore_mem>>
      %dma_start3A_63 = arith.constant 0 : i32
      %dma_start3A_64 = arith.constant 0 : i32
      %dma_start3A_65 = tpu.memref_slice %arg3[%arg1, %dma_start3A_63, %dma_start3A_64] : memref<16x158x128xi32, #tpu.memory_space<hbm>> -> memref<1x158x128xi32, #tpu.memory_space<hbm>>
      %dma_start3A_66 = tpu.memref_squeeze %dma_start3A_65 : memref<1x158x128xi32, #tpu.memory_space<hbm>> -> memref<158x128xi32, #tpu.memory_space<hbm>>
      %dma_start3A_67 = arith.constant 0 : i32
      %dma_start3A_68 = arith.constant 0 : i32
      %dma_start3A_69 = tpu.memref_slice %arg3[%arg1, %dma_start3A_67, %dma_start3A_68] : memref<16x158x128xi32, #tpu.memory_space<hbm>> -> memref<1x158x128xi32, #tpu.memory_space<hbm>>
      %dma_start3A_70 = tpu.memref_squeeze %dma_start3A_69 : memref<1x158x128xi32, #tpu.memory_space<hbm>> -> memref<158x128xi32, #tpu.memory_space<hbm>>
      tpu.enqueue_dma source(%dma_start3A_70 : memref<158x128xi32, #tpu.memory_space<hbm>>) target(%arg7 : memref<158x128xi32, #tpu.memory_space<vmem>>) target_semaphore(%run_scoped3A : memref<!tpu.dma_semaphore, #tpu.memory_space<semaphore_mem>>)
      %dma_wait3A = arith.constant 0 : i32
      %dma_wait3A_71 = arith.constant 0 : i32
      %dma_wait3A_72 = tpu.memref_slice %arg3[%arg1, %dma_wait3A, %dma_wait3A_71] : memref<16x158x128xi32, #tpu.memory_space<hbm>> -> memref<1x158x128xi32, #tpu.memory_space<hbm>>
      %dma_wait3A_73 = tpu.memref_squeeze %dma_wait3A_72 : memref<1x158x128xi32, #tpu.memory_space<hbm>> -> memref<158x128xi32, #tpu.memory_space<hbm>>
      %dma_wait3A_74 = arith.constant 0 : i32
      %dma_wait3A_75 = arith.constant 0 : i32
      %dma_wait3A_76 = tpu.memref_slice %arg3[%arg1, %dma_wait3A_74, %dma_wait3A_75] : memref<16x158x128xi32, #tpu.memory_space<hbm>> -> memref<1x158x128xi32, #tpu.memory_space<hbm>>
      %dma_wait3A_77 = tpu.memref_squeeze %dma_wait3A_76 : memref<1x158x128xi32, #tpu.memory_space<hbm>> -> memref<158x128xi32, #tpu.memory_space<hbm>>
      tpu.wait_dma2 semaphore(%run_scoped3A : memref<!tpu.dma_semaphore, #tpu.memory_space<semaphore_mem>>) src(%dma_wait3A_77 : memref<158x128xi32, #tpu.memory_space<hbm>>) dst(%arg7 : memref<158x128xi32, #tpu.memory_space<vmem>>)
      tpu.yield
    }) : () -> ()
    %scan3A = arith.constant 0 : i32
    %scan3A_0 = arith.constant 0 : i32
    %scan3A_1 = arith.constant 128 : i32
    %scan3A_2 = arith.addi %scan3A_0, %scan3A_1 : i32
    %scan3A_3 = arith.constant 1 : i32
    scf.for %scan3A_63 = %scan3A_0 to %scan3A_2 step %scan3A_3  : i32 {
      %broadcast_in_dim3A = arith.constant 0.000000e+00 : f32
      %broadcast_in_dim3A_64 = vector.broadcast %broadcast_in_dim3A : f32 to vector<16xf32>
      %swap3A = arith.index_cast %scan3A_63 : i32 to index
      %swap3A_65 = arith.constant 0 : index
      %swap3A_66 = tpu.vector_load %arg10[%swap3A, %swap3A_65] {strides = array<i32>} : memref<128x64xf32, #tpu.memory_space<vmem>>, vector<1x16xf32>,
      %swap3A_67 = vector.shape_cast %swap3A_66 : vector<1x16xf32> to vector<16xf32>
      %swap3A_68 = vector.shape_cast %broadcast_in_dim3A_64 : vector<16xf32> to vector<1x16xf32>
      tpu.vector_store %arg10[%swap3A, %swap3A_65], %swap3A_68 {strides = array<i32>} : memref<128x64xf32, #tpu.memory_space<vmem>>, vector<1x16xf32>,
      %broadcast_in_dim3A_69 = arith.constant 0.000000e+00 : f32
      %broadcast_in_dim3A_70 = vector.broadcast %broadcast_in_dim3A_69 : f32 to vector<16xf32>
      %swap3A_71 = arith.index_cast %scan3A_63 : i32 to index
      %swap3A_72 = arith.constant 16 : index
      %swap3A_73 = tpu.vector_load %arg10[%swap3A_71, %swap3A_72] {strides = array<i32>} : memref<128x64xf32, #tpu.memory_space<vmem>>, vector<1x16xf32>,
      %swap3A_74 = vector.shape_cast %swap3A_73 : vector<1x16xf32> to vector<16xf32>
      %swap3A_75 = vector.shape_cast %broadcast_in_dim3A_70 : vector<16xf32> to vector<1x16xf32>
      tpu.vector_store %arg10[%swap3A_71, %swap3A_72], %swap3A_75 {strides = array<i32>} : memref<128x64xf32, #tpu.memory_space<vmem>>, vector<1x16xf32>,
      %broadcast_in_dim3A_76 = arith.constant 0.000000e+00 : f32
      %broadcast_in_dim3A_77 = vector.broadcast %broadcast_in_dim3A_76 : f32 to vector<16xf32>
      %swap3A_78 = arith.index_cast %scan3A_63 : i32 to index
      %swap3A_79 = arith.constant 32 : index
      %swap3A_80 = tpu.vector_load %arg10[%swap3A_78, %swap3A_79] {strides = array<i32>} : memref<128x64xf32, #tpu.memory_space<vmem>>, vector<1x16xf32>,
      %swap3A_81 = vector.shape_cast %swap3A_80 : vector<1x16xf32> to vector<16xf32>
      %swap3A_82 = vector.shape_cast %broadcast_in_dim3A_77 : vector<16xf32> to vector<1x16xf32>
      tpu.vector_store %arg10[%swap3A_78, %swap3A_79], %swap3A_82 {strides = array<i32>} : memref<128x64xf32, #tpu.memory_space<vmem>>, vector<1x16xf32>,
      %broadcast_in_dim3A_83 = arith.constant 0.000000e+00 : f32
      %broadcast_in_dim3A_84 = vector.broadcast %broadcast_in_dim3A_83 : f32 to vector<16xf32>
      %swap3A_85 = arith.index_cast %scan3A_63 : i32 to index
      %swap3A_86 = arith.constant 48 : index
      %swap3A_87 = tpu.vector_load %arg10[%swap3A_85, %swap3A_86] {strides = array<i32>} : memref<128x64xf32, #tpu.memory_space<vmem>>, vector<1x16xf32>,
      %swap3A_88 = vector.shape_cast %swap3A_87 : vector<1x16xf32> to vector<16xf32>
      %swap3A_89 = vector.shape_cast %broadcast_in_dim3A_84 : vector<16xf32> to vector<1x16xf32>
      tpu.vector_store %arg10[%swap3A_85, %swap3A_86], %swap3A_89 {strides = array<i32>} : memref<128x64xf32, #tpu.memory_space<vmem>>, vector<1x16xf32>,
    }
    %scan3A_4 = arith.constant 128 : i32
    %mul3A = arith.constant 640 : i32
    %mul3A_5 = arith.muli %arg1, %mul3A : i32
    %add3A = arith.constant 0 : i32
    %add3A_6 = arith.addi %mul3A_5, %add3A : i32
    "tpu.region"() ({
      %run_scoped3A = tpu.sem_alloc : memref<!tpu.dma_semaphore, #tpu.memory_space<semaphore_mem>>
      %dma_start3A_63 = arith.constant 0 : i32
      %dma_start3A_64 = tpu.memref_slice %arg11[%add3A_6, %dma_start3A_63] : memref<10240x64xf32, #tpu.memory_space<vmem_shared>> -> memref<128x64xf32, #tpu.memory_space<vmem_shared>>
      %dma_start3A_65 = arith.constant 0 : i32
      %dma_start3A_66 = tpu.memref_slice %arg11[%add3A_6, %dma_start3A_65] : memref<10240x64xf32, #tpu.memory_space<vmem_shared>> -> memref<128x64xf32, #tpu.memory_space<vmem_shared>>
      tpu.enqueue_dma source(%arg10 : memref<128x64xf32, #tpu.memory_space<vmem>>) target(%dma_start3A_66 : memref<128x64xf32, #tpu.memory_space<vmem_shared>>) target_semaphore(%run_scoped3A : memref<!tpu.dma_semaphore, #tpu.memory_space<semaphore_mem>>)
      %dma_wait3A = arith.constant 0 : i32
      %dma_wait3A_67 = tpu.memref_slice %arg11[%add3A_6, %dma_wait3A] : memref<10240x64xf32, #tpu.memory_space<vmem_shared>> -> memref<128x64xf32, #tpu.memory_space<vmem_shared>>
      %dma_wait3A_68 = arith.constant 0 : i32
      %dma_wait3A_69 = tpu.memref_slice %arg11[%add3A_6, %dma_wait3A_68] : memref<10240x64xf32, #tpu.memory_space<vmem_shared>> -> memref<128x64xf32, #tpu.memory_space<vmem_shared>>
      tpu.wait_dma2 semaphore(%run_scoped3A : memref<!tpu.dma_semaphore, #tpu.memory_space<semaphore_mem>>) src(%arg10 : memref<128x64xf32, #tpu.memory_space<vmem>>) dst(%dma_wait3A_69 : memref<128x64xf32, #tpu.memory_space<vmem_shared>>)
      tpu.yield
    }) : () -> ()
    %mul3A_7 = arith.constant 640 : i32
    %mul3A_8 = arith.muli %arg1, %mul3A_7 : i32
    %add3A_9 = arith.constant 128 : i32
    %add3A_10 = arith.addi %mul3A_8, %add3A_9 : i32
    "tpu.region"() ({
      %run_scoped3A = tpu.sem_alloc : memref<!tpu.dma_semaphore, #tpu.memory_space<semaphore_mem>>
      %dma_start3A_63 = arith.constant 0 : i32
      %dma_start3A_64 = tpu.memref_slice %arg11[%add3A_10, %dma_start3A_63] : memref<10240x64xf32, #tpu.memory_space<vmem_shared>> -> memref<128x64xf32, #tpu.memory_space<vmem_shared>>
      %dma_start3A_65 = arith.constant 0 : i32
      %dma_start3A_66 = tpu.memref_slice %arg11[%add3A_10, %dma_start3A_65] : memref<10240x64xf32, #tpu.memory_space<vmem_shared>> -> memref<128x64xf32, #tpu.memory_space<vmem_shared>>
      tpu.enqueue_dma source(%arg10 : memref<128x64xf32, #tpu.memory_space<vmem>>) target(%dma_start3A_66 : memref<128x64xf32, #tpu.memory_space<vmem_shared>>) target_semaphore(%run_scoped3A : memref<!tpu.dma_semaphore, #tpu.memory_space<semaphore_mem>>)
      %dma_wait3A = arith.constant 0 : i32
      %dma_wait3A_67 = tpu.memref_slice %arg11[%add3A_10, %dma_wait3A] : memref<10240x64xf32, #tpu.memory_space<vmem_shared>> -> memref<128x64xf32, #tpu.memory_space<vmem_shared>>
      %dma_wait3A_68 = arith.constant 0 : i32
      %dma_wait3A_69 = tpu.memref_slice %arg11[%add3A_10, %dma_wait3A_68] : memref<10240x64xf32, #tpu.memory_space<vmem_shared>> -> memref<128x64xf32, #tpu.memory_space<vmem_shared>>
      tpu.wait_dma2 semaphore(%run_scoped3A : memref<!tpu.dma_semaphore, #tpu.memory_space<semaphore_mem>>) src(%arg10 : memref<128x64xf32, #tpu.memory_space<vmem>>) dst(%dma_wait3A_69 : memref<128x64xf32, #tpu.memory_space<vmem_shared>>)
      tpu.yield
    }) : () -> ()
    %mul3A_11 = arith.constant 640 : i32
    %mul3A_12 = arith.muli %arg1, %mul3A_11 : i32
    %add3A_13 = arith.constant 256 : i32
    %add3A_14 = arith.addi %mul3A_12, %add3A_13 : i32
    "tpu.region"() ({
      %run_scoped3A = tpu.sem_alloc : memref<!tpu.dma_semaphore, #tpu.memory_space<semaphore_mem>>
      %dma_start3A_63 = arith.constant 0 : i32
      %dma_start3A_64 = tpu.memref_slice %arg11[%add3A_14, %dma_start3A_63] : memref<10240x64xf32, #tpu.memory_space<vmem_shared>> -> memref<128x64xf32, #tpu.memory_space<vmem_shared>>
      %dma_start3A_65 = arith.constant 0 : i32
      %dma_start3A_66 = tpu.memref_slice %arg11[%add3A_14, %dma_start3A_65] : memref<10240x64xf32, #tpu.memory_space<vmem_shared>> -> memref<128x64xf32, #tpu.memory_space<vmem_shared>>
      tpu.enqueue_dma source(%arg10 : memref<128x64xf32, #tpu.memory_space<vmem>>) target(%dma_start3A_66 : memref<128x64xf32, #tpu.memory_space<vmem_shared>>) target_semaphore(%run_scoped3A : memref<!tpu.dma_semaphore, #tpu.memory_space<semaphore_mem>>)
      %dma_wait3A = arith.constant 0 : i32
      %dma_wait3A_67 = tpu.memref_slice %arg11[%add3A_14, %dma_wait3A] : memref<10240x64xf32, #tpu.memory_space<vmem_shared>> -> memref<128x64xf32, #tpu.memory_space<vmem_shared>>
      %dma_wait3A_68 = arith.constant 0 : i32
      %dma_wait3A_69 = tpu.memref_slice %arg11[%add3A_14, %dma_wait3A_68] : memref<10240x64xf32, #tpu.memory_space<vmem_shared>> -> memref<128x64xf32, #tpu.memory_space<vmem_shared>>
      tpu.wait_dma2 semaphore(%run_scoped3A : memref<!tpu.dma_semaphore, #tpu.memory_space<semaphore_mem>>) src(%arg10 : memref<128x64xf32, #tpu.memory_space<vmem>>) dst(%dma_wait3A_69 : memref<128x64xf32, #tpu.memory_space<vmem_shared>>)
      tpu.yield
    }) : () -> ()
    %mul3A_15 = arith.constant 640 : i32
    %mul3A_16 = arith.muli %arg1, %mul3A_15 : i32
    %add3A_17 = arith.constant 384 : i32
    %add3A_18 = arith.addi %mul3A_16, %add3A_17 : i32
    "tpu.region"() ({
      %run_scoped3A = tpu.sem_alloc : memref<!tpu.dma_semaphore, #tpu.memory_space<semaphore_mem>>
      %dma_start3A_63 = arith.constant 0 : i32
      %dma_start3A_64 = tpu.memref_slice %arg11[%add3A_18, %dma_start3A_63] : memref<10240x64xf32, #tpu.memory_space<vmem_shared>> -> memref<128x64xf32, #tpu.memory_space<vmem_shared>>
      %dma_start3A_65 = arith.constant 0 : i32
      %dma_start3A_66 = tpu.memref_slice %arg11[%add3A_18, %dma_start3A_65] : memref<10240x64xf32, #tpu.memory_space<vmem_shared>> -> memref<128x64xf32, #tpu.memory_space<vmem_shared>>
      tpu.enqueue_dma source(%arg10 : memref<128x64xf32, #tpu.memory_space<vmem>>) target(%dma_start3A_66 : memref<128x64xf32, #tpu.memory_space<vmem_shared>>) target_semaphore(%run_scoped3A : memref<!tpu.dma_semaphore, #tpu.memory_space<semaphore_mem>>)
      %dma_wait3A = arith.constant 0 : i32
      %dma_wait3A_67 = tpu.memref_slice %arg11[%add3A_18, %dma_wait3A] : memref<10240x64xf32, #tpu.memory_space<vmem_shared>> -> memref<128x64xf32, #tpu.memory_space<vmem_shared>>
      %dma_wait3A_68 = arith.constant 0 : i32
      %dma_wait3A_69 = tpu.memref_slice %arg11[%add3A_18, %dma_wait3A_68] : memref<10240x64xf32, #tpu.memory_space<vmem_shared>> -> memref<128x64xf32, #tpu.memory_space<vmem_shared>>
      tpu.wait_dma2 semaphore(%run_scoped3A : memref<!tpu.dma_semaphore, #tpu.memory_space<semaphore_mem>>) src(%arg10 : memref<128x64xf32, #tpu.memory_space<vmem>>) dst(%dma_wait3A_69 : memref<128x64xf32, #tpu.memory_space<vmem_shared>>)
      tpu.yield
    }) : () -> ()
    %mul3A_19 = arith.constant 640 : i32
    %mul3A_20 = arith.muli %arg1, %mul3A_19 : i32
    %add3A_21 = arith.constant 512 : i32
    %add3A_22 = arith.addi %mul3A_20, %add3A_21 : i32
    "tpu.region"() ({
      %run_scoped3A = tpu.sem_alloc : memref<!tpu.dma_semaphore, #tpu.memory_space<semaphore_mem>>
      %dma_start3A_63 = arith.constant 0 : i32
      %dma_start3A_64 = tpu.memref_slice %arg11[%add3A_22, %dma_start3A_63] : memref<10240x64xf32, #tpu.memory_space<vmem_shared>> -> memref<128x64xf32, #tpu.memory_space<vmem_shared>>
      %dma_start3A_65 = arith.constant 0 : i32
      %dma_start3A_66 = tpu.memref_slice %arg11[%add3A_22, %dma_start3A_65] : memref<10240x64xf32, #tpu.memory_space<vmem_shared>> -> memref<128x64xf32, #tpu.memory_space<vmem_shared>>
      tpu.enqueue_dma source(%arg10 : memref<128x64xf32, #tpu.memory_space<vmem>>) target(%dma_start3A_66 : memref<128x64xf32, #tpu.memory_space<vmem_shared>>) target_semaphore(%run_scoped3A : memref<!tpu.dma_semaphore, #tpu.memory_space<semaphore_mem>>)
      %dma_wait3A = arith.constant 0 : i32
      %dma_wait3A_67 = tpu.memref_slice %arg11[%add3A_22, %dma_wait3A] : memref<10240x64xf32, #tpu.memory_space<vmem_shared>> -> memref<128x64xf32, #tpu.memory_space<vmem_shared>>
      %dma_wait3A_68 = arith.constant 0 : i32
      %dma_wait3A_69 = tpu.memref_slice %arg11[%add3A_22, %dma_wait3A_68] : memref<10240x64xf32, #tpu.memory_space<vmem_shared>> -> memref<128x64xf32, #tpu.memory_space<vmem_shared>>
      tpu.wait_dma2 semaphore(%run_scoped3A : memref<!tpu.dma_semaphore, #tpu.memory_space<semaphore_mem>>) src(%arg10 : memref<128x64xf32, #tpu.memory_space<vmem>>) dst(%dma_wait3A_69 : memref<128x64xf32, #tpu.memory_space<vmem_shared>>)
      tpu.yield
    }) : () -> ()
    %barrier3A = arith.constant 0 : index
    tpu.barrier barrier_id(%barrier3A)
    %dma_start3A = arith.constant 0 : i32
    %dma_start3A_23 = arith.constant 0 : i32
    %dma_start3A_24 = tpu.memref_slice %arg6[%dma_start3A, %dma_start3A_23] : memref<158x128xi32, #tpu.memory_space<vmem>> -> memref<1x128xi32, #tpu.memory_space<vmem>>
    %dma_start3A_25 = tpu.memref_squeeze %dma_start3A_24 : memref<1x128xi32, #tpu.memory_space<vmem>> -> memref<128xi32, #tpu.memory_space<vmem>>
    %dma_start3A_26 = arith.constant 0 : i32
    %dma_start3A_27 = arith.constant 0 : i32
    %dma_start3A_28 = tpu.memref_slice %arg4[%dma_start3A_26, %dma_start3A_27] : memref<20480x64xf32, #tpu.memory_space<hbm>> -> memref<20480x64xf32, #tpu.memory_space<hbm>>
    tpu.enqueue_indirect_dma source(%dma_start3A_28 : memref<20480x64xf32, #tpu.memory_space<hbm>>) target(%arg8 : memref<128x64xf32, #tpu.memory_space<vmem>>) offsets(%dma_start3A_25 : memref<128xi32, #tpu.memory_space<vmem>>) semaphore(%arg12 : memref<!tpu.dma_semaphore, #tpu.memory_space<semaphore_mem>>)
    %dma_start3A_29 = arith.constant 1 : i32
    %dma_start3A_30 = arith.constant 0 : i32
    %dma_start3A_31 = tpu.memref_slice %arg6[%dma_start3A_29, %dma_start3A_30] : memref<158x128xi32, #tpu.memory_space<vmem>> -> memref<1x128xi32, #tpu.memory_space<vmem>>
    %dma_start3A_32 = tpu.memref_squeeze %dma_start3A_31 : memref<1x128xi32, #tpu.memory_space<vmem>> -> memref<128xi32, #tpu.memory_space<vmem>>
    %dma_start3A_33 = arith.constant 0 : i32
    %dma_start3A_34 = arith.constant 0 : i32
    %dma_start3A_35 = tpu.memref_slice %arg4[%dma_start3A_33, %dma_start3A_34] : memref<20480x64xf32, #tpu.memory_space<hbm>> -> memref<20480x64xf32, #tpu.memory_space<hbm>>
    tpu.enqueue_indirect_dma source(%dma_start3A_35 : memref<20480x64xf32, #tpu.memory_space<hbm>>) target(%arg9 : memref<128x64xf32, #tpu.memory_space<vmem>>) offsets(%dma_start3A_32 : memref<128xi32, #tpu.memory_space<vmem>>) semaphore(%arg13 : memref<!tpu.dma_semaphore, #tpu.memory_space<semaphore_mem>>)
    %scan3A_36 = arith.constant 0 : i32
    %scan3A_37 = arith.constant 0 : i32
    %scan3A_38 = arith.constant 79 : i32
    %scan3A_39 = arith.addi %scan3A_37, %scan3A_38 : i32
    %scan3A_40 = arith.constant 1 : i32
    scf.for %scan3A_63 = %scan3A_37 to %scan3A_39 step %scan3A_40  : i32 {
      %mul3A_64 = arith.constant 2 : i32
      %mul3A_65 = arith.muli %scan3A_63, %mul3A_64 : i32
      %add3A_66 = arith.constant 0 : i32
      %add3A_67 = arith.addi %mul3A_65, %add3A_66 : i32
      %dma_wait3A = arith.constant 0 : i32
      %dma_wait3A_68 = tpu.memref_slice %arg6[%add3A_67, %dma_wait3A] : memref<158x128xi32, #tpu.memory_space<vmem>> -> memref<1x128xi32, #tpu.memory_space<vmem>>
      %dma_wait3A_69 = tpu.memref_squeeze %dma_wait3A_68 : memref<1x128xi32, #tpu.memory_space<vmem>> -> memref<128xi32, #tpu.memory_space<vmem>>
      %dma_wait3A_70 = arith.constant 0 : i32
      %dma_wait3A_71 = arith.constant 0 : i32
      %dma_wait3A_72 = tpu.memref_slice %arg4[%dma_wait3A_70, %dma_wait3A_71] : memref<20480x64xf32, #tpu.memory_space<hbm>> -> memref<20480x64xf32, #tpu.memory_space<hbm>>
      tpu.wait_indirect_dma semaphore(%arg12 : memref<!tpu.dma_semaphore, #tpu.memory_space<semaphore_mem>>) src(%dma_wait3A_72 : memref<20480x64xf32, #tpu.memory_space<hbm>>) dst(%arg8 : memref<128x64xf32, #tpu.memory_space<vmem>>)
      "tpu.region"() ({
        %run_scoped3A = tpu.sem_alloc : memref<!tpu.dma_semaphore, #tpu.memory_space<semaphore_mem>>
        %dma_start3A_94 = arith.constant 0 : i32
        %dma_start3A_95 = tpu.memref_slice %arg7[%add3A_67, %dma_start3A_94] : memref<158x128xi32, #tpu.memory_space<vmem>> -> memref<1x128xi32, #tpu.memory_space<vmem>>
        %dma_start3A_96 = tpu.memref_squeeze %dma_start3A_95 : memref<1x128xi32, #tpu.memory_space<vmem>> -> memref<128xi32, #tpu.memory_space<vmem>>
        %dma_start3A_97 = arith.constant 0 : i32
        %dma_start3A_98 = arith.constant 0 : i32
        %dma_start3A_99 = tpu.memref_slice %arg11[%dma_start3A_97, %dma_start3A_98] : memref<10240x64xf32, #tpu.memory_space<vmem_shared>> -> memref<10240x64xf32, #tpu.memory_space<vmem_shared>>
        tpu.enqueue_indirect_dma source(%arg8 : memref<128x64xf32, #tpu.memory_space<vmem>>) target(%dma_start3A_99 : memref<10240x64xf32, #tpu.memory_space<vmem_shared>>) offsets(%dma_start3A_96 : memref<128xi32, #tpu.memory_space<vmem>>) semaphore(%run_scoped3A : memref<!tpu.dma_semaphore, #tpu.memory_space<semaphore_mem>>) {add = true}
        %dma_wait3A_100 = arith.constant 0 : i32
        %dma_wait3A_101 = tpu.memref_slice %arg7[%add3A_67, %dma_wait3A_100] : memref<158x128xi32, #tpu.memory_space<vmem>> -> memref<1x128xi32, #tpu.memory_space<vmem>>
        %dma_wait3A_102 = tpu.memref_squeeze %dma_wait3A_101 : memref<1x128xi32, #tpu.memory_space<vmem>> -> memref<128xi32, #tpu.memory_space<vmem>>
        %dma_wait3A_103 = arith.constant 0 : i32
        %dma_wait3A_104 = arith.constant 0 : i32
        %dma_wait3A_105 = tpu.memref_slice %arg11[%dma_wait3A_103, %dma_wait3A_104] : memref<10240x64xf32, #tpu.memory_space<vmem_shared>> -> memref<10240x64xf32, #tpu.memory_space<vmem_shared>>
        tpu.wait_indirect_dma semaphore(%run_scoped3A : memref<!tpu.dma_semaphore, #tpu.memory_space<semaphore_mem>>) src(%arg8 : memref<128x64xf32, #tpu.memory_space<vmem>>) dst(%dma_wait3A_105 : memref<10240x64xf32, #tpu.memory_space<vmem_shared>>)
        tpu.yield
      }) : () -> ()
      %add3A_73 = arith.constant 2 : i32
      %add3A_74 = arith.addi %add3A_67, %add3A_73 : i32
      %lt3A = arith.constant 158 : i32
      %lt3A_75 = arith.cmpi slt, %add3A_74, %lt3A : i32
      %convert_element_type3A = arith.extui %lt3A_75 : i1 to i32
      %cond3A = arith.constant 0 : i32
      %cond3A_76 = arith.cmpi ne, %convert_element_type3A, %cond3A : i32
      scf.if %cond3A_76 {
        %add3A_94 = arith.constant 2 : i32
        %add3A_95 = arith.addi %add3A_67, %add3A_94 : i32
        %dma_start3A_96 = arith.constant 0 : i32
        %dma_start3A_97 = tpu.memref_slice %arg6[%add3A_95, %dma_start3A_96] : memref<158x128xi32, #tpu.memory_space<vmem>> -> memref<1x128xi32, #tpu.memory_space<vmem>>
        %dma_start3A_98 = tpu.memref_squeeze %dma_start3A_97 : memref<1x128xi32, #tpu.memory_space<vmem>> -> memref<128xi32, #tpu.memory_space<vmem>>
        %dma_start3A_99 = arith.constant 0 : i32
        %dma_start3A_100 = arith.constant 0 : i32
        %dma_start3A_101 = tpu.memref_slice %arg4[%dma_start3A_99, %dma_start3A_100] : memref<20480x64xf32, #tpu.memory_space<hbm>> -> memref<20480x64xf32, #tpu.memory_space<hbm>>
        tpu.enqueue_indirect_dma source(%dma_start3A_101 : memref<20480x64xf32, #tpu.memory_space<hbm>>) target(%arg8 : memref<128x64xf32, #tpu.memory_space<vmem>>) offsets(%dma_start3A_98 : memref<128xi32, #tpu.memory_space<vmem>>) semaphore(%arg12 : memref<!tpu.dma_semaphore, #tpu.memory_space<semaphore_mem>>)
      } else {
      }
      %mul3A_77 = arith.constant 2 : i32
      %mul3A_78 = arith.muli %scan3A_63, %mul3A_77 : i32
      %add3A_79 = arith.constant 1 : i32
      %add3A_80 = arith.addi %mul3A_78, %add3A_79 : i32
      %dma_wait3A_81 = arith.constant 0 : i32
      %dma_wait3A_82 = tpu.memref_slice %arg6[%add3A_80, %dma_wait3A_81] : memref<158x128xi32, #tpu.memory_space<vmem>> -> memref<1x128xi32, #tpu.memory_space<vmem>>
      %dma_wait3A_83 = tpu.memref_squeeze %dma_wait3A_82 : memref<1x128xi32, #tpu.memory_space<vmem>> -> memref<128xi32, #tpu.memory_space<vmem>>
      %dma_wait3A_84 = arith.constant 0 : i32
      %dma_wait3A_85 = arith.constant 0 : i32
      %dma_wait3A_86 = tpu.memref_slice %arg4[%dma_wait3A_84, %dma_wait3A_85] : memref<20480x64xf32, #tpu.memory_space<hbm>> -> memref<20480x64xf32, #tpu.memory_space<hbm>>
      tpu.wait_indirect_dma semaphore(%arg13 : memref<!tpu.dma_semaphore, #tpu.memory_space<semaphore_mem>>) src(%dma_wait3A_86 : memref<20480x64xf32, #tpu.memory_space<hbm>>) dst(%arg9 : memref<128x64xf32, #tpu.memory_space<vmem>>)
      "tpu.region"() ({
        %run_scoped3A = tpu.sem_alloc : memref<!tpu.dma_semaphore, #tpu.memory_space<semaphore_mem>>
        %dma_start3A_94 = arith.constant 0 : i32
        %dma_start3A_95 = tpu.memref_slice %arg7[%add3A_80, %dma_start3A_94] : memref<158x128xi32, #tpu.memory_space<vmem>> -> memref<1x128xi32, #tpu.memory_space<vmem>>
        %dma_start3A_96 = tpu.memref_squeeze %dma_start3A_95 : memref<1x128xi32, #tpu.memory_space<vmem>> -> memref<128xi32, #tpu.memory_space<vmem>>
        %dma_start3A_97 = arith.constant 0 : i32
        %dma_start3A_98 = arith.constant 0 : i32
        %dma_start3A_99 = tpu.memref_slice %arg11[%dma_start3A_97, %dma_start3A_98] : memref<10240x64xf32, #tpu.memory_space<vmem_shared>> -> memref<10240x64xf32, #tpu.memory_space<vmem_shared>>
        tpu.enqueue_indirect_dma source(%arg9 : memref<128x64xf32, #tpu.memory_space<vmem>>) target(%dma_start3A_99 : memref<10240x64xf32, #tpu.memory_space<vmem_shared>>) offsets(%dma_start3A_96 : memref<128xi32, #tpu.memory_space<vmem>>) semaphore(%run_scoped3A : memref<!tpu.dma_semaphore, #tpu.memory_space<semaphore_mem>>) {add = true}
        %dma_wait3A_100 = arith.constant 0 : i32
        %dma_wait3A_101 = tpu.memref_slice %arg7[%add3A_80, %dma_wait3A_100] : memref<158x128xi32, #tpu.memory_space<vmem>> -> memref<1x128xi32, #tpu.memory_space<vmem>>
        %dma_wait3A_102 = tpu.memref_squeeze %dma_wait3A_101 : memref<1x128xi32, #tpu.memory_space<vmem>> -> memref<128xi32, #tpu.memory_space<vmem>>
        %dma_wait3A_103 = arith.constant 0 : i32
        %dma_wait3A_104 = arith.constant 0 : i32
        %dma_wait3A_105 = tpu.memref_slice %arg11[%dma_wait3A_103, %dma_wait3A_104] : memref<10240x64xf32, #tpu.memory_space<vmem_shared>> -> memref<10240x64xf32, #tpu.memory_space<vmem_shared>>
        tpu.wait_indirect_dma semaphore(%run_scoped3A : memref<!tpu.dma_semaphore, #tpu.memory_space<semaphore_mem>>) src(%arg9 : memref<128x64xf32, #tpu.memory_space<vmem>>) dst(%dma_wait3A_105 : memref<10240x64xf32, #tpu.memory_space<vmem_shared>>)
        tpu.yield
      }) : () -> ()
      %add3A_87 = arith.constant 2 : i32
      %add3A_88 = arith.addi %add3A_80, %add3A_87 : i32
      %lt3A_89 = arith.constant 158 : i32
      %lt3A_90 = arith.cmpi slt, %add3A_88, %lt3A_89 : i32
      %convert_element_type3A_91 = arith.extui %lt3A_90 : i1 to i32
      %cond3A_92 = arith.constant 0 : i32
      %cond3A_93 = arith.cmpi ne, %convert_element_type3A_91, %cond3A_92 : i32
      scf.if %cond3A_93 {
        %add3A_94 = arith.constant 2 : i32
        %add3A_95 = arith.addi %add3A_80, %add3A_94 : i32
        %dma_start3A_96 = arith.constant 0 : i32
        %dma_start3A_97 = tpu.memref_slice %arg6[%add3A_95, %dma_start3A_96] : memref<158x128xi32, #tpu.memory_space<vmem>> -> memref<1x128xi32, #tpu.memory_space<vmem>>
        %dma_start3A_98 = tpu.memref_squeeze %dma_start3A_97 : memref<1x128xi32, #tpu.memory_space<vmem>> -> memref<128xi32, #tpu.memory_space<vmem>>
        %dma_start3A_99 = arith.constant 0 : i32
        %dma_start3A_100 = arith.constant 0 : i32
        %dma_start3A_101 = tpu.memref_slice %arg4[%dma_start3A_99, %dma_start3A_100] : memref<20480x64xf32, #tpu.memory_space<hbm>> -> memref<20480x64xf32, #tpu.memory_space<hbm>>
        tpu.enqueue_indirect_dma source(%dma_start3A_101 : memref<20480x64xf32, #tpu.memory_space<hbm>>) target(%arg9 : memref<128x64xf32, #tpu.memory_space<vmem>>) offsets(%dma_start3A_98 : memref<128xi32, #tpu.memory_space<vmem>>) semaphore(%arg13 : memref<!tpu.dma_semaphore, #tpu.memory_space<semaphore_mem>>)
      } else {
      }
    }
    %scan3A_41 = arith.constant 79 : i32
    %barrier3A_42 = arith.constant 0 : index
    tpu.barrier barrier_id(%barrier3A_42)
    %mul3A_43 = arith.constant 640 : i32
    %mul3A_44 = arith.muli %arg1, %mul3A_43 : i32
    %add3A_45 = arith.constant 0 : i32
    %add3A_46 = arith.addi %mul3A_44, %add3A_45 : i32
    "tpu.region"() ({
      %run_scoped3A = tpu.sem_alloc : memref<!tpu.dma_semaphore, #tpu.memory_space<semaphore_mem>>
      %dma_start3A_63 = arith.constant 0 : i32
      %dma_start3A_64 = tpu.memref_slice %arg11[%add3A_46, %dma_start3A_63] : memref<10240x64xf32, #tpu.memory_space<vmem_shared>> -> memref<128x64xf32, #tpu.memory_space<vmem_shared>>
      %dma_start3A_65 = arith.constant 0 : i32
      %dma_start3A_66 = tpu.memref_slice %arg11[%add3A_46, %dma_start3A_65] : memref<10240x64xf32, #tpu.memory_space<vmem_shared>> -> memref<128x64xf32, #tpu.memory_space<vmem_shared>>
      tpu.enqueue_dma source(%dma_start3A_66 : memref<128x64xf32, #tpu.memory_space<vmem_shared>>) target(%arg8 : memref<128x64xf32, #tpu.memory_space<vmem>>) target_semaphore(%run_scoped3A : memref<!tpu.dma_semaphore, #tpu.memory_space<semaphore_mem>>)
      %dma_wait3A = arith.constant 0 : i32
      %dma_wait3A_67 = tpu.memref_slice %arg11[%add3A_46, %dma_wait3A] : memref<10240x64xf32, #tpu.memory_space<vmem_shared>> -> memref<128x64xf32, #tpu.memory_space<vmem_shared>>
      %dma_wait3A_68 = arith.constant 0 : i32
      %dma_wait3A_69 = tpu.memref_slice %arg11[%add3A_46, %dma_wait3A_68] : memref<10240x64xf32, #tpu.memory_space<vmem_shared>> -> memref<128x64xf32, #tpu.memory_space<vmem_shared>>
      tpu.wait_dma2 semaphore(%run_scoped3A : memref<!tpu.dma_semaphore, #tpu.memory_space<semaphore_mem>>) src(%dma_wait3A_69 : memref<128x64xf32, #tpu.memory_space<vmem_shared>>) dst(%arg8 : memref<128x64xf32, #tpu.memory_space<vmem>>)
      tpu.yield
    }) : () -> ()
    "tpu.region"() ({
      %run_scoped3A = tpu.sem_alloc : memref<!tpu.dma_semaphore, #tpu.memory_space<semaphore_mem>>
      %dma_start3A_63 = arith.constant 0 : i32
      %dma_start3A_64 = tpu.memref_slice %arg5[%arg0, %add3A_46, %dma_start3A_63] : memref<2x10240x64xf32, #tpu.memory_space<hbm>> -> memref<1x128x64xf32, #tpu.memory_space<hbm>>
      %dma_start3A_65 = tpu.memref_squeeze %dma_start3A_64 : memref<1x128x64xf32, #tpu.memory_space<hbm>> -> memref<128x64xf32, #tpu.memory_space<hbm>>
      %dma_start3A_66 = arith.constant 0 : i32
      %dma_start3A_67 = tpu.memref_slice %arg5[%arg0, %add3A_46, %dma_start3A_66] : memref<2x10240x64xf32, #tpu.memory_space<hbm>> -> memref<1x128x64xf32, #tpu.memory_space<hbm>>
      %dma_start3A_68 = tpu.memref_squeeze %dma_start3A_67 : memref<1x128x64xf32, #tpu.memory_space<hbm>> -> memref<128x64xf32, #tpu.memory_space<hbm>>
      tpu.enqueue_dma source(%arg8 : memref<128x64xf32, #tpu.memory_space<vmem>>) target(%dma_start3A_68 : memref<128x64xf32, #tpu.memory_space<hbm>>) target_semaphore(%run_scoped3A : memref<!tpu.dma_semaphore, #tpu.memory_space<semaphore_mem>>)
      %dma_wait3A = arith.constant 0 : i32
      %dma_wait3A_69 = tpu.memref_slice %arg5[%arg0, %add3A_46, %dma_wait3A] : memref<2x10240x64xf32, #tpu.memory_space<hbm>> -> memref<1x128x64xf32, #tpu.memory_space<hbm>>
      %dma_wait3A_70 = tpu.memref_squeeze %dma_wait3A_69 : memref<1x128x64xf32, #tpu.memory_space<hbm>> -> memref<128x64xf32, #tpu.memory_space<hbm>>
      %dma_wait3A_71 = arith.constant 0 : i32
      %dma_wait3A_72 = tpu.memref_slice %arg5[%arg0, %add3A_46, %dma_wait3A_71] : memref<2x10240x64xf32, #tpu.memory_space<hbm>> -> memref<1x128x64xf32, #tpu.memory_space<hbm>>
      %dma_wait3A_73 = tpu.memref_squeeze %dma_wait3A_72 : memref<1x128x64xf32, #tpu.memory_space<hbm>> -> memref<128x64xf32, #tpu.memory_space<hbm>>
      tpu.wait_dma2 semaphore(%run_scoped3A : memref<!tpu.dma_semaphore, #tpu.memory_space<semaphore_mem>>) src(%arg8 : memref<128x64xf32, #tpu.memory_space<vmem>>) dst(%dma_wait3A_73 : memref<128x64xf32, #tpu.memory_space<hbm>>)
      tpu.yield
    }) : () -> ()
    %mul3A_47 = arith.constant 640 : i32
    %mul3A_48 = arith.muli %arg1, %mul3A_47 : i32
    %add3A_49 = arith.constant 128 : i32
    %add3A_50 = arith.addi %mul3A_48, %add3A_49 : i32
    "tpu.region"() ({
      %run_scoped3A = tpu.sem_alloc : memref<!tpu.dma_semaphore, #tpu.memory_space<semaphore_mem>>
      %dma_start3A_63 = arith.constant 0 : i32
      %dma_start3A_64 = tpu.memref_slice %arg11[%add3A_50, %dma_start3A_63] : memref<10240x64xf32, #tpu.memory_space<vmem_shared>> -> memref<128x64xf32, #tpu.memory_space<vmem_shared>>
      %dma_start3A_65 = arith.constant 0 : i32
      %dma_start3A_66 = tpu.memref_slice %arg11[%add3A_50, %dma_start3A_65] : memref<10240x64xf32, #tpu.memory_space<vmem_shared>> -> memref<128x64xf32, #tpu.memory_space<vmem_shared>>
      tpu.enqueue_dma source(%dma_start3A_66 : memref<128x64xf32, #tpu.memory_space<vmem_shared>>) target(%arg8 : memref<128x64xf32, #tpu.memory_space<vmem>>) target_semaphore(%run_scoped3A : memref<!tpu.dma_semaphore, #tpu.memory_space<semaphore_mem>>)
      %dma_wait3A = arith.constant 0 : i32
      %dma_wait3A_67 = tpu.memref_slice %arg11[%add3A_50, %dma_wait3A] : memref<10240x64xf32, #tpu.memory_space<vmem_shared>> -> memref<128x64xf32, #tpu.memory_space<vmem_shared>>
      %dma_wait3A_68 = arith.constant 0 : i32
      %dma_wait3A_69 = tpu.memref_slice %arg11[%add3A_50, %dma_wait3A_68] : memref<10240x64xf32, #tpu.memory_space<vmem_shared>> -> memref<128x64xf32, #tpu.memory_space<vmem_shared>>
      tpu.wait_dma2 semaphore(%run_scoped3A : memref<!tpu.dma_semaphore, #tpu.memory_space<semaphore_mem>>) src(%dma_wait3A_69 : memref<128x64xf32, #tpu.memory_space<vmem_shared>>) dst(%arg8 : memref<128x64xf32, #tpu.memory_space<vmem>>)
      tpu.yield
    }) : () -> ()
    "tpu.region"() ({
      %run_scoped3A = tpu.sem_alloc : memref<!tpu.dma_semaphore, #tpu.memory_space<semaphore_mem>>
      %dma_start3A_63 = arith.constant 0 : i32
      %dma_start3A_64 = tpu.memref_slice %arg5[%arg0, %add3A_50, %dma_start3A_63] : memref<2x10240x64xf32, #tpu.memory_space<hbm>> -> memref<1x128x64xf32, #tpu.memory_space<hbm>>
      %dma_start3A_65 = tpu.memref_squeeze %dma_start3A_64 : memref<1x128x64xf32, #tpu.memory_space<hbm>> -> memref<128x64xf32, #tpu.memory_space<hbm>>
      %dma_start3A_66 = arith.constant 0 : i32
      %dma_start3A_67 = tpu.memref_slice %arg5[%arg0, %add3A_50, %dma_start3A_66] : memref<2x10240x64xf32, #tpu.memory_space<hbm>> -> memref<1x128x64xf32, #tpu.memory_space<hbm>>
      %dma_start3A_68 = tpu.memref_squeeze %dma_start3A_67 : memref<1x128x64xf32, #tpu.memory_space<hbm>> -> memref<128x64xf32, #tpu.memory_space<hbm>>
      tpu.enqueue_dma source(%arg8 : memref<128x64xf32, #tpu.memory_space<vmem>>) target(%dma_start3A_68 : memref<128x64xf32, #tpu.memory_space<hbm>>) target_semaphore(%run_scoped3A : memref<!tpu.dma_semaphore, #tpu.memory_space<semaphore_mem>>)
      %dma_wait3A = arith.constant 0 : i32
      %dma_wait3A_69 = tpu.memref_slice %arg5[%arg0, %add3A_50, %dma_wait3A] : memref<2x10240x64xf32, #tpu.memory_space<hbm>> -> memref<1x128x64xf32, #tpu.memory_space<hbm>>
      %dma_wait3A_70 = tpu.memref_squeeze %dma_wait3A_69 : memref<1x128x64xf32, #tpu.memory_space<hbm>> -> memref<128x64xf32, #tpu.memory_space<hbm>>
      %dma_wait3A_71 = arith.constant 0 : i32
      %dma_wait3A_72 = tpu.memref_slice %arg5[%arg0, %add3A_50, %dma_wait3A_71] : memref<2x10240x64xf32, #tpu.memory_space<hbm>> -> memref<1x128x64xf32, #tpu.memory_space<hbm>>
      %dma_wait3A_73 = tpu.memref_squeeze %dma_wait3A_72 : memref<1x128x64xf32, #tpu.memory_space<hbm>> -> memref<128x64xf32, #tpu.memory_space<hbm>>
      tpu.wait_dma2 semaphore(%run_scoped3A : memref<!tpu.dma_semaphore, #tpu.memory_space<semaphore_mem>>) src(%arg8 : memref<128x64xf32, #tpu.memory_space<vmem>>) dst(%dma_wait3A_73 : memref<128x64xf32, #tpu.memory_space<hbm>>)
      tpu.yield
    }) : () -> ()
    %mul3A_51 = arith.constant 640 : i32
    %mul3A_52 = arith.muli %arg1, %mul3A_51 : i32
    %add3A_53 = arith.constant 256 : i32
    %add3A_54 = arith.addi %mul3A_52, %add3A_53 : i32
    "tpu.region"() ({
      %run_scoped3A = tpu.sem_alloc : memref<!tpu.dma_semaphore, #tpu.memory_space<semaphore_mem>>
      %dma_start3A_63 = arith.constant 0 : i32
      %dma_start3A_64 = tpu.memref_slice %arg11[%add3A_54, %dma_start3A_63] : memref<10240x64xf32, #tpu.memory_space<vmem_shared>> -> memref<128x64xf32, #tpu.memory_space<vmem_shared>>
      %dma_start3A_65 = arith.constant 0 : i32
      %dma_start3A_66 = tpu.memref_slice %arg11[%add3A_54, %dma_start3A_65] : memref<10240x64xf32, #tpu.memory_space<vmem_shared>> -> memref<128x64xf32, #tpu.memory_space<vmem_shared>>
      tpu.enqueue_dma source(%dma_start3A_66 : memref<128x64xf32, #tpu.memory_space<vmem_shared>>) target(%arg8 : memref<128x64xf32, #tpu.memory_space<vmem>>) target_semaphore(%run_scoped3A : memref<!tpu.dma_semaphore, #tpu.memory_space<semaphore_mem>>)
      %dma_wait3A = arith.constant 0 : i32
      %dma_wait3A_67 = tpu.memref_slice %arg11[%add3A_54, %dma_wait3A] : memref<10240x64xf32, #tpu.memory_space<vmem_shared>> -> memref<128x64xf32, #tpu.memory_space<vmem_shared>>
      %dma_wait3A_68 = arith.constant 0 : i32
      %dma_wait3A_69 = tpu.memref_slice %arg11[%add3A_54, %dma_wait3A_68] : memref<10240x64xf32, #tpu.memory_space<vmem_shared>> -> memref<128x64xf32, #tpu.memory_space<vmem_shared>>
      tpu.wait_dma2 semaphore(%run_scoped3A : memref<!tpu.dma_semaphore, #tpu.memory_space<semaphore_mem>>) src(%dma_wait3A_69 : memref<128x64xf32, #tpu.memory_space<vmem_shared>>) dst(%arg8 : memref<128x64xf32, #tpu.memory_space<vmem>>)
      tpu.yield
    }) : () -> ()
    "tpu.region"() ({
      %run_scoped3A = tpu.sem_alloc : memref<!tpu.dma_semaphore, #tpu.memory_space<semaphore_mem>>
      %dma_start3A_63 = arith.constant 0 : i32
      %dma_start3A_64 = tpu.memref_slice %arg5[%arg0, %add3A_54, %dma_start3A_63] : memref<2x10240x64xf32, #tpu.memory_space<hbm>> -> memref<1x128x64xf32, #tpu.memory_space<hbm>>
      %dma_start3A_65 = tpu.memref_squeeze %dma_start3A_64 : memref<1x128x64xf32, #tpu.memory_space<hbm>> -> memref<128x64xf32, #tpu.memory_space<hbm>>
      %dma_start3A_66 = arith.constant 0 : i32
      %dma_start3A_67 = tpu.memref_slice %arg5[%arg0, %add3A_54, %dma_start3A_66] : memref<2x10240x64xf32, #tpu.memory_space<hbm>> -> memref<1x128x64xf32, #tpu.memory_space<hbm>>
      %dma_start3A_68 = tpu.memref_squeeze %dma_start3A_67 : memref<1x128x64xf32, #tpu.memory_space<hbm>> -> memref<128x64xf32, #tpu.memory_space<hbm>>
      tpu.enqueue_dma source(%arg8 : memref<128x64xf32, #tpu.memory_space<vmem>>) target(%dma_start3A_68 : memref<128x64xf32, #tpu.memory_space<hbm>>) target_semaphore(%run_scoped3A : memref<!tpu.dma_semaphore, #tpu.memory_space<semaphore_mem>>)
      %dma_wait3A = arith.constant 0 : i32
      %dma_wait3A_69 = tpu.memref_slice %arg5[%arg0, %add3A_54, %dma_wait3A] : memref<2x10240x64xf32, #tpu.memory_space<hbm>> -> memref<1x128x64xf32, #tpu.memory_space<hbm>>
      %dma_wait3A_70 = tpu.memref_squeeze %dma_wait3A_69 : memref<1x128x64xf32, #tpu.memory_space<hbm>> -> memref<128x64xf32, #tpu.memory_space<hbm>>
      %dma_wait3A_71 = arith.constant 0 : i32
      %dma_wait3A_72 = tpu.memref_slice %arg5[%arg0, %add3A_54, %dma_wait3A_71] : memref<2x10240x64xf32, #tpu.memory_space<hbm>> -> memref<1x128x64xf32, #tpu.memory_space<hbm>>
      %dma_wait3A_73 = tpu.memref_squeeze %dma_wait3A_72 : memref<1x128x64xf32, #tpu.memory_space<hbm>> -> memref<128x64xf32, #tpu.memory_space<hbm>>
      tpu.wait_dma2 semaphore(%run_scoped3A : memref<!tpu.dma_semaphore, #tpu.memory_space<semaphore_mem>>) src(%arg8 : memref<128x64xf32, #tpu.memory_space<vmem>>) dst(%dma_wait3A_73 : memref<128x64xf32, #tpu.memory_space<hbm>>)
      tpu.yield
    }) : () -> ()
    %mul3A_55 = arith.constant 640 : i32
    %mul3A_56 = arith.muli %arg1, %mul3A_55 : i32
    %add3A_57 = arith.constant 384 : i32
    %add3A_58 = arith.addi %mul3A_56, %add3A_57 : i32
    "tpu.region"() ({
      %run_scoped3A = tpu.sem_alloc : memref<!tpu.dma_semaphore, #tpu.memory_space<semaphore_mem>>
      %dma_start3A_63 = arith.constant 0 : i32
      %dma_start3A_64 = tpu.memref_slice %arg11[%add3A_58, %dma_start3A_63] : memref<10240x64xf32, #tpu.memory_space<vmem_shared>> -> memref<128x64xf32, #tpu.memory_space<vmem_shared>>
      %dma_start3A_65 = arith.constant 0 : i32
      %dma_start3A_66 = tpu.memref_slice %arg11[%add3A_58, %dma_start3A_65] : memref<10240x64xf32, #tpu.memory_space<vmem_shared>> -> memref<128x64xf32, #tpu.memory_space<vmem_shared>>
      tpu.enqueue_dma source(%dma_start3A_66 : memref<128x64xf32, #tpu.memory_space<vmem_shared>>) target(%arg8 : memref<128x64xf32, #tpu.memory_space<vmem>>) target_semaphore(%run_scoped3A : memref<!tpu.dma_semaphore, #tpu.memory_space<semaphore_mem>>)
      %dma_wait3A = arith.constant 0 : i32
      %dma_wait3A_67 = tpu.memref_slice %arg11[%add3A_58, %dma_wait3A] : memref<10240x64xf32, #tpu.memory_space<vmem_shared>> -> memref<128x64xf32, #tpu.memory_space<vmem_shared>>
      %dma_wait3A_68 = arith.constant 0 : i32
      %dma_wait3A_69 = tpu.memref_slice %arg11[%add3A_58, %dma_wait3A_68] : memref<10240x64xf32, #tpu.memory_space<vmem_shared>> -> memref<128x64xf32, #tpu.memory_space<vmem_shared>>
      tpu.wait_dma2 semaphore(%run_scoped3A : memref<!tpu.dma_semaphore, #tpu.memory_space<semaphore_mem>>) src(%dma_wait3A_69 : memref<128x64xf32, #tpu.memory_space<vmem_shared>>) dst(%arg8 : memref<128x64xf32, #tpu.memory_space<vmem>>)
      tpu.yield
    }) : () -> ()
    "tpu.region"() ({
      %run_scoped3A = tpu.sem_alloc : memref<!tpu.dma_semaphore, #tpu.memory_space<semaphore_mem>>
      %dma_start3A_63 = arith.constant 0 : i32
      %dma_start3A_64 = tpu.memref_slice %arg5[%arg0, %add3A_58, %dma_start3A_63] : memref<2x10240x64xf32, #tpu.memory_space<hbm>> -> memref<1x128x64xf32, #tpu.memory_space<hbm>>
      %dma_start3A_65 = tpu.memref_squeeze %dma_start3A_64 : memref<1x128x64xf32, #tpu.memory_space<hbm>> -> memref<128x64xf32, #tpu.memory_space<hbm>>
      %dma_start3A_66 = arith.constant 0 : i32
      %dma_start3A_67 = tpu.memref_slice %arg5[%arg0, %add3A_58, %dma_start3A_66] : memref<2x10240x64xf32, #tpu.memory_space<hbm>> -> memref<1x128x64xf32, #tpu.memory_space<hbm>>
      %dma_start3A_68 = tpu.memref_squeeze %dma_start3A_67 : memref<1x128x64xf32, #tpu.memory_space<hbm>> -> memref<128x64xf32, #tpu.memory_space<hbm>>
      tpu.enqueue_dma source(%arg8 : memref<128x64xf32, #tpu.memory_space<vmem>>) target(%dma_start3A_68 : memref<128x64xf32, #tpu.memory_space<hbm>>) target_semaphore(%run_scoped3A : memref<!tpu.dma_semaphore, #tpu.memory_space<semaphore_mem>>)
      %dma_wait3A = arith.constant 0 : i32
      %dma_wait3A_69 = tpu.memref_slice %arg5[%arg0, %add3A_58, %dma_wait3A] : memref<2x10240x64xf32, #tpu.memory_space<hbm>> -> memref<1x128x64xf32, #tpu.memory_space<hbm>>
      %dma_wait3A_70 = tpu.memref_squeeze %dma_wait3A_69 : memref<1x128x64xf32, #tpu.memory_space<hbm>> -> memref<128x64xf32, #tpu.memory_space<hbm>>
      %dma_wait3A_71 = arith.constant 0 : i32
      %dma_wait3A_72 = tpu.memref_slice %arg5[%arg0, %add3A_58, %dma_wait3A_71] : memref<2x10240x64xf32, #tpu.memory_space<hbm>> -> memref<1x128x64xf32, #tpu.memory_space<hbm>>
      %dma_wait3A_73 = tpu.memref_squeeze %dma_wait3A_72 : memref<1x128x64xf32, #tpu.memory_space<hbm>> -> memref<128x64xf32, #tpu.memory_space<hbm>>
      tpu.wait_dma2 semaphore(%run_scoped3A : memref<!tpu.dma_semaphore, #tpu.memory_space<semaphore_mem>>) src(%arg8 : memref<128x64xf32, #tpu.memory_space<vmem>>) dst(%dma_wait3A_73 : memref<128x64xf32, #tpu.memory_space<hbm>>)
      tpu.yield
    }) : () -> ()
    %mul3A_59 = arith.constant 640 : i32
    %mul3A_60 = arith.muli %arg1, %mul3A_59 : i32
    %add3A_61 = arith.constant 512 : i32
    %add3A_62 = arith.addi %mul3A_60, %add3A_61 : i32
    "tpu.region"() ({
      %run_scoped3A = tpu.sem_alloc : memref<!tpu.dma_semaphore, #tpu.memory_space<semaphore_mem>>
      %dma_start3A_63 = arith.constant 0 : i32
      %dma_start3A_64 = tpu.memref_slice %arg11[%add3A_62, %dma_start3A_63] : memref<10240x64xf32, #tpu.memory_space<vmem_shared>> -> memref<128x64xf32, #tpu.memory_space<vmem_shared>>
      %dma_start3A_65 = arith.constant 0 : i32
      %dma_start3A_66 = tpu.memref_slice %arg11[%add3A_62, %dma_start3A_65] : memref<10240x64xf32, #tpu.memory_space<vmem_shared>> -> memref<128x64xf32, #tpu.memory_space<vmem_shared>>
      tpu.enqueue_dma source(%dma_start3A_66 : memref<128x64xf32, #tpu.memory_space<vmem_shared>>) target(%arg8 : memref<128x64xf32, #tpu.memory_space<vmem>>) target_semaphore(%run_scoped3A : memref<!tpu.dma_semaphore, #tpu.memory_space<semaphore_mem>>)
      %dma_wait3A = arith.constant 0 : i32
      %dma_wait3A_67 = tpu.memref_slice %arg11[%add3A_62, %dma_wait3A] : memref<10240x64xf32, #tpu.memory_space<vmem_shared>> -> memref<128x64xf32, #tpu.memory_space<vmem_shared>>
      %dma_wait3A_68 = arith.constant 0 : i32
      %dma_wait3A_69 = tpu.memref_slice %arg11[%add3A_62, %dma_wait3A_68] : memref<10240x64xf32, #tpu.memory_space<vmem_shared>> -> memref<128x64xf32, #tpu.memory_space<vmem_shared>>
      tpu.wait_dma2 semaphore(%run_scoped3A : memref<!tpu.dma_semaphore, #tpu.memory_space<semaphore_mem>>) src(%dma_wait3A_69 : memref<128x64xf32, #tpu.memory_space<vmem_shared>>) dst(%arg8 : memref<128x64xf32, #tpu.memory_space<vmem>>)
      tpu.yield
    }) : () -> ()
    "tpu.region"() ({
      %run_scoped3A = tpu.sem_alloc : memref<!tpu.dma_semaphore, #tpu.memory_space<semaphore_mem>>
      %dma_start3A_63 = arith.constant 0 : i32
      %dma_start3A_64 = tpu.memref_slice %arg5[%arg0, %add3A_62, %dma_start3A_63] : memref<2x10240x64xf32, #tpu.memory_space<hbm>> -> memref<1x128x64xf32, #tpu.memory_space<hbm>>
      %dma_start3A_65 = tpu.memref_squeeze %dma_start3A_64 : memref<1x128x64xf32, #tpu.memory_space<hbm>> -> memref<128x64xf32, #tpu.memory_space<hbm>>
      %dma_start3A_66 = arith.constant 0 : i32
      %dma_start3A_67 = tpu.memref_slice %arg5[%arg0, %add3A_62, %dma_start3A_66] : memref<2x10240x64xf32, #tpu.memory_space<hbm>> -> memref<1x128x64xf32, #tpu.memory_space<hbm>>
      %dma_start3A_68 = tpu.memref_squeeze %dma_start3A_67 : memref<1x128x64xf32, #tpu.memory_space<hbm>> -> memref<128x64xf32, #tpu.memory_space<hbm>>
      tpu.enqueue_dma source(%arg8 : memref<128x64xf32, #tpu.memory_space<vmem>>) target(%dma_start3A_68 : memref<128x64xf32, #tpu.memory_space<hbm>>) target_semaphore(%run_scoped3A : memref<!tpu.dma_semaphore, #tpu.memory_space<semaphore_mem>>)
      %dma_wait3A = arith.constant 0 : i32
      %dma_wait3A_69 = tpu.memref_slice %arg5[%arg0, %add3A_62, %dma_wait3A] : memref<2x10240x64xf32, #tpu.memory_space<hbm>> -> memref<1x128x64xf32, #tpu.memory_space<hbm>>
      %dma_wait3A_70 = tpu.memref_squeeze %dma_wait3A_69 : memref<1x128x64xf32, #tpu.memory_space<hbm>> -> memref<128x64xf32, #tpu.memory_space<hbm>>
      %dma_wait3A_71 = arith.constant 0 : i32
      %dma_wait3A_72 = tpu.memref_slice %arg5[%arg0, %add3A_62, %dma_wait3A_71] : memref<2x10240x64xf32, #tpu.memory_space<hbm>> -> memref<1x128x64xf32, #tpu.memory_space<hbm>>
      %dma_wait3A_73 = tpu.memref_squeeze %dma_wait3A_72 : memref<1x128x64xf32, #tpu.memory_space<hbm>> -> memref<128x64xf32, #tpu.memory_space<hbm>>
      tpu.wait_dma2 semaphore(%run_scoped3A : memref<!tpu.dma_semaphore, #tpu.memory_space<semaphore_mem>>) src(%arg8 : memref<128x64xf32, #tpu.memory_space<vmem>>) dst(%dma_wait3A_73 : memref<128x64xf32, #tpu.memory_space<hbm>>)
      tpu.yield
    }) : () -> ()
    return
  }
}

#map = affine_map<(d0, d1) -> (0, 0, 0, 0)>
#map1 = affine_map<(d0, d1) -> (0, 0, 0)>
#map2 = affine_map<(d0, d1) -> (0, 0)>
module attributes {stable_mosaic.version = 14 : i64} {
  func.func @_agg_body(%arg0: i32, %arg1: i32, %arg2: memref<2x16x158x128xi32, #tpu.memory_space<hbm>>, %arg3: memref<16x158x128xi32, #tpu.memory_space<hbm>>, %arg4: memref<20480x64xf32, #tpu.memory_space<hbm>>, %arg5: memref<2x10240x64xf32, #tpu.memory_space<hbm>>, %arg6: memref<158x128xi32, #tpu.memory_space<vmem>>, %arg7: memref<158x128xi32, #tpu.memory_space<vmem>>, %arg8: memref<128x64xf32, #tpu.memory_space<vmem>>, %arg9: memref<128x64xf32, #tpu.memory_space<vmem>>, %arg10: memref<128x64xf32, #tpu.memory_space<vmem>>, %arg11: memref<10240x64xf32, #tpu.memory_space<vmem_shared>>, %arg12: memref<!tpu.dma_semaphore, #tpu.memory_space<semaphore_mem>>, %arg13: memref<!tpu.dma_semaphore, #tpu.memory_space<semaphore_mem>>) attributes {dimension_semantics = [#tpu.dimension_semantics<core_parallel>, #tpu.dimension_semantics<subcore_parallel>], iteration_bounds = array<i64: 2, 16>, scalar_prefetch = 0 : i64, scratch_operands = 8 : i64, tpu.core_type = #tpu.core_type<sc_vector_subcore>, window_params = [{transform_indices = #map}, {transform_indices = #map1}, {transform_indices = #map2}, {transform_indices = #map1}]} {
    "tpu.region"() ({
      %run_scoped3A = tpu.sem_alloc : memref<!tpu.dma_semaphore, #tpu.memory_space<semaphore_mem>>
      %dma_start3A_63 = arith.constant 0 : i32
      %dma_start3A_64 = arith.constant 0 : i32
      %dma_start3A_65 = tpu.memref_slice %arg2[%arg0, %arg1, %dma_start3A_63, %dma_start3A_64] : memref<2x16x158x128xi32, #tpu.memory_space<hbm>> -> memref<1x1x158x128xi32, #tpu.memory_space<hbm>>
      %dma_start3A_66 = tpu.memref_squeeze %dma_start3A_65 : memref<1x1x158x128xi32, #tpu.memory_space<hbm>> -> memref<158x128xi32, #tpu.memory_space<hbm>>
      %dma_start3A_67 = arith.constant 0 : i32
      %dma_start3A_68 = arith.constant 0 : i32
      %dma_start3A_69 = tpu.memref_slice %arg2[%arg0, %arg1, %dma_start3A_67, %dma_start3A_68] : memref<2x16x158x128xi32, #tpu.memory_space<hbm>> -> memref<1x1x158x128xi32, #tpu.memory_space<hbm>>
      %dma_start3A_70 = tpu.memref_squeeze %dma_start3A_69 : memref<1x1x158x128xi32, #tpu.memory_space<hbm>> -> memref<158x128xi32, #tpu.memory_space<hbm>>
      tpu.enqueue_dma source(%dma_start3A_70 : memref<158x128xi32, #tpu.memory_space<hbm>>) target(%arg6 : memref<158x128xi32, #tpu.memory_space<vmem>>) target_semaphore(%run_scoped3A : memref<!tpu.dma_semaphore, #tpu.memory_space<semaphore_mem>>)
      %dma_wait3A = arith.constant 0 : i32
      %dma_wait3A_71 = arith.constant 0 : i32
      %dma_wait3A_72 = tpu.memref_slice %arg2[%arg0, %arg1, %dma_wait3A, %dma_wait3A_71] : memref<2x16x158x128xi32, #tpu.memory_space<hbm>> -> memref<1x1x158x128xi32, #tpu.memory_space<hbm>>
      %dma_wait3A_73 = tpu.memref_squeeze %dma_wait3A_72 : memref<1x1x158x128xi32, #tpu.memory_space<hbm>> -> memref<158x128xi32, #tpu.memory_space<hbm>>
      %dma_wait3A_74 = arith.constant 0 : i32
      %dma_wait3A_75 = arith.constant 0 : i32
      %dma_wait3A_76 = tpu.memref_slice %arg2[%arg0, %arg1, %dma_wait3A_74, %dma_wait3A_75] : memref<2x16x158x128xi32, #tpu.memory_space<hbm>> -> memref<1x1x158x128xi32, #tpu.memory_space<hbm>>
      %dma_wait3A_77 = tpu.memref_squeeze %dma_wait3A_76 : memref<1x1x158x128xi32, #tpu.memory_space<hbm>> -> memref<158x128xi32, #tpu.memory_space<hbm>>
      tpu.wait_dma2 semaphore(%run_scoped3A : memref<!tpu.dma_semaphore, #tpu.memory_space<semaphore_mem>>) src(%dma_wait3A_77 : memref<158x128xi32, #tpu.memory_space<hbm>>) dst(%arg6 : memref<158x128xi32, #tpu.memory_space<vmem>>)
      tpu.yield
    }) : () -> ()
    "tpu.region"() ({
      %run_scoped3A = tpu.sem_alloc : memref<!tpu.dma_semaphore, #tpu.memory_space<semaphore_mem>>
      %dma_start3A_63 = arith.constant 0 : i32
      %dma_start3A_64 = arith.constant 0 : i32
      %dma_start3A_65 = tpu.memref_slice %arg3[%arg1, %dma_start3A_63, %dma_start3A_64] : memref<16x158x128xi32, #tpu.memory_space<hbm>> -> memref<1x158x128xi32, #tpu.memory_space<hbm>>
      %dma_start3A_66 = tpu.memref_squeeze %dma_start3A_65 : memref<1x158x128xi32, #tpu.memory_space<hbm>> -> memref<158x128xi32, #tpu.memory_space<hbm>>
      %dma_start3A_67 = arith.constant 0 : i32
      %dma_start3A_68 = arith.constant 0 : i32
      %dma_start3A_69 = tpu.memref_slice %arg3[%arg1, %dma_start3A_67, %dma_start3A_68] : memref<16x158x128xi32, #tpu.memory_space<hbm>> -> memref<1x158x128xi32, #tpu.memory_space<hbm>>
      %dma_start3A_70 = tpu.memref_squeeze %dma_start3A_69 : memref<1x158x128xi32, #tpu.memory_space<hbm>> -> memref<158x128xi32, #tpu.memory_space<hbm>>
      tpu.enqueue_dma source(%dma_start3A_70 : memref<158x128xi32, #tpu.memory_space<hbm>>) target(%arg7 : memref<158x128xi32, #tpu.memory_space<vmem>>) target_semaphore(%run_scoped3A : memref<!tpu.dma_semaphore, #tpu.memory_space<semaphore_mem>>)
      %dma_wait3A = arith.constant 0 : i32
      %dma_wait3A_71 = arith.constant 0 : i32
      %dma_wait3A_72 = tpu.memref_slice %arg3[%arg1, %dma_wait3A, %dma_wait3A_71] : memref<16x158x128xi32, #tpu.memory_space<hbm>> -> memref<1x158x128xi32, #tpu.memory_space<hbm>>
      %dma_wait3A_73 = tpu.memref_squeeze %dma_wait3A_72 : memref<1x158x128xi32, #tpu.memory_space<hbm>> -> memref<158x128xi32, #tpu.memory_space<hbm>>
      %dma_wait3A_74 = arith.constant 0 : i32
      %dma_wait3A_75 = arith.constant 0 : i32
      %dma_wait3A_76 = tpu.memref_slice %arg3[%arg1, %dma_wait3A_74, %dma_wait3A_75] : memref<16x158x128xi32, #tpu.memory_space<hbm>> -> memref<1x158x128xi32, #tpu.memory_space<hbm>>
      %dma_wait3A_77 = tpu.memref_squeeze %dma_wait3A_76 : memref<1x158x128xi32, #tpu.memory_space<hbm>> -> memref<158x128xi32, #tpu.memory_space<hbm>>
      tpu.wait_dma2 semaphore(%run_scoped3A : memref<!tpu.dma_semaphore, #tpu.memory_space<semaphore_mem>>) src(%dma_wait3A_77 : memref<158x128xi32, #tpu.memory_space<hbm>>) dst(%arg7 : memref<158x128xi32, #tpu.memory_space<vmem>>)
      tpu.yield
    }) : () -> ()
    %scan3A = arith.constant 0 : i32
    %scan3A_0 = arith.constant 0 : i32
    %scan3A_1 = arith.constant 128 : i32
    %scan3A_2 = arith.addi %scan3A_0, %scan3A_1 : i32
    %scan3A_3 = arith.constant 1 : i32
    scf.for %scan3A_63 = %scan3A_0 to %scan3A_2 step %scan3A_3  : i32 {
      %broadcast_in_dim3A = arith.constant 0.000000e+00 : f32
      %broadcast_in_dim3A_64 = vector.broadcast %broadcast_in_dim3A : f32 to vector<16xf32>
      %swap3A = arith.index_cast %scan3A_63 : i32 to index
      %swap3A_65 = arith.constant 0 : index
      %swap3A_66 = tpu.vector_load %arg10[%swap3A, %swap3A_65] {strides = array<i32>} : memref<128x64xf32, #tpu.memory_space<vmem>>, vector<1x16xf32>,
      %swap3A_67 = vector.shape_cast %swap3A_66 : vector<1x16xf32> to vector<16xf32>
      %swap3A_68 = vector.shape_cast %broadcast_in_dim3A_64 : vector<16xf32> to vector<1x16xf32>
      tpu.vector_store %arg10[%swap3A, %swap3A_65], %swap3A_68 {strides = array<i32>} : memref<128x64xf32, #tpu.memory_space<vmem>>, vector<1x16xf32>,
      %broadcast_in_dim3A_69 = arith.constant 0.000000e+00 : f32
      %broadcast_in_dim3A_70 = vector.broadcast %broadcast_in_dim3A_69 : f32 to vector<16xf32>
      %swap3A_71 = arith.index_cast %scan3A_63 : i32 to index
      %swap3A_72 = arith.constant 16 : index
      %swap3A_73 = tpu.vector_load %arg10[%swap3A_71, %swap3A_72] {strides = array<i32>} : memref<128x64xf32, #tpu.memory_space<vmem>>, vector<1x16xf32>,
      %swap3A_74 = vector.shape_cast %swap3A_73 : vector<1x16xf32> to vector<16xf32>
      %swap3A_75 = vector.shape_cast %broadcast_in_dim3A_70 : vector<16xf32> to vector<1x16xf32>
      tpu.vector_store %arg10[%swap3A_71, %swap3A_72], %swap3A_75 {strides = array<i32>} : memref<128x64xf32, #tpu.memory_space<vmem>>, vector<1x16xf32>,
      %broadcast_in_dim3A_76 = arith.constant 0.000000e+00 : f32
      %broadcast_in_dim3A_77 = vector.broadcast %broadcast_in_dim3A_76 : f32 to vector<16xf32>
      %swap3A_78 = arith.index_cast %scan3A_63 : i32 to index
      %swap3A_79 = arith.constant 32 : index
      %swap3A_80 = tpu.vector_load %arg10[%swap3A_78, %swap3A_79] {strides = array<i32>} : memref<128x64xf32, #tpu.memory_space<vmem>>, vector<1x16xf32>,
      %swap3A_81 = vector.shape_cast %swap3A_80 : vector<1x16xf32> to vector<16xf32>
      %swap3A_82 = vector.shape_cast %broadcast_in_dim3A_77 : vector<16xf32> to vector<1x16xf32>
      tpu.vector_store %arg10[%swap3A_78, %swap3A_79], %swap3A_82 {strides = array<i32>} : memref<128x64xf32, #tpu.memory_space<vmem>>, vector<1x16xf32>,
      %broadcast_in_dim3A_83 = arith.constant 0.000000e+00 : f32
      %broadcast_in_dim3A_84 = vector.broadcast %broadcast_in_dim3A_83 : f32 to vector<16xf32>
      %swap3A_85 = arith.index_cast %scan3A_63 : i32 to index
      %swap3A_86 = arith.constant 48 : index
      %swap3A_87 = tpu.vector_load %arg10[%swap3A_85, %swap3A_86] {strides = array<i32>} : memref<128x64xf32, #tpu.memory_space<vmem>>, vector<1x16xf32>,
      %swap3A_88 = vector.shape_cast %swap3A_87 : vector<1x16xf32> to vector<16xf32>
      %swap3A_89 = vector.shape_cast %broadcast_in_dim3A_84 : vector<16xf32> to vector<1x16xf32>
      tpu.vector_store %arg10[%swap3A_85, %swap3A_86], %swap3A_89 {strides = array<i32>} : memref<128x64xf32, #tpu.memory_space<vmem>>, vector<1x16xf32>,
    }
    %scan3A_4 = arith.constant 128 : i32
    %mul3A = arith.constant 640 : i32
    %mul3A_5 = arith.muli %arg1, %mul3A : i32
    %add3A = arith.constant 0 : i32
    %add3A_6 = arith.addi %mul3A_5, %add3A : i32
    "tpu.region"() ({
      %run_scoped3A = tpu.sem_alloc : memref<!tpu.dma_semaphore, #tpu.memory_space<semaphore_mem>>
      %dma_start3A_63 = arith.constant 0 : i32
      %dma_start3A_64 = tpu.memref_slice %arg11[%add3A_6, %dma_start3A_63] : memref<10240x64xf32, #tpu.memory_space<vmem_shared>> -> memref<128x64xf32, #tpu.memory_space<vmem_shared>>
      %dma_start3A_65 = arith.constant 0 : i32
      %dma_start3A_66 = tpu.memref_slice %arg11[%add3A_6, %dma_start3A_65] : memref<10240x64xf32, #tpu.memory_space<vmem_shared>> -> memref<128x64xf32, #tpu.memory_space<vmem_shared>>
      tpu.enqueue_dma source(%arg10 : memref<128x64xf32, #tpu.memory_space<vmem>>) target(%dma_start3A_66 : memref<128x64xf32, #tpu.memory_space<vmem_shared>>) target_semaphore(%run_scoped3A : memref<!tpu.dma_semaphore, #tpu.memory_space<semaphore_mem>>)
      %dma_wait3A = arith.constant 0 : i32
      %dma_wait3A_67 = tpu.memref_slice %arg11[%add3A_6, %dma_wait3A] : memref<10240x64xf32, #tpu.memory_space<vmem_shared>> -> memref<128x64xf32, #tpu.memory_space<vmem_shared>>
      %dma_wait3A_68 = arith.constant 0 : i32
      %dma_wait3A_69 = tpu.memref_slice %arg11[%add3A_6, %dma_wait3A_68] : memref<10240x64xf32, #tpu.memory_space<vmem_shared>> -> memref<128x64xf32, #tpu.memory_space<vmem_shared>>
      tpu.wait_dma2 semaphore(%run_scoped3A : memref<!tpu.dma_semaphore, #tpu.memory_space<semaphore_mem>>) src(%arg10 : memref<128x64xf32, #tpu.memory_space<vmem>>) dst(%dma_wait3A_69 : memref<128x64xf32, #tpu.memory_space<vmem_shared>>)
      tpu.yield
    }) : () -> ()
    %mul3A_7 = arith.constant 640 : i32
    %mul3A_8 = arith.muli %arg1, %mul3A_7 : i32
    %add3A_9 = arith.constant 128 : i32
    %add3A_10 = arith.addi %mul3A_8, %add3A_9 : i32
    "tpu.region"() ({
      %run_scoped3A = tpu.sem_alloc : memref<!tpu.dma_semaphore, #tpu.memory_space<semaphore_mem>>
      %dma_start3A_63 = arith.constant 0 : i32
      %dma_start3A_64 = tpu.memref_slice %arg11[%add3A_10, %dma_start3A_63] : memref<10240x64xf32, #tpu.memory_space<vmem_shared>> -> memref<128x64xf32, #tpu.memory_space<vmem_shared>>
      %dma_start3A_65 = arith.constant 0 : i32
      %dma_start3A_66 = tpu.memref_slice %arg11[%add3A_10, %dma_start3A_65] : memref<10240x64xf32, #tpu.memory_space<vmem_shared>> -> memref<128x64xf32, #tpu.memory_space<vmem_shared>>
      tpu.enqueue_dma source(%arg10 : memref<128x64xf32, #tpu.memory_space<vmem>>) target(%dma_start3A_66 : memref<128x64xf32, #tpu.memory_space<vmem_shared>>) target_semaphore(%run_scoped3A : memref<!tpu.dma_semaphore, #tpu.memory_space<semaphore_mem>>)
      %dma_wait3A = arith.constant 0 : i32
      %dma_wait3A_67 = tpu.memref_slice %arg11[%add3A_10, %dma_wait3A] : memref<10240x64xf32, #tpu.memory_space<vmem_shared>> -> memref<128x64xf32, #tpu.memory_space<vmem_shared>>
      %dma_wait3A_68 = arith.constant 0 : i32
      %dma_wait3A_69 = tpu.memref_slice %arg11[%add3A_10, %dma_wait3A_68] : memref<10240x64xf32, #tpu.memory_space<vmem_shared>> -> memref<128x64xf32, #tpu.memory_space<vmem_shared>>
      tpu.wait_dma2 semaphore(%run_scoped3A : memref<!tpu.dma_semaphore, #tpu.memory_space<semaphore_mem>>) src(%arg10 : memref<128x64xf32, #tpu.memory_space<vmem>>) dst(%dma_wait3A_69 : memref<128x64xf32, #tpu.memory_space<vmem_shared>>)
      tpu.yield
    }) : () -> ()
    %mul3A_11 = arith.constant 640 : i32
    %mul3A_12 = arith.muli %arg1, %mul3A_11 : i32
    %add3A_13 = arith.constant 256 : i32
    %add3A_14 = arith.addi %mul3A_12, %add3A_13 : i32
    "tpu.region"() ({
      %run_scoped3A = tpu.sem_alloc : memref<!tpu.dma_semaphore, #tpu.memory_space<semaphore_mem>>
      %dma_start3A_63 = arith.constant 0 : i32
      %dma_start3A_64 = tpu.memref_slice %arg11[%add3A_14, %dma_start3A_63] : memref<10240x64xf32, #tpu.memory_space<vmem_shared>> -> memref<128x64xf32, #tpu.memory_space<vmem_shared>>
      %dma_start3A_65 = arith.constant 0 : i32
      %dma_start3A_66 = tpu.memref_slice %arg11[%add3A_14, %dma_start3A_65] : memref<10240x64xf32, #tpu.memory_space<vmem_shared>> -> memref<128x64xf32, #tpu.memory_space<vmem_shared>>
      tpu.enqueue_dma source(%arg10 : memref<128x64xf32, #tpu.memory_space<vmem>>) target(%dma_start3A_66 : memref<128x64xf32, #tpu.memory_space<vmem_shared>>) target_semaphore(%run_scoped3A : memref<!tpu.dma_semaphore, #tpu.memory_space<semaphore_mem>>)
      %dma_wait3A = arith.constant 0 : i32
      %dma_wait3A_67 = tpu.memref_slice %arg11[%add3A_14, %dma_wait3A] : memref<10240x64xf32, #tpu.memory_space<vmem_shared>> -> memref<128x64xf32, #tpu.memory_space<vmem_shared>>
      %dma_wait3A_68 = arith.constant 0 : i32
      %dma_wait3A_69 = tpu.memref_slice %arg11[%add3A_14, %dma_wait3A_68] : memref<10240x64xf32, #tpu.memory_space<vmem_shared>> -> memref<128x64xf32, #tpu.memory_space<vmem_shared>>
      tpu.wait_dma2 semaphore(%run_scoped3A : memref<!tpu.dma_semaphore, #tpu.memory_space<semaphore_mem>>) src(%arg10 : memref<128x64xf32, #tpu.memory_space<vmem>>) dst(%dma_wait3A_69 : memref<128x64xf32, #tpu.memory_space<vmem_shared>>)
      tpu.yield
    }) : () -> ()
    %mul3A_15 = arith.constant 640 : i32
    %mul3A_16 = arith.muli %arg1, %mul3A_15 : i32
    %add3A_17 = arith.constant 384 : i32
    %add3A_18 = arith.addi %mul3A_16, %add3A_17 : i32
    "tpu.region"() ({
      %run_scoped3A = tpu.sem_alloc : memref<!tpu.dma_semaphore, #tpu.memory_space<semaphore_mem>>
      %dma_start3A_63 = arith.constant 0 : i32
      %dma_start3A_64 = tpu.memref_slice %arg11[%add3A_18, %dma_start3A_63] : memref<10240x64xf32, #tpu.memory_space<vmem_shared>> -> memref<128x64xf32, #tpu.memory_space<vmem_shared>>
      %dma_start3A_65 = arith.constant 0 : i32
      %dma_start3A_66 = tpu.memref_slice %arg11[%add3A_18, %dma_start3A_65] : memref<10240x64xf32, #tpu.memory_space<vmem_shared>> -> memref<128x64xf32, #tpu.memory_space<vmem_shared>>
      tpu.enqueue_dma source(%arg10 : memref<128x64xf32, #tpu.memory_space<vmem>>) target(%dma_start3A_66 : memref<128x64xf32, #tpu.memory_space<vmem_shared>>) target_semaphore(%run_scoped3A : memref<!tpu.dma_semaphore, #tpu.memory_space<semaphore_mem>>)
      %dma_wait3A = arith.constant 0 : i32
      %dma_wait3A_67 = tpu.memref_slice %arg11[%add3A_18, %dma_wait3A] : memref<10240x64xf32, #tpu.memory_space<vmem_shared>> -> memref<128x64xf32, #tpu.memory_space<vmem_shared>>
      %dma_wait3A_68 = arith.constant 0 : i32
      %dma_wait3A_69 = tpu.memref_slice %arg11[%add3A_18, %dma_wait3A_68] : memref<10240x64xf32, #tpu.memory_space<vmem_shared>> -> memref<128x64xf32, #tpu.memory_space<vmem_shared>>
      tpu.wait_dma2 semaphore(%run_scoped3A : memref<!tpu.dma_semaphore, #tpu.memory_space<semaphore_mem>>) src(%arg10 : memref<128x64xf32, #tpu.memory_space<vmem>>) dst(%dma_wait3A_69 : memref<128x64xf32, #tpu.memory_space<vmem_shared>>)
      tpu.yield
    }) : () -> ()
    %mul3A_19 = arith.constant 640 : i32
    %mul3A_20 = arith.muli %arg1, %mul3A_19 : i32
    %add3A_21 = arith.constant 512 : i32
    %add3A_22 = arith.addi %mul3A_20, %add3A_21 : i32
    "tpu.region"() ({
      %run_scoped3A = tpu.sem_alloc : memref<!tpu.dma_semaphore, #tpu.memory_space<semaphore_mem>>
      %dma_start3A_63 = arith.constant 0 : i32
      %dma_start3A_64 = tpu.memref_slice %arg11[%add3A_22, %dma_start3A_63] : memref<10240x64xf32, #tpu.memory_space<vmem_shared>> -> memref<128x64xf32, #tpu.memory_space<vmem_shared>>
      %dma_start3A_65 = arith.constant 0 : i32
      %dma_start3A_66 = tpu.memref_slice %arg11[%add3A_22, %dma_start3A_65] : memref<10240x64xf32, #tpu.memory_space<vmem_shared>> -> memref<128x64xf32, #tpu.memory_space<vmem_shared>>
      tpu.enqueue_dma source(%arg10 : memref<128x64xf32, #tpu.memory_space<vmem>>) target(%dma_start3A_66 : memref<128x64xf32, #tpu.memory_space<vmem_shared>>) target_semaphore(%run_scoped3A : memref<!tpu.dma_semaphore, #tpu.memory_space<semaphore_mem>>)
      %dma_wait3A = arith.constant 0 : i32
      %dma_wait3A_67 = tpu.memref_slice %arg11[%add3A_22, %dma_wait3A] : memref<10240x64xf32, #tpu.memory_space<vmem_shared>> -> memref<128x64xf32, #tpu.memory_space<vmem_shared>>
      %dma_wait3A_68 = arith.constant 0 : i32
      %dma_wait3A_69 = tpu.memref_slice %arg11[%add3A_22, %dma_wait3A_68] : memref<10240x64xf32, #tpu.memory_space<vmem_shared>> -> memref<128x64xf32, #tpu.memory_space<vmem_shared>>
      tpu.wait_dma2 semaphore(%run_scoped3A : memref<!tpu.dma_semaphore, #tpu.memory_space<semaphore_mem>>) src(%arg10 : memref<128x64xf32, #tpu.memory_space<vmem>>) dst(%dma_wait3A_69 : memref<128x64xf32, #tpu.memory_space<vmem_shared>>)
      tpu.yield
    }) : () -> ()
    %barrier3A = arith.constant 0 : index
    tpu.barrier barrier_id(%barrier3A)
    %dma_start3A = arith.constant 0 : i32
    %dma_start3A_23 = arith.constant 0 : i32
    %dma_start3A_24 = tpu.memref_slice %arg6[%dma_start3A, %dma_start3A_23] : memref<158x128xi32, #tpu.memory_space<vmem>> -> memref<1x128xi32, #tpu.memory_space<vmem>>
    %dma_start3A_25 = tpu.memref_squeeze %dma_start3A_24 : memref<1x128xi32, #tpu.memory_space<vmem>> -> memref<128xi32, #tpu.memory_space<vmem>>
    %dma_start3A_26 = arith.constant 0 : i32
    %dma_start3A_27 = arith.constant 0 : i32
    %dma_start3A_28 = tpu.memref_slice %arg4[%dma_start3A_26, %dma_start3A_27] : memref<20480x64xf32, #tpu.memory_space<hbm>> -> memref<20480x64xf32, #tpu.memory_space<hbm>>
    tpu.enqueue_indirect_dma source(%dma_start3A_28 : memref<20480x64xf32, #tpu.memory_space<hbm>>) target(%arg8 : memref<128x64xf32, #tpu.memory_space<vmem>>) offsets(%dma_start3A_25 : memref<128xi32, #tpu.memory_space<vmem>>) semaphore(%arg12 : memref<!tpu.dma_semaphore, #tpu.memory_space<semaphore_mem>>)
    %dma_start3A_29 = arith.constant 1 : i32
    %dma_start3A_30 = arith.constant 0 : i32
    %dma_start3A_31 = tpu.memref_slice %arg6[%dma_start3A_29, %dma_start3A_30] : memref<158x128xi32, #tpu.memory_space<vmem>> -> memref<1x128xi32, #tpu.memory_space<vmem>>
    %dma_start3A_32 = tpu.memref_squeeze %dma_start3A_31 : memref<1x128xi32, #tpu.memory_space<vmem>> -> memref<128xi32, #tpu.memory_space<vmem>>
    %dma_start3A_33 = arith.constant 0 : i32
    %dma_start3A_34 = arith.constant 0 : i32
    %dma_start3A_35 = tpu.memref_slice %arg4[%dma_start3A_33, %dma_start3A_34] : memref<20480x64xf32, #tpu.memory_space<hbm>> -> memref<20480x64xf32, #tpu.memory_space<hbm>>
    tpu.enqueue_indirect_dma source(%dma_start3A_35 : memref<20480x64xf32, #tpu.memory_space<hbm>>) target(%arg9 : memref<128x64xf32, #tpu.memory_space<vmem>>) offsets(%dma_start3A_32 : memref<128xi32, #tpu.memory_space<vmem>>) semaphore(%arg13 : memref<!tpu.dma_semaphore, #tpu.memory_space<semaphore_mem>>)
    %scan3A_36 = arith.constant 0 : i32
    %scan3A_37 = arith.constant 0 : i32
    %scan3A_38 = arith.constant 79 : i32
    %scan3A_39 = arith.addi %scan3A_37, %scan3A_38 : i32
    %scan3A_40 = arith.constant 1 : i32
    scf.for %scan3A_63 = %scan3A_37 to %scan3A_39 step %scan3A_40  : i32 {
      %mul3A_64 = arith.constant 2 : i32
      %mul3A_65 = arith.muli %scan3A_63, %mul3A_64 : i32
      %add3A_66 = arith.constant 0 : i32
      %add3A_67 = arith.addi %mul3A_65, %add3A_66 : i32
      %dma_wait3A = arith.constant 0 : i32
      %dma_wait3A_68 = tpu.memref_slice %arg6[%add3A_67, %dma_wait3A] : memref<158x128xi32, #tpu.memory_space<vmem>> -> memref<1x128xi32, #tpu.memory_space<vmem>>
      %dma_wait3A_69 = tpu.memref_squeeze %dma_wait3A_68 : memref<1x128xi32, #tpu.memory_space<vmem>> -> memref<128xi32, #tpu.memory_space<vmem>>
      %dma_wait3A_70 = arith.constant 0 : i32
      %dma_wait3A_71 = arith.constant 0 : i32
      %dma_wait3A_72 = tpu.memref_slice %arg4[%dma_wait3A_70, %dma_wait3A_71] : memref<20480x64xf32, #tpu.memory_space<hbm>> -> memref<20480x64xf32, #tpu.memory_space<hbm>>
      tpu.wait_indirect_dma semaphore(%arg12 : memref<!tpu.dma_semaphore, #tpu.memory_space<semaphore_mem>>) src(%dma_wait3A_72 : memref<20480x64xf32, #tpu.memory_space<hbm>>) dst(%arg8 : memref<128x64xf32, #tpu.memory_space<vmem>>)
      "tpu.region"() ({
        %run_scoped3A = tpu.sem_alloc : memref<!tpu.dma_semaphore, #tpu.memory_space<semaphore_mem>>
        %dma_start3A_94 = arith.constant 0 : i32
        %dma_start3A_95 = tpu.memref_slice %arg7[%add3A_67, %dma_start3A_94] : memref<158x128xi32, #tpu.memory_space<vmem>> -> memref<1x128xi32, #tpu.memory_space<vmem>>
        %dma_start3A_96 = tpu.memref_squeeze %dma_start3A_95 : memref<1x128xi32, #tpu.memory_space<vmem>> -> memref<128xi32, #tpu.memory_space<vmem>>
        %dma_start3A_97 = arith.constant 0 : i32
        %dma_start3A_98 = arith.constant 0 : i32
        %dma_start3A_99 = tpu.memref_slice %arg11[%dma_start3A_97, %dma_start3A_98] : memref<10240x64xf32, #tpu.memory_space<vmem_shared>> -> memref<10240x64xf32, #tpu.memory_space<vmem_shared>>
        tpu.enqueue_indirect_dma source(%arg8 : memref<128x64xf32, #tpu.memory_space<vmem>>) target(%dma_start3A_99 : memref<10240x64xf32, #tpu.memory_space<vmem_shared>>) offsets(%dma_start3A_96 : memref<128xi32, #tpu.memory_space<vmem>>) semaphore(%run_scoped3A : memref<!tpu.dma_semaphore, #tpu.memory_space<semaphore_mem>>) {add = true}
        %dma_wait3A_100 = arith.constant 0 : i32
        %dma_wait3A_101 = tpu.memref_slice %arg7[%add3A_67, %dma_wait3A_100] : memref<158x128xi32, #tpu.memory_space<vmem>> -> memref<1x128xi32, #tpu.memory_space<vmem>>
        %dma_wait3A_102 = tpu.memref_squeeze %dma_wait3A_101 : memref<1x128xi32, #tpu.memory_space<vmem>> -> memref<128xi32, #tpu.memory_space<vmem>>
        %dma_wait3A_103 = arith.constant 0 : i32
        %dma_wait3A_104 = arith.constant 0 : i32
        %dma_wait3A_105 = tpu.memref_slice %arg11[%dma_wait3A_103, %dma_wait3A_104] : memref<10240x64xf32, #tpu.memory_space<vmem_shared>> -> memref<10240x64xf32, #tpu.memory_space<vmem_shared>>
        tpu.wait_indirect_dma semaphore(%run_scoped3A : memref<!tpu.dma_semaphore, #tpu.memory_space<semaphore_mem>>) src(%arg8 : memref<128x64xf32, #tpu.memory_space<vmem>>) dst(%dma_wait3A_105 : memref<10240x64xf32, #tpu.memory_space<vmem_shared>>)
        tpu.yield
      }) : () -> ()
      %add3A_73 = arith.constant 2 : i32
      %add3A_74 = arith.addi %add3A_67, %add3A_73 : i32
      %lt3A = arith.constant 158 : i32
      %lt3A_75 = arith.cmpi slt, %add3A_74, %lt3A : i32
      %convert_element_type3A = arith.extui %lt3A_75 : i1 to i32
      %cond3A = arith.constant 0 : i32
      %cond3A_76 = arith.cmpi ne, %convert_element_type3A, %cond3A : i32
      scf.if %cond3A_76 {
        %add3A_94 = arith.constant 2 : i32
        %add3A_95 = arith.addi %add3A_67, %add3A_94 : i32
        %dma_start3A_96 = arith.constant 0 : i32
        %dma_start3A_97 = tpu.memref_slice %arg6[%add3A_95, %dma_start3A_96] : memref<158x128xi32, #tpu.memory_space<vmem>> -> memref<1x128xi32, #tpu.memory_space<vmem>>
        %dma_start3A_98 = tpu.memref_squeeze %dma_start3A_97 : memref<1x128xi32, #tpu.memory_space<vmem>> -> memref<128xi32, #tpu.memory_space<vmem>>
        %dma_start3A_99 = arith.constant 0 : i32
        %dma_start3A_100 = arith.constant 0 : i32
        %dma_start3A_101 = tpu.memref_slice %arg4[%dma_start3A_99, %dma_start3A_100] : memref<20480x64xf32, #tpu.memory_space<hbm>> -> memref<20480x64xf32, #tpu.memory_space<hbm>>
        tpu.enqueue_indirect_dma source(%dma_start3A_101 : memref<20480x64xf32, #tpu.memory_space<hbm>>) target(%arg8 : memref<128x64xf32, #tpu.memory_space<vmem>>) offsets(%dma_start3A_98 : memref<128xi32, #tpu.memory_space<vmem>>) semaphore(%arg12 : memref<!tpu.dma_semaphore, #tpu.memory_space<semaphore_mem>>)
      } else {
      }
      %mul3A_77 = arith.constant 2 : i32
      %mul3A_78 = arith.muli %scan3A_63, %mul3A_77 : i32
      %add3A_79 = arith.constant 1 : i32
      %add3A_80 = arith.addi %mul3A_78, %add3A_79 : i32
      %dma_wait3A_81 = arith.constant 0 : i32
      %dma_wait3A_82 = tpu.memref_slice %arg6[%add3A_80, %dma_wait3A_81] : memref<158x128xi32, #tpu.memory_space<vmem>> -> memref<1x128xi32, #tpu.memory_space<vmem>>
      %dma_wait3A_83 = tpu.memref_squeeze %dma_wait3A_82 : memref<1x128xi32, #tpu.memory_space<vmem>> -> memref<128xi32, #tpu.memory_space<vmem>>
      %dma_wait3A_84 = arith.constant 0 : i32
      %dma_wait3A_85 = arith.constant 0 : i32
      %dma_wait3A_86 = tpu.memref_slice %arg4[%dma_wait3A_84, %dma_wait3A_85] : memref<20480x64xf32, #tpu.memory_space<hbm>> -> memref<20480x64xf32, #tpu.memory_space<hbm>>
      tpu.wait_indirect_dma semaphore(%arg13 : memref<!tpu.dma_semaphore, #tpu.memory_space<semaphore_mem>>) src(%dma_wait3A_86 : memref<20480x64xf32, #tpu.memory_space<hbm>>) dst(%arg9 : memref<128x64xf32, #tpu.memory_space<vmem>>)
      "tpu.region"() ({
        %run_scoped3A = tpu.sem_alloc : memref<!tpu.dma_semaphore, #tpu.memory_space<semaphore_mem>>
        %dma_start3A_94 = arith.constant 0 : i32
        %dma_start3A_95 = tpu.memref_slice %arg7[%add3A_80, %dma_start3A_94] : memref<158x128xi32, #tpu.memory_space<vmem>> -> memref<1x128xi32, #tpu.memory_space<vmem>>
        %dma_start3A_96 = tpu.memref_squeeze %dma_start3A_95 : memref<1x128xi32, #tpu.memory_space<vmem>> -> memref<128xi32, #tpu.memory_space<vmem>>
        %dma_start3A_97 = arith.constant 0 : i32
        %dma_start3A_98 = arith.constant 0 : i32
        %dma_start3A_99 = tpu.memref_slice %arg11[%dma_start3A_97, %dma_start3A_98] : memref<10240x64xf32, #tpu.memory_space<vmem_shared>> -> memref<10240x64xf32, #tpu.memory_space<vmem_shared>>
        tpu.enqueue_indirect_dma source(%arg9 : memref<128x64xf32, #tpu.memory_space<vmem>>) target(%dma_start3A_99 : memref<10240x64xf32, #tpu.memory_space<vmem_shared>>) offsets(%dma_start3A_96 : memref<128xi32, #tpu.memory_space<vmem>>) semaphore(%run_scoped3A : memref<!tpu.dma_semaphore, #tpu.memory_space<semaphore_mem>>) {add = true}
        %dma_wait3A_100 = arith.constant 0 : i32
        %dma_wait3A_101 = tpu.memref_slice %arg7[%add3A_80, %dma_wait3A_100] : memref<158x128xi32, #tpu.memory_space<vmem>> -> memref<1x128xi32, #tpu.memory_space<vmem>>
        %dma_wait3A_102 = tpu.memref_squeeze %dma_wait3A_101 : memref<1x128xi32, #tpu.memory_space<vmem>> -> memref<128xi32, #tpu.memory_space<vmem>>
        %dma_wait3A_103 = arith.constant 0 : i32
        %dma_wait3A_104 = arith.constant 0 : i32
        %dma_wait3A_105 = tpu.memref_slice %arg11[%dma_wait3A_103, %dma_wait3A_104] : memref<10240x64xf32, #tpu.memory_space<vmem_shared>> -> memref<10240x64xf32, #tpu.memory_space<vmem_shared>>
        tpu.wait_indirect_dma semaphore(%run_scoped3A : memref<!tpu.dma_semaphore, #tpu.memory_space<semaphore_mem>>) src(%arg9 : memref<128x64xf32, #tpu.memory_space<vmem>>) dst(%dma_wait3A_105 : memref<10240x64xf32, #tpu.memory_space<vmem_shared>>)
        tpu.yield
      }) : () -> ()
      %add3A_87 = arith.constant 2 : i32
      %add3A_88 = arith.addi %add3A_80, %add3A_87 : i32
      %lt3A_89 = arith.constant 158 : i32
      %lt3A_90 = arith.cmpi slt, %add3A_88, %lt3A_89 : i32
      %convert_element_type3A_91 = arith.extui %lt3A_90 : i1 to i32
      %cond3A_92 = arith.constant 0 : i32
      %cond3A_93 = arith.cmpi ne, %convert_element_type3A_91, %cond3A_92 : i32
      scf.if %cond3A_93 {
        %add3A_94 = arith.constant 2 : i32
        %add3A_95 = arith.addi %add3A_80, %add3A_94 : i32
        %dma_start3A_96 = arith.constant 0 : i32
        %dma_start3A_97 = tpu.memref_slice %arg6[%add3A_95, %dma_start3A_96] : memref<158x128xi32, #tpu.memory_space<vmem>> -> memref<1x128xi32, #tpu.memory_space<vmem>>
        %dma_start3A_98 = tpu.memref_squeeze %dma_start3A_97 : memref<1x128xi32, #tpu.memory_space<vmem>> -> memref<128xi32, #tpu.memory_space<vmem>>
        %dma_start3A_99 = arith.constant 0 : i32
        %dma_start3A_100 = arith.constant 0 : i32
        %dma_start3A_101 = tpu.memref_slice %arg4[%dma_start3A_99, %dma_start3A_100] : memref<20480x64xf32, #tpu.memory_space<hbm>> -> memref<20480x64xf32, #tpu.memory_space<hbm>>
        tpu.enqueue_indirect_dma source(%dma_start3A_101 : memref<20480x64xf32, #tpu.memory_space<hbm>>) target(%arg9 : memref<128x64xf32, #tpu.memory_space<vmem>>) offsets(%dma_start3A_98 : memref<128xi32, #tpu.memory_space<vmem>>) semaphore(%arg13 : memref<!tpu.dma_semaphore, #tpu.memory_space<semaphore_mem>>)
      } else {
      }
    }
    %scan3A_41 = arith.constant 79 : i32
    %barrier3A_42 = arith.constant 0 : index
    tpu.barrier barrier_id(%barrier3A_42)
    %mul3A_43 = arith.constant 640 : i32
    %mul3A_44 = arith.muli %arg1, %mul3A_43 : i32
    %add3A_45 = arith.constant 0 : i32
    %add3A_46 = arith.addi %mul3A_44, %add3A_45 : i32
    "tpu.region"() ({
      %run_scoped3A = tpu.sem_alloc : memref<!tpu.dma_semaphore, #tpu.memory_space<semaphore_mem>>
      %dma_start3A_63 = arith.constant 0 : i32
      %dma_start3A_64 = tpu.memref_slice %arg11[%add3A_46, %dma_start3A_63] : memref<10240x64xf32, #tpu.memory_space<vmem_shared>> -> memref<128x64xf32, #tpu.memory_space<vmem_shared>>
      %dma_start3A_65 = arith.constant 0 : i32
      %dma_start3A_66 = tpu.memref_slice %arg11[%add3A_46, %dma_start3A_65] : memref<10240x64xf32, #tpu.memory_space<vmem_shared>> -> memref<128x64xf32, #tpu.memory_space<vmem_shared>>
      tpu.enqueue_dma source(%dma_start3A_66 : memref<128x64xf32, #tpu.memory_space<vmem_shared>>) target(%arg8 : memref<128x64xf32, #tpu.memory_space<vmem>>) target_semaphore(%run_scoped3A : memref<!tpu.dma_semaphore, #tpu.memory_space<semaphore_mem>>)
      %dma_wait3A = arith.constant 0 : i32
      %dma_wait3A_67 = tpu.memref_slice %arg11[%add3A_46, %dma_wait3A] : memref<10240x64xf32, #tpu.memory_space<vmem_shared>> -> memref<128x64xf32, #tpu.memory_space<vmem_shared>>
      %dma_wait3A_68 = arith.constant 0 : i32
      %dma_wait3A_69 = tpu.memref_slice %arg11[%add3A_46, %dma_wait3A_68] : memref<10240x64xf32, #tpu.memory_space<vmem_shared>> -> memref<128x64xf32, #tpu.memory_space<vmem_shared>>
      tpu.wait_dma2 semaphore(%run_scoped3A : memref<!tpu.dma_semaphore, #tpu.memory_space<semaphore_mem>>) src(%dma_wait3A_69 : memref<128x64xf32, #tpu.memory_space<vmem_shared>>) dst(%arg8 : memref<128x64xf32, #tpu.memory_space<vmem>>)
      tpu.yield
    }) : () -> ()
    "tpu.region"() ({
      %run_scoped3A = tpu.sem_alloc : memref<!tpu.dma_semaphore, #tpu.memory_space<semaphore_mem>>
      %dma_start3A_63 = arith.constant 0 : i32
      %dma_start3A_64 = tpu.memref_slice %arg5[%arg0, %add3A_46, %dma_start3A_63] : memref<2x10240x64xf32, #tpu.memory_space<hbm>> -> memref<1x128x64xf32, #tpu.memory_space<hbm>>
      %dma_start3A_65 = tpu.memref_squeeze %dma_start3A_64 : memref<1x128x64xf32, #tpu.memory_space<hbm>> -> memref<128x64xf32, #tpu.memory_space<hbm>>
      %dma_start3A_66 = arith.constant 0 : i32
      %dma_start3A_67 = tpu.memref_slice %arg5[%arg0, %add3A_46, %dma_start3A_66] : memref<2x10240x64xf32, #tpu.memory_space<hbm>> -> memref<1x128x64xf32, #tpu.memory_space<hbm>>
      %dma_start3A_68 = tpu.memref_squeeze %dma_start3A_67 : memref<1x128x64xf32, #tpu.memory_space<hbm>> -> memref<128x64xf32, #tpu.memory_space<hbm>>
      tpu.enqueue_dma source(%arg8 : memref<128x64xf32, #tpu.memory_space<vmem>>) target(%dma_start3A_68 : memref<128x64xf32, #tpu.memory_space<hbm>>) target_semaphore(%run_scoped3A : memref<!tpu.dma_semaphore, #tpu.memory_space<semaphore_mem>>)
      %dma_wait3A = arith.constant 0 : i32
      %dma_wait3A_69 = tpu.memref_slice %arg5[%arg0, %add3A_46, %dma_wait3A] : memref<2x10240x64xf32, #tpu.memory_space<hbm>> -> memref<1x128x64xf32, #tpu.memory_space<hbm>>
      %dma_wait3A_70 = tpu.memref_squeeze %dma_wait3A_69 : memref<1x128x64xf32, #tpu.memory_space<hbm>> -> memref<128x64xf32, #tpu.memory_space<hbm>>
      %dma_wait3A_71 = arith.constant 0 : i32
      %dma_wait3A_72 = tpu.memref_slice %arg5[%arg0, %add3A_46, %dma_wait3A_71] : memref<2x10240x64xf32, #tpu.memory_space<hbm>> -> memref<1x128x64xf32, #tpu.memory_space<hbm>>
      %dma_wait3A_73 = tpu.memref_squeeze %dma_wait3A_72 : memref<1x128x64xf32, #tpu.memory_space<hbm>> -> memref<128x64xf32, #tpu.memory_space<hbm>>
      tpu.wait_dma2 semaphore(%run_scoped3A : memref<!tpu.dma_semaphore, #tpu.memory_space<semaphore_mem>>) src(%arg8 : memref<128x64xf32, #tpu.memory_space<vmem>>) dst(%dma_wait3A_73 : memref<128x64xf32, #tpu.memory_space<hbm>>)
      tpu.yield
    }) : () -> ()
    %mul3A_47 = arith.constant 640 : i32
    %mul3A_48 = arith.muli %arg1, %mul3A_47 : i32
    %add3A_49 = arith.constant 128 : i32
    %add3A_50 = arith.addi %mul3A_48, %add3A_49 : i32
    "tpu.region"() ({
      %run_scoped3A = tpu.sem_alloc : memref<!tpu.dma_semaphore, #tpu.memory_space<semaphore_mem>>
      %dma_start3A_63 = arith.constant 0 : i32
      %dma_start3A_64 = tpu.memref_slice %arg11[%add3A_50, %dma_start3A_63] : memref<10240x64xf32, #tpu.memory_space<vmem_shared>> -> memref<128x64xf32, #tpu.memory_space<vmem_shared>>
      %dma_start3A_65 = arith.constant 0 : i32
      %dma_start3A_66 = tpu.memref_slice %arg11[%add3A_50, %dma_start3A_65] : memref<10240x64xf32, #tpu.memory_space<vmem_shared>> -> memref<128x64xf32, #tpu.memory_space<vmem_shared>>
      tpu.enqueue_dma source(%dma_start3A_66 : memref<128x64xf32, #tpu.memory_space<vmem_shared>>) target(%arg8 : memref<128x64xf32, #tpu.memory_space<vmem>>) target_semaphore(%run_scoped3A : memref<!tpu.dma_semaphore, #tpu.memory_space<semaphore_mem>>)
      %dma_wait3A = arith.constant 0 : i32
      %dma_wait3A_67 = tpu.memref_slice %arg11[%add3A_50, %dma_wait3A] : memref<10240x64xf32, #tpu.memory_space<vmem_shared>> -> memref<128x64xf32, #tpu.memory_space<vmem_shared>>
      %dma_wait3A_68 = arith.constant 0 : i32
      %dma_wait3A_69 = tpu.memref_slice %arg11[%add3A_50, %dma_wait3A_68] : memref<10240x64xf32, #tpu.memory_space<vmem_shared>> -> memref<128x64xf32, #tpu.memory_space<vmem_shared>>
      tpu.wait_dma2 semaphore(%run_scoped3A : memref<!tpu.dma_semaphore, #tpu.memory_space<semaphore_mem>>) src(%dma_wait3A_69 : memref<128x64xf32, #tpu.memory_space<vmem_shared>>) dst(%arg8 : memref<128x64xf32, #tpu.memory_space<vmem>>)
      tpu.yield
    }) : () -> ()
    "tpu.region"() ({
      %run_scoped3A = tpu.sem_alloc : memref<!tpu.dma_semaphore, #tpu.memory_space<semaphore_mem>>
      %dma_start3A_63 = arith.constant 0 : i32
      %dma_start3A_64 = tpu.memref_slice %arg5[%arg0, %add3A_50, %dma_start3A_63] : memref<2x10240x64xf32, #tpu.memory_space<hbm>> -> memref<1x128x64xf32, #tpu.memory_space<hbm>>
      %dma_start3A_65 = tpu.memref_squeeze %dma_start3A_64 : memref<1x128x64xf32, #tpu.memory_space<hbm>> -> memref<128x64xf32, #tpu.memory_space<hbm>>
      %dma_start3A_66 = arith.constant 0 : i32
      %dma_start3A_67 = tpu.memref_slice %arg5[%arg0, %add3A_50, %dma_start3A_66] : memref<2x10240x64xf32, #tpu.memory_space<hbm>> -> memref<1x128x64xf32, #tpu.memory_space<hbm>>
      %dma_start3A_68 = tpu.memref_squeeze %dma_start3A_67 : memref<1x128x64xf32, #tpu.memory_space<hbm>> -> memref<128x64xf32, #tpu.memory_space<hbm>>
      tpu.enqueue_dma source(%arg8 : memref<128x64xf32, #tpu.memory_space<vmem>>) target(%dma_start3A_68 : memref<128x64xf32, #tpu.memory_space<hbm>>) target_semaphore(%run_scoped3A : memref<!tpu.dma_semaphore, #tpu.memory_space<semaphore_mem>>)
      %dma_wait3A = arith.constant 0 : i32
      %dma_wait3A_69 = tpu.memref_slice %arg5[%arg0, %add3A_50, %dma_wait3A] : memref<2x10240x64xf32, #tpu.memory_space<hbm>> -> memref<1x128x64xf32, #tpu.memory_space<hbm>>
      %dma_wait3A_70 = tpu.memref_squeeze %dma_wait3A_69 : memref<1x128x64xf32, #tpu.memory_space<hbm>> -> memref<128x64xf32, #tpu.memory_space<hbm>>
      %dma_wait3A_71 = arith.constant 0 : i32
      %dma_wait3A_72 = tpu.memref_slice %arg5[%arg0, %add3A_50, %dma_wait3A_71] : memref<2x10240x64xf32, #tpu.memory_space<hbm>> -> memref<1x128x64xf32, #tpu.memory_space<hbm>>
      %dma_wait3A_73 = tpu.memref_squeeze %dma_wait3A_72 : memref<1x128x64xf32, #tpu.memory_space<hbm>> -> memref<128x64xf32, #tpu.memory_space<hbm>>
      tpu.wait_dma2 semaphore(%run_scoped3A : memref<!tpu.dma_semaphore, #tpu.memory_space<semaphore_mem>>) src(%arg8 : memref<128x64xf32, #tpu.memory_space<vmem>>) dst(%dma_wait3A_73 : memref<128x64xf32, #tpu.memory_space<hbm>>)
      tpu.yield
    }) : () -> ()
    %mul3A_51 = arith.constant 640 : i32
    %mul3A_52 = arith.muli %arg1, %mul3A_51 : i32
    %add3A_53 = arith.constant 256 : i32
    %add3A_54 = arith.addi %mul3A_52, %add3A_53 : i32
    "tpu.region"() ({
      %run_scoped3A = tpu.sem_alloc : memref<!tpu.dma_semaphore, #tpu.memory_space<semaphore_mem>>
      %dma_start3A_63 = arith.constant 0 : i32
      %dma_start3A_64 = tpu.memref_slice %arg11[%add3A_54, %dma_start3A_63] : memref<10240x64xf32, #tpu.memory_space<vmem_shared>> -> memref<128x64xf32, #tpu.memory_space<vmem_shared>>
      %dma_start3A_65 = arith.constant 0 : i32
      %dma_start3A_66 = tpu.memref_slice %arg11[%add3A_54, %dma_start3A_65] : memref<10240x64xf32, #tpu.memory_space<vmem_shared>> -> memref<128x64xf32, #tpu.memory_space<vmem_shared>>
      tpu.enqueue_dma source(%dma_start3A_66 : memref<128x64xf32, #tpu.memory_space<vmem_shared>>) target(%arg8 : memref<128x64xf32, #tpu.memory_space<vmem>>) target_semaphore(%run_scoped3A : memref<!tpu.dma_semaphore, #tpu.memory_space<semaphore_mem>>)
      %dma_wait3A = arith.constant 0 : i32
      %dma_wait3A_67 = tpu.memref_slice %arg11[%add3A_54, %dma_wait3A] : memref<10240x64xf32, #tpu.memory_space<vmem_shared>> -> memref<128x64xf32, #tpu.memory_space<vmem_shared>>
      %dma_wait3A_68 = arith.constant 0 : i32
      %dma_wait3A_69 = tpu.memref_slice %arg11[%add3A_54, %dma_wait3A_68] : memref<10240x64xf32, #tpu.memory_space<vmem_shared>> -> memref<128x64xf32, #tpu.memory_space<vmem_shared>>
      tpu.wait_dma2 semaphore(%run_scoped3A : memref<!tpu.dma_semaphore, #tpu.memory_space<semaphore_mem>>) src(%dma_wait3A_69 : memref<128x64xf32, #tpu.memory_space<vmem_shared>>) dst(%arg8 : memref<128x64xf32, #tpu.memory_space<vmem>>)
      tpu.yield
    }) : () -> ()
    "tpu.region"() ({
      %run_scoped3A = tpu.sem_alloc : memref<!tpu.dma_semaphore, #tpu.memory_space<semaphore_mem>>
      %dma_start3A_63 = arith.constant 0 : i32
      %dma_start3A_64 = tpu.memref_slice %arg5[%arg0, %add3A_54, %dma_start3A_63] : memref<2x10240x64xf32, #tpu.memory_space<hbm>> -> memref<1x128x64xf32, #tpu.memory_space<hbm>>
      %dma_start3A_65 = tpu.memref_squeeze %dma_start3A_64 : memref<1x128x64xf32, #tpu.memory_space<hbm>> -> memref<128x64xf32, #tpu.memory_space<hbm>>
      %dma_start3A_66 = arith.constant 0 : i32
      %dma_start3A_67 = tpu.memref_slice %arg5[%arg0, %add3A_54, %dma_start3A_66] : memref<2x10240x64xf32, #tpu.memory_space<hbm>> -> memref<1x128x64xf32, #tpu.memory_space<hbm>>
      %dma_start3A_68 = tpu.memref_squeeze %dma_start3A_67 : memref<1x128x64xf32, #tpu.memory_space<hbm>> -> memref<128x64xf32, #tpu.memory_space<hbm>>
      tpu.enqueue_dma source(%arg8 : memref<128x64xf32, #tpu.memory_space<vmem>>) target(%dma_start3A_68 : memref<128x64xf32, #tpu.memory_space<hbm>>) target_semaphore(%run_scoped3A : memref<!tpu.dma_semaphore, #tpu.memory_space<semaphore_mem>>)
      %dma_wait3A = arith.constant 0 : i32
      %dma_wait3A_69 = tpu.memref_slice %arg5[%arg0, %add3A_54, %dma_wait3A] : memref<2x10240x64xf32, #tpu.memory_space<hbm>> -> memref<1x128x64xf32, #tpu.memory_space<hbm>>
      %dma_wait3A_70 = tpu.memref_squeeze %dma_wait3A_69 : memref<1x128x64xf32, #tpu.memory_space<hbm>> -> memref<128x64xf32, #tpu.memory_space<hbm>>
      %dma_wait3A_71 = arith.constant 0 : i32
      %dma_wait3A_72 = tpu.memref_slice %arg5[%arg0, %add3A_54, %dma_wait3A_71] : memref<2x10240x64xf32, #tpu.memory_space<hbm>> -> memref<1x128x64xf32, #tpu.memory_space<hbm>>
      %dma_wait3A_73 = tpu.memref_squeeze %dma_wait3A_72 : memref<1x128x64xf32, #tpu.memory_space<hbm>> -> memref<128x64xf32, #tpu.memory_space<hbm>>
      tpu.wait_dma2 semaphore(%run_scoped3A : memref<!tpu.dma_semaphore, #tpu.memory_space<semaphore_mem>>) src(%arg8 : memref<128x64xf32, #tpu.memory_space<vmem>>) dst(%dma_wait3A_73 : memref<128x64xf32, #tpu.memory_space<hbm>>)
      tpu.yield
    }) : () -> ()
    %mul3A_55 = arith.constant 640 : i32
    %mul3A_56 = arith.muli %arg1, %mul3A_55 : i32
    %add3A_57 = arith.constant 384 : i32
    %add3A_58 = arith.addi %mul3A_56, %add3A_57 : i32
    "tpu.region"() ({
      %run_scoped3A = tpu.sem_alloc : memref<!tpu.dma_semaphore, #tpu.memory_space<semaphore_mem>>
      %dma_start3A_63 = arith.constant 0 : i32
      %dma_start3A_64 = tpu.memref_slice %arg11[%add3A_58, %dma_start3A_63] : memref<10240x64xf32, #tpu.memory_space<vmem_shared>> -> memref<128x64xf32, #tpu.memory_space<vmem_shared>>
      %dma_start3A_65 = arith.constant 0 : i32
      %dma_start3A_66 = tpu.memref_slice %arg11[%add3A_58, %dma_start3A_65] : memref<10240x64xf32, #tpu.memory_space<vmem_shared>> -> memref<128x64xf32, #tpu.memory_space<vmem_shared>>
      tpu.enqueue_dma source(%dma_start3A_66 : memref<128x64xf32, #tpu.memory_space<vmem_shared>>) target(%arg8 : memref<128x64xf32, #tpu.memory_space<vmem>>) target_semaphore(%run_scoped3A : memref<!tpu.dma_semaphore, #tpu.memory_space<semaphore_mem>>)
      %dma_wait3A = arith.constant 0 : i32
      %dma_wait3A_67 = tpu.memref_slice %arg11[%add3A_58, %dma_wait3A] : memref<10240x64xf32, #tpu.memory_space<vmem_shared>> -> memref<128x64xf32, #tpu.memory_space<vmem_shared>>
      %dma_wait3A_68 = arith.constant 0 : i32
      %dma_wait3A_69 = tpu.memref_slice %arg11[%add3A_58, %dma_wait3A_68] : memref<10240x64xf32, #tpu.memory_space<vmem_shared>> -> memref<128x64xf32, #tpu.memory_space<vmem_shared>>
      tpu.wait_dma2 semaphore(%run_scoped3A : memref<!tpu.dma_semaphore, #tpu.memory_space<semaphore_mem>>) src(%dma_wait3A_69 : memref<128x64xf32, #tpu.memory_space<vmem_shared>>) dst(%arg8 : memref<128x64xf32, #tpu.memory_space<vmem>>)
      tpu.yield
    }) : () -> ()
    "tpu.region"() ({
      %run_scoped3A = tpu.sem_alloc : memref<!tpu.dma_semaphore, #tpu.memory_space<semaphore_mem>>
      %dma_start3A_63 = arith.constant 0 : i32
      %dma_start3A_64 = tpu.memref_slice %arg5[%arg0, %add3A_58, %dma_start3A_63] : memref<2x10240x64xf32, #tpu.memory_space<hbm>> -> memref<1x128x64xf32, #tpu.memory_space<hbm>>
      %dma_start3A_65 = tpu.memref_squeeze %dma_start3A_64 : memref<1x128x64xf32, #tpu.memory_space<hbm>> -> memref<128x64xf32, #tpu.memory_space<hbm>>
      %dma_start3A_66 = arith.constant 0 : i32
      %dma_start3A_67 = tpu.memref_slice %arg5[%arg0, %add3A_58, %dma_start3A_66] : memref<2x10240x64xf32, #tpu.memory_space<hbm>> -> memref<1x128x64xf32, #tpu.memory_space<hbm>>
      %dma_start3A_68 = tpu.memref_squeeze %dma_start3A_67 : memref<1x128x64xf32, #tpu.memory_space<hbm>> -> memref<128x64xf32, #tpu.memory_space<hbm>>
      tpu.enqueue_dma source(%arg8 : memref<128x64xf32, #tpu.memory_space<vmem>>) target(%dma_start3A_68 : memref<128x64xf32, #tpu.memory_space<hbm>>) target_semaphore(%run_scoped3A : memref<!tpu.dma_semaphore, #tpu.memory_space<semaphore_mem>>)
      %dma_wait3A = arith.constant 0 : i32
      %dma_wait3A_69 = tpu.memref_slice %arg5[%arg0, %add3A_58, %dma_wait3A] : memref<2x10240x64xf32, #tpu.memory_space<hbm>> -> memref<1x128x64xf32, #tpu.memory_space<hbm>>
      %dma_wait3A_70 = tpu.memref_squeeze %dma_wait3A_69 : memref<1x128x64xf32, #tpu.memory_space<hbm>> -> memref<128x64xf32, #tpu.memory_space<hbm>>
      %dma_wait3A_71 = arith.constant 0 : i32
      %dma_wait3A_72 = tpu.memref_slice %arg5[%arg0, %add3A_58, %dma_wait3A_71] : memref<2x10240x64xf32, #tpu.memory_space<hbm>> -> memref<1x128x64xf32, #tpu.memory_space<hbm>>
      %dma_wait3A_73 = tpu.memref_squeeze %dma_wait3A_72 : memref<1x128x64xf32, #tpu.memory_space<hbm>> -> memref<128x64xf32, #tpu.memory_space<hbm>>
      tpu.wait_dma2 semaphore(%run_scoped3A : memref<!tpu.dma_semaphore, #tpu.memory_space<semaphore_mem>>) src(%arg8 : memref<128x64xf32, #tpu.memory_space<vmem>>) dst(%dma_wait3A_73 : memref<128x64xf32, #tpu.memory_space<hbm>>)
      tpu.yield
    }) : () -> ()
    %mul3A_59 = arith.constant 640 : i32
    %mul3A_60 = arith.muli %arg1, %mul3A_59 : i32
    %add3A_61 = arith.constant 512 : i32
    %add3A_62 = arith.addi %mul3A_60, %add3A_61 : i32
    "tpu.region"() ({
      %run_scoped3A = tpu.sem_alloc : memref<!tpu.dma_semaphore, #tpu.memory_space<semaphore_mem>>
      %dma_start3A_63 = arith.constant 0 : i32
      %dma_start3A_64 = tpu.memref_slice %arg11[%add3A_62, %dma_start3A_63] : memref<10240x64xf32, #tpu.memory_space<vmem_shared>> -> memref<128x64xf32, #tpu.memory_space<vmem_shared>>
      %dma_start3A_65 = arith.constant 0 : i32
      %dma_start3A_66 = tpu.memref_slice %arg11[%add3A_62, %dma_start3A_65] : memref<10240x64xf32, #tpu.memory_space<vmem_shared>> -> memref<128x64xf32, #tpu.memory_space<vmem_shared>>
      tpu.enqueue_dma source(%dma_start3A_66 : memref<128x64xf32, #tpu.memory_space<vmem_shared>>) target(%arg8 : memref<128x64xf32, #tpu.memory_space<vmem>>) target_semaphore(%run_scoped3A : memref<!tpu.dma_semaphore, #tpu.memory_space<semaphore_mem>>)
      %dma_wait3A = arith.constant 0 : i32
      %dma_wait3A_67 = tpu.memref_slice %arg11[%add3A_62, %dma_wait3A] : memref<10240x64xf32, #tpu.memory_space<vmem_shared>> -> memref<128x64xf32, #tpu.memory_space<vmem_shared>>
      %dma_wait3A_68 = arith.constant 0 : i32
      %dma_wait3A_69 = tpu.memref_slice %arg11[%add3A_62, %dma_wait3A_68] : memref<10240x64xf32, #tpu.memory_space<vmem_shared>> -> memref<128x64xf32, #tpu.memory_space<vmem_shared>>
      tpu.wait_dma2 semaphore(%run_scoped3A : memref<!tpu.dma_semaphore, #tpu.memory_space<semaphore_mem>>) src(%dma_wait3A_69 : memref<128x64xf32, #tpu.memory_space<vmem_shared>>) dst(%arg8 : memref<128x64xf32, #tpu.memory_space<vmem>>)
      tpu.yield
    }) : () -> ()
    "tpu.region"() ({
      %run_scoped3A = tpu.sem_alloc : memref<!tpu.dma_semaphore, #tpu.memory_space<semaphore_mem>>
      %dma_start3A_63 = arith.constant 0 : i32
      %dma_start3A_64 = tpu.memref_slice %arg5[%arg0, %add3A_62, %dma_start3A_63] : memref<2x10240x64xf32, #tpu.memory_space<hbm>> -> memref<1x128x64xf32, #tpu.memory_space<hbm>>
      %dma_start3A_65 = tpu.memref_squeeze %dma_start3A_64 : memref<1x128x64xf32, #tpu.memory_space<hbm>> -> memref<128x64xf32, #tpu.memory_space<hbm>>
      %dma_start3A_66 = arith.constant 0 : i32
      %dma_start3A_67 = tpu.memref_slice %arg5[%arg0, %add3A_62, %dma_start3A_66] : memref<2x10240x64xf32, #tpu.memory_space<hbm>> -> memref<1x128x64xf32, #tpu.memory_space<hbm>>
      %dma_start3A_68 = tpu.memref_squeeze %dma_start3A_67 : memref<1x128x64xf32, #tpu.memory_space<hbm>> -> memref<128x64xf32, #tpu.memory_space<hbm>>
      tpu.enqueue_dma source(%arg8 : memref<128x64xf32, #tpu.memory_space<vmem>>) target(%dma_start3A_68 : memref<128x64xf32, #tpu.memory_space<hbm>>) target_semaphore(%run_scoped3A : memref<!tpu.dma_semaphore, #tpu.memory_space<semaphore_mem>>)
      %dma_wait3A = arith.constant 0 : i32
      %dma_wait3A_69 = tpu.memref_slice %arg5[%arg0, %add3A_62, %dma_wait3A] : memref<2x10240x64xf32, #tpu.memory_space<hbm>> -> memref<1x128x64xf32, #tpu.memory_space<hbm>>
      %dma_wait3A_70 = tpu.memref_squeeze %dma_wait3A_69 : memref<1x128x64xf32, #tpu.memory_space<hbm>> -> memref<128x64xf32, #tpu.memory_space<hbm>>
      %dma_wait3A_71 = arith.constant 0 : i32
      %dma_wait3A_72 = tpu.memref_slice %arg5[%arg0, %add3A_62, %dma_wait3A_71] : memref<2x10240x64xf32, #tpu.memory_space<hbm>> -> memref<1x128x64xf32, #tpu.memory_space<hbm>>
      %dma_wait3A_73 = tpu.memref_squeeze %dma_wait3A_72 : memref<1x128x64xf32, #tpu.memory_space<hbm>> -> memref<128x64xf32, #tpu.memory_space<hbm>>
      tpu.wait_dma2 semaphore(%run_scoped3A : memref<!tpu.dma_semaphore, #tpu.memory_space<semaphore_mem>>) src(%arg8 : memref<128x64xf32, #tpu.memory_space<vmem>>) dst(%dma_wait3A_73 : memref<128x64xf32, #tpu.memory_space<hbm>>)
      tpu.yield
    }) : () -> ()
    return
  }
}

#map = affine_map<(d0, d1) -> (0, 0, 0, 0)>
#map1 = affine_map<(d0, d1) -> (0, 0, 0)>
#map2 = affine_map<(d0, d1) -> (0, 0)>
module attributes {stable_mosaic.version = 14 : i64} {
  func.func @_agg_body(%arg0: i32, %arg1: i32, %arg2: memref<2x16x158x128xi32, #tpu.memory_space<hbm>>, %arg3: memref<16x158x128xi32, #tpu.memory_space<hbm>>, %arg4: memref<20480x64xf32, #tpu.memory_space<hbm>>, %arg5: memref<2x10240x64xf32, #tpu.memory_space<hbm>>, %arg6: memref<158x128xi32, #tpu.memory_space<vmem>>, %arg7: memref<158x128xi32, #tpu.memory_space<vmem>>, %arg8: memref<128x64xf32, #tpu.memory_space<vmem>>, %arg9: memref<128x64xf32, #tpu.memory_space<vmem>>, %arg10: memref<128x64xf32, #tpu.memory_space<vmem>>, %arg11: memref<10240x64xf32, #tpu.memory_space<vmem_shared>>, %arg12: memref<!tpu.dma_semaphore, #tpu.memory_space<semaphore_mem>>, %arg13: memref<!tpu.dma_semaphore, #tpu.memory_space<semaphore_mem>>) attributes {dimension_semantics = [#tpu.dimension_semantics<core_parallel>, #tpu.dimension_semantics<subcore_parallel>], iteration_bounds = array<i64: 2, 16>, scalar_prefetch = 0 : i64, scratch_operands = 8 : i64, tpu.core_type = #tpu.core_type<sc_vector_subcore>, window_params = [{transform_indices = #map}, {transform_indices = #map1}, {transform_indices = #map2}, {transform_indices = #map1}]} {
    "tpu.region"() ({
      %run_scoped3A = tpu.sem_alloc : memref<!tpu.dma_semaphore, #tpu.memory_space<semaphore_mem>>
      %dma_start3A_63 = arith.constant 0 : i32
      %dma_start3A_64 = arith.constant 0 : i32
      %dma_start3A_65 = tpu.memref_slice %arg2[%arg0, %arg1, %dma_start3A_63, %dma_start3A_64] : memref<2x16x158x128xi32, #tpu.memory_space<hbm>> -> memref<1x1x158x128xi32, #tpu.memory_space<hbm>>
      %dma_start3A_66 = tpu.memref_squeeze %dma_start3A_65 : memref<1x1x158x128xi32, #tpu.memory_space<hbm>> -> memref<158x128xi32, #tpu.memory_space<hbm>>
      %dma_start3A_67 = arith.constant 0 : i32
      %dma_start3A_68 = arith.constant 0 : i32
      %dma_start3A_69 = tpu.memref_slice %arg2[%arg0, %arg1, %dma_start3A_67, %dma_start3A_68] : memref<2x16x158x128xi32, #tpu.memory_space<hbm>> -> memref<1x1x158x128xi32, #tpu.memory_space<hbm>>
      %dma_start3A_70 = tpu.memref_squeeze %dma_start3A_69 : memref<1x1x158x128xi32, #tpu.memory_space<hbm>> -> memref<158x128xi32, #tpu.memory_space<hbm>>
      tpu.enqueue_dma source(%dma_start3A_70 : memref<158x128xi32, #tpu.memory_space<hbm>>) target(%arg6 : memref<158x128xi32, #tpu.memory_space<vmem>>) target_semaphore(%run_scoped3A : memref<!tpu.dma_semaphore, #tpu.memory_space<semaphore_mem>>)
      %dma_wait3A = arith.constant 0 : i32
      %dma_wait3A_71 = arith.constant 0 : i32
      %dma_wait3A_72 = tpu.memref_slice %arg2[%arg0, %arg1, %dma_wait3A, %dma_wait3A_71] : memref<2x16x158x128xi32, #tpu.memory_space<hbm>> -> memref<1x1x158x128xi32, #tpu.memory_space<hbm>>
      %dma_wait3A_73 = tpu.memref_squeeze %dma_wait3A_72 : memref<1x1x158x128xi32, #tpu.memory_space<hbm>> -> memref<158x128xi32, #tpu.memory_space<hbm>>
      %dma_wait3A_74 = arith.constant 0 : i32
      %dma_wait3A_75 = arith.constant 0 : i32
      %dma_wait3A_76 = tpu.memref_slice %arg2[%arg0, %arg1, %dma_wait3A_74, %dma_wait3A_75] : memref<2x16x158x128xi32, #tpu.memory_space<hbm>> -> memref<1x1x158x128xi32, #tpu.memory_space<hbm>>
      %dma_wait3A_77 = tpu.memref_squeeze %dma_wait3A_76 : memref<1x1x158x128xi32, #tpu.memory_space<hbm>> -> memref<158x128xi32, #tpu.memory_space<hbm>>
      tpu.wait_dma2 semaphore(%run_scoped3A : memref<!tpu.dma_semaphore, #tpu.memory_space<semaphore_mem>>) src(%dma_wait3A_77 : memref<158x128xi32, #tpu.memory_space<hbm>>) dst(%arg6 : memref<158x128xi32, #tpu.memory_space<vmem>>)
      tpu.yield
    }) : () -> ()
    "tpu.region"() ({
      %run_scoped3A = tpu.sem_alloc : memref<!tpu.dma_semaphore, #tpu.memory_space<semaphore_mem>>
      %dma_start3A_63 = arith.constant 0 : i32
      %dma_start3A_64 = arith.constant 0 : i32
      %dma_start3A_65 = tpu.memref_slice %arg3[%arg1, %dma_start3A_63, %dma_start3A_64] : memref<16x158x128xi32, #tpu.memory_space<hbm>> -> memref<1x158x128xi32, #tpu.memory_space<hbm>>
      %dma_start3A_66 = tpu.memref_squeeze %dma_start3A_65 : memref<1x158x128xi32, #tpu.memory_space<hbm>> -> memref<158x128xi32, #tpu.memory_space<hbm>>
      %dma_start3A_67 = arith.constant 0 : i32
      %dma_start3A_68 = arith.constant 0 : i32
      %dma_start3A_69 = tpu.memref_slice %arg3[%arg1, %dma_start3A_67, %dma_start3A_68] : memref<16x158x128xi32, #tpu.memory_space<hbm>> -> memref<1x158x128xi32, #tpu.memory_space<hbm>>
      %dma_start3A_70 = tpu.memref_squeeze %dma_start3A_69 : memref<1x158x128xi32, #tpu.memory_space<hbm>> -> memref<158x128xi32, #tpu.memory_space<hbm>>
      tpu.enqueue_dma source(%dma_start3A_70 : memref<158x128xi32, #tpu.memory_space<hbm>>) target(%arg7 : memref<158x128xi32, #tpu.memory_space<vmem>>) target_semaphore(%run_scoped3A : memref<!tpu.dma_semaphore, #tpu.memory_space<semaphore_mem>>)
      %dma_wait3A = arith.constant 0 : i32
      %dma_wait3A_71 = arith.constant 0 : i32
      %dma_wait3A_72 = tpu.memref_slice %arg3[%arg1, %dma_wait3A, %dma_wait3A_71] : memref<16x158x128xi32, #tpu.memory_space<hbm>> -> memref<1x158x128xi32, #tpu.memory_space<hbm>>
      %dma_wait3A_73 = tpu.memref_squeeze %dma_wait3A_72 : memref<1x158x128xi32, #tpu.memory_space<hbm>> -> memref<158x128xi32, #tpu.memory_space<hbm>>
      %dma_wait3A_74 = arith.constant 0 : i32
      %dma_wait3A_75 = arith.constant 0 : i32
      %dma_wait3A_76 = tpu.memref_slice %arg3[%arg1, %dma_wait3A_74, %dma_wait3A_75] : memref<16x158x128xi32, #tpu.memory_space<hbm>> -> memref<1x158x128xi32, #tpu.memory_space<hbm>>
      %dma_wait3A_77 = tpu.memref_squeeze %dma_wait3A_76 : memref<1x158x128xi32, #tpu.memory_space<hbm>> -> memref<158x128xi32, #tpu.memory_space<hbm>>
      tpu.wait_dma2 semaphore(%run_scoped3A : memref<!tpu.dma_semaphore, #tpu.memory_space<semaphore_mem>>) src(%dma_wait3A_77 : memref<158x128xi32, #tpu.memory_space<hbm>>) dst(%arg7 : memref<158x128xi32, #tpu.memory_space<vmem>>)
      tpu.yield
    }) : () -> ()
    %scan3A = arith.constant 0 : i32
    %scan3A_0 = arith.constant 0 : i32
    %scan3A_1 = arith.constant 128 : i32
    %scan3A_2 = arith.addi %scan3A_0, %scan3A_1 : i32
    %scan3A_3 = arith.constant 1 : i32
    scf.for %scan3A_63 = %scan3A_0 to %scan3A_2 step %scan3A_3  : i32 {
      %broadcast_in_dim3A = arith.constant 0.000000e+00 : f32
      %broadcast_in_dim3A_64 = vector.broadcast %broadcast_in_dim3A : f32 to vector<16xf32>
      %swap3A = arith.index_cast %scan3A_63 : i32 to index
      %swap3A_65 = arith.constant 0 : index
      %swap3A_66 = tpu.vector_load %arg10[%swap3A, %swap3A_65] {strides = array<i32>} : memref<128x64xf32, #tpu.memory_space<vmem>>, vector<1x16xf32>,
      %swap3A_67 = vector.shape_cast %swap3A_66 : vector<1x16xf32> to vector<16xf32>
      %swap3A_68 = vector.shape_cast %broadcast_in_dim3A_64 : vector<16xf32> to vector<1x16xf32>
      tpu.vector_store %arg10[%swap3A, %swap3A_65], %swap3A_68 {strides = array<i32>} : memref<128x64xf32, #tpu.memory_space<vmem>>, vector<1x16xf32>,
      %broadcast_in_dim3A_69 = arith.constant 0.000000e+00 : f32
      %broadcast_in_dim3A_70 = vector.broadcast %broadcast_in_dim3A_69 : f32 to vector<16xf32>
      %swap3A_71 = arith.index_cast %scan3A_63 : i32 to index
      %swap3A_72 = arith.constant 16 : index
      %swap3A_73 = tpu.vector_load %arg10[%swap3A_71, %swap3A_72] {strides = array<i32>} : memref<128x64xf32, #tpu.memory_space<vmem>>, vector<1x16xf32>,
      %swap3A_74 = vector.shape_cast %swap3A_73 : vector<1x16xf32> to vector<16xf32>
      %swap3A_75 = vector.shape_cast %broadcast_in_dim3A_70 : vector<16xf32> to vector<1x16xf32>
      tpu.vector_store %arg10[%swap3A_71, %swap3A_72], %swap3A_75 {strides = array<i32>} : memref<128x64xf32, #tpu.memory_space<vmem>>, vector<1x16xf32>,
      %broadcast_in_dim3A_76 = arith.constant 0.000000e+00 : f32
      %broadcast_in_dim3A_77 = vector.broadcast %broadcast_in_dim3A_76 : f32 to vector<16xf32>
      %swap3A_78 = arith.index_cast %scan3A_63 : i32 to index
      %swap3A_79 = arith.constant 32 : index
      %swap3A_80 = tpu.vector_load %arg10[%swap3A_78, %swap3A_79] {strides = array<i32>} : memref<128x64xf32, #tpu.memory_space<vmem>>, vector<1x16xf32>,
      %swap3A_81 = vector.shape_cast %swap3A_80 : vector<1x16xf32> to vector<16xf32>
      %swap3A_82 = vector.shape_cast %broadcast_in_dim3A_77 : vector<16xf32> to vector<1x16xf32>
      tpu.vector_store %arg10[%swap3A_78, %swap3A_79], %swap3A_82 {strides = array<i32>} : memref<128x64xf32, #tpu.memory_space<vmem>>, vector<1x16xf32>,
      %broadcast_in_dim3A_83 = arith.constant 0.000000e+00 : f32
      %broadcast_in_dim3A_84 = vector.broadcast %broadcast_in_dim3A_83 : f32 to vector<16xf32>
      %swap3A_85 = arith.index_cast %scan3A_63 : i32 to index
      %swap3A_86 = arith.constant 48 : index
      %swap3A_87 = tpu.vector_load %arg10[%swap3A_85, %swap3A_86] {strides = array<i32>} : memref<128x64xf32, #tpu.memory_space<vmem>>, vector<1x16xf32>,
      %swap3A_88 = vector.shape_cast %swap3A_87 : vector<1x16xf32> to vector<16xf32>
      %swap3A_89 = vector.shape_cast %broadcast_in_dim3A_84 : vector<16xf32> to vector<1x16xf32>
      tpu.vector_store %arg10[%swap3A_85, %swap3A_86], %swap3A_89 {strides = array<i32>} : memref<128x64xf32, #tpu.memory_space<vmem>>, vector<1x16xf32>,
    }
    %scan3A_4 = arith.constant 128 : i32
    %mul3A = arith.constant 640 : i32
    %mul3A_5 = arith.muli %arg1, %mul3A : i32
    %add3A = arith.constant 0 : i32
    %add3A_6 = arith.addi %mul3A_5, %add3A : i32
    "tpu.region"() ({
      %run_scoped3A = tpu.sem_alloc : memref<!tpu.dma_semaphore, #tpu.memory_space<semaphore_mem>>
      %dma_start3A_63 = arith.constant 0 : i32
      %dma_start3A_64 = tpu.memref_slice %arg11[%add3A_6, %dma_start3A_63] : memref<10240x64xf32, #tpu.memory_space<vmem_shared>> -> memref<128x64xf32, #tpu.memory_space<vmem_shared>>
      %dma_start3A_65 = arith.constant 0 : i32
      %dma_start3A_66 = tpu.memref_slice %arg11[%add3A_6, %dma_start3A_65] : memref<10240x64xf32, #tpu.memory_space<vmem_shared>> -> memref<128x64xf32, #tpu.memory_space<vmem_shared>>
      tpu.enqueue_dma source(%arg10 : memref<128x64xf32, #tpu.memory_space<vmem>>) target(%dma_start3A_66 : memref<128x64xf32, #tpu.memory_space<vmem_shared>>) target_semaphore(%run_scoped3A : memref<!tpu.dma_semaphore, #tpu.memory_space<semaphore_mem>>)
      %dma_wait3A = arith.constant 0 : i32
      %dma_wait3A_67 = tpu.memref_slice %arg11[%add3A_6, %dma_wait3A] : memref<10240x64xf32, #tpu.memory_space<vmem_shared>> -> memref<128x64xf32, #tpu.memory_space<vmem_shared>>
      %dma_wait3A_68 = arith.constant 0 : i32
      %dma_wait3A_69 = tpu.memref_slice %arg11[%add3A_6, %dma_wait3A_68] : memref<10240x64xf32, #tpu.memory_space<vmem_shared>> -> memref<128x64xf32, #tpu.memory_space<vmem_shared>>
      tpu.wait_dma2 semaphore(%run_scoped3A : memref<!tpu.dma_semaphore, #tpu.memory_space<semaphore_mem>>) src(%arg10 : memref<128x64xf32, #tpu.memory_space<vmem>>) dst(%dma_wait3A_69 : memref<128x64xf32, #tpu.memory_space<vmem_shared>>)
      tpu.yield
    }) : () -> ()
    %mul3A_7 = arith.constant 640 : i32
    %mul3A_8 = arith.muli %arg1, %mul3A_7 : i32
    %add3A_9 = arith.constant 128 : i32
    %add3A_10 = arith.addi %mul3A_8, %add3A_9 : i32
    "tpu.region"() ({
      %run_scoped3A = tpu.sem_alloc : memref<!tpu.dma_semaphore, #tpu.memory_space<semaphore_mem>>
      %dma_start3A_63 = arith.constant 0 : i32
      %dma_start3A_64 = tpu.memref_slice %arg11[%add3A_10, %dma_start3A_63] : memref<10240x64xf32, #tpu.memory_space<vmem_shared>> -> memref<128x64xf32, #tpu.memory_space<vmem_shared>>
      %dma_start3A_65 = arith.constant 0 : i32
      %dma_start3A_66 = tpu.memref_slice %arg11[%add3A_10, %dma_start3A_65] : memref<10240x64xf32, #tpu.memory_space<vmem_shared>> -> memref<128x64xf32, #tpu.memory_space<vmem_shared>>
      tpu.enqueue_dma source(%arg10 : memref<128x64xf32, #tpu.memory_space<vmem>>) target(%dma_start3A_66 : memref<128x64xf32, #tpu.memory_space<vmem_shared>>) target_semaphore(%run_scoped3A : memref<!tpu.dma_semaphore, #tpu.memory_space<semaphore_mem>>)
      %dma_wait3A = arith.constant 0 : i32
      %dma_wait3A_67 = tpu.memref_slice %arg11[%add3A_10, %dma_wait3A] : memref<10240x64xf32, #tpu.memory_space<vmem_shared>> -> memref<128x64xf32, #tpu.memory_space<vmem_shared>>
      %dma_wait3A_68 = arith.constant 0 : i32
      %dma_wait3A_69 = tpu.memref_slice %arg11[%add3A_10, %dma_wait3A_68] : memref<10240x64xf32, #tpu.memory_space<vmem_shared>> -> memref<128x64xf32, #tpu.memory_space<vmem_shared>>
      tpu.wait_dma2 semaphore(%run_scoped3A : memref<!tpu.dma_semaphore, #tpu.memory_space<semaphore_mem>>) src(%arg10 : memref<128x64xf32, #tpu.memory_space<vmem>>) dst(%dma_wait3A_69 : memref<128x64xf32, #tpu.memory_space<vmem_shared>>)
      tpu.yield
    }) : () -> ()
    %mul3A_11 = arith.constant 640 : i32
    %mul3A_12 = arith.muli %arg1, %mul3A_11 : i32
    %add3A_13 = arith.constant 256 : i32
    %add3A_14 = arith.addi %mul3A_12, %add3A_13 : i32
    "tpu.region"() ({
      %run_scoped3A = tpu.sem_alloc : memref<!tpu.dma_semaphore, #tpu.memory_space<semaphore_mem>>
      %dma_start3A_63 = arith.constant 0 : i32
      %dma_start3A_64 = tpu.memref_slice %arg11[%add3A_14, %dma_start3A_63] : memref<10240x64xf32, #tpu.memory_space<vmem_shared>> -> memref<128x64xf32, #tpu.memory_space<vmem_shared>>
      %dma_start3A_65 = arith.constant 0 : i32
      %dma_start3A_66 = tpu.memref_slice %arg11[%add3A_14, %dma_start3A_65] : memref<10240x64xf32, #tpu.memory_space<vmem_shared>> -> memref<128x64xf32, #tpu.memory_space<vmem_shared>>
      tpu.enqueue_dma source(%arg10 : memref<128x64xf32, #tpu.memory_space<vmem>>) target(%dma_start3A_66 : memref<128x64xf32, #tpu.memory_space<vmem_shared>>) target_semaphore(%run_scoped3A : memref<!tpu.dma_semaphore, #tpu.memory_space<semaphore_mem>>)
      %dma_wait3A = arith.constant 0 : i32
      %dma_wait3A_67 = tpu.memref_slice %arg11[%add3A_14, %dma_wait3A] : memref<10240x64xf32, #tpu.memory_space<vmem_shared>> -> memref<128x64xf32, #tpu.memory_space<vmem_shared>>
      %dma_wait3A_68 = arith.constant 0 : i32
      %dma_wait3A_69 = tpu.memref_slice %arg11[%add3A_14, %dma_wait3A_68] : memref<10240x64xf32, #tpu.memory_space<vmem_shared>> -> memref<128x64xf32, #tpu.memory_space<vmem_shared>>
      tpu.wait_dma2 semaphore(%run_scoped3A : memref<!tpu.dma_semaphore, #tpu.memory_space<semaphore_mem>>) src(%arg10 : memref<128x64xf32, #tpu.memory_space<vmem>>) dst(%dma_wait3A_69 : memref<128x64xf32, #tpu.memory_space<vmem_shared>>)
      tpu.yield
    }) : () -> ()
    %mul3A_15 = arith.constant 640 : i32
    %mul3A_16 = arith.muli %arg1, %mul3A_15 : i32
    %add3A_17 = arith.constant 384 : i32
    %add3A_18 = arith.addi %mul3A_16, %add3A_17 : i32
    "tpu.region"() ({
      %run_scoped3A = tpu.sem_alloc : memref<!tpu.dma_semaphore, #tpu.memory_space<semaphore_mem>>
      %dma_start3A_63 = arith.constant 0 : i32
      %dma_start3A_64 = tpu.memref_slice %arg11[%add3A_18, %dma_start3A_63] : memref<10240x64xf32, #tpu.memory_space<vmem_shared>> -> memref<128x64xf32, #tpu.memory_space<vmem_shared>>
      %dma_start3A_65 = arith.constant 0 : i32
      %dma_start3A_66 = tpu.memref_slice %arg11[%add3A_18, %dma_start3A_65] : memref<10240x64xf32, #tpu.memory_space<vmem_shared>> -> memref<128x64xf32, #tpu.memory_space<vmem_shared>>
      tpu.enqueue_dma source(%arg10 : memref<128x64xf32, #tpu.memory_space<vmem>>) target(%dma_start3A_66 : memref<128x64xf32, #tpu.memory_space<vmem_shared>>) target_semaphore(%run_scoped3A : memref<!tpu.dma_semaphore, #tpu.memory_space<semaphore_mem>>)
      %dma_wait3A = arith.constant 0 : i32
      %dma_wait3A_67 = tpu.memref_slice %arg11[%add3A_18, %dma_wait3A] : memref<10240x64xf32, #tpu.memory_space<vmem_shared>> -> memref<128x64xf32, #tpu.memory_space<vmem_shared>>
      %dma_wait3A_68 = arith.constant 0 : i32
      %dma_wait3A_69 = tpu.memref_slice %arg11[%add3A_18, %dma_wait3A_68] : memref<10240x64xf32, #tpu.memory_space<vmem_shared>> -> memref<128x64xf32, #tpu.memory_space<vmem_shared>>
      tpu.wait_dma2 semaphore(%run_scoped3A : memref<!tpu.dma_semaphore, #tpu.memory_space<semaphore_mem>>) src(%arg10 : memref<128x64xf32, #tpu.memory_space<vmem>>) dst(%dma_wait3A_69 : memref<128x64xf32, #tpu.memory_space<vmem_shared>>)
      tpu.yield
    }) : () -> ()
    %mul3A_19 = arith.constant 640 : i32
    %mul3A_20 = arith.muli %arg1, %mul3A_19 : i32
    %add3A_21 = arith.constant 512 : i32
    %add3A_22 = arith.addi %mul3A_20, %add3A_21 : i32
    "tpu.region"() ({
      %run_scoped3A = tpu.sem_alloc : memref<!tpu.dma_semaphore, #tpu.memory_space<semaphore_mem>>
      %dma_start3A_63 = arith.constant 0 : i32
      %dma_start3A_64 = tpu.memref_slice %arg11[%add3A_22, %dma_start3A_63] : memref<10240x64xf32, #tpu.memory_space<vmem_shared>> -> memref<128x64xf32, #tpu.memory_space<vmem_shared>>
      %dma_start3A_65 = arith.constant 0 : i32
      %dma_start3A_66 = tpu.memref_slice %arg11[%add3A_22, %dma_start3A_65] : memref<10240x64xf32, #tpu.memory_space<vmem_shared>> -> memref<128x64xf32, #tpu.memory_space<vmem_shared>>
      tpu.enqueue_dma source(%arg10 : memref<128x64xf32, #tpu.memory_space<vmem>>) target(%dma_start3A_66 : memref<128x64xf32, #tpu.memory_space<vmem_shared>>) target_semaphore(%run_scoped3A : memref<!tpu.dma_semaphore, #tpu.memory_space<semaphore_mem>>)
      %dma_wait3A = arith.constant 0 : i32
      %dma_wait3A_67 = tpu.memref_slice %arg11[%add3A_22, %dma_wait3A] : memref<10240x64xf32, #tpu.memory_space<vmem_shared>> -> memref<128x64xf32, #tpu.memory_space<vmem_shared>>
      %dma_wait3A_68 = arith.constant 0 : i32
      %dma_wait3A_69 = tpu.memref_slice %arg11[%add3A_22, %dma_wait3A_68] : memref<10240x64xf32, #tpu.memory_space<vmem_shared>> -> memref<128x64xf32, #tpu.memory_space<vmem_shared>>
      tpu.wait_dma2 semaphore(%run_scoped3A : memref<!tpu.dma_semaphore, #tpu.memory_space<semaphore_mem>>) src(%arg10 : memref<128x64xf32, #tpu.memory_space<vmem>>) dst(%dma_wait3A_69 : memref<128x64xf32, #tpu.memory_space<vmem_shared>>)
      tpu.yield
    }) : () -> ()
    %barrier3A = arith.constant 0 : index
    tpu.barrier barrier_id(%barrier3A)
    %dma_start3A = arith.constant 0 : i32
    %dma_start3A_23 = arith.constant 0 : i32
    %dma_start3A_24 = tpu.memref_slice %arg6[%dma_start3A, %dma_start3A_23] : memref<158x128xi32, #tpu.memory_space<vmem>> -> memref<1x128xi32, #tpu.memory_space<vmem>>
    %dma_start3A_25 = tpu.memref_squeeze %dma_start3A_24 : memref<1x128xi32, #tpu.memory_space<vmem>> -> memref<128xi32, #tpu.memory_space<vmem>>
    %dma_start3A_26 = arith.constant 0 : i32
    %dma_start3A_27 = arith.constant 0 : i32
    %dma_start3A_28 = tpu.memref_slice %arg4[%dma_start3A_26, %dma_start3A_27] : memref<20480x64xf32, #tpu.memory_space<hbm>> -> memref<20480x64xf32, #tpu.memory_space<hbm>>
    tpu.enqueue_indirect_dma source(%dma_start3A_28 : memref<20480x64xf32, #tpu.memory_space<hbm>>) target(%arg8 : memref<128x64xf32, #tpu.memory_space<vmem>>) offsets(%dma_start3A_25 : memref<128xi32, #tpu.memory_space<vmem>>) semaphore(%arg12 : memref<!tpu.dma_semaphore, #tpu.memory_space<semaphore_mem>>)
    %dma_start3A_29 = arith.constant 1 : i32
    %dma_start3A_30 = arith.constant 0 : i32
    %dma_start3A_31 = tpu.memref_slice %arg6[%dma_start3A_29, %dma_start3A_30] : memref<158x128xi32, #tpu.memory_space<vmem>> -> memref<1x128xi32, #tpu.memory_space<vmem>>
    %dma_start3A_32 = tpu.memref_squeeze %dma_start3A_31 : memref<1x128xi32, #tpu.memory_space<vmem>> -> memref<128xi32, #tpu.memory_space<vmem>>
    %dma_start3A_33 = arith.constant 0 : i32
    %dma_start3A_34 = arith.constant 0 : i32
    %dma_start3A_35 = tpu.memref_slice %arg4[%dma_start3A_33, %dma_start3A_34] : memref<20480x64xf32, #tpu.memory_space<hbm>> -> memref<20480x64xf32, #tpu.memory_space<hbm>>
    tpu.enqueue_indirect_dma source(%dma_start3A_35 : memref<20480x64xf32, #tpu.memory_space<hbm>>) target(%arg9 : memref<128x64xf32, #tpu.memory_space<vmem>>) offsets(%dma_start3A_32 : memref<128xi32, #tpu.memory_space<vmem>>) semaphore(%arg13 : memref<!tpu.dma_semaphore, #tpu.memory_space<semaphore_mem>>)
    %scan3A_36 = arith.constant 0 : i32
    %scan3A_37 = arith.constant 0 : i32
    %scan3A_38 = arith.constant 79 : i32
    %scan3A_39 = arith.addi %scan3A_37, %scan3A_38 : i32
    %scan3A_40 = arith.constant 1 : i32
    scf.for %scan3A_63 = %scan3A_37 to %scan3A_39 step %scan3A_40  : i32 {
      %mul3A_64 = arith.constant 2 : i32
      %mul3A_65 = arith.muli %scan3A_63, %mul3A_64 : i32
      %add3A_66 = arith.constant 0 : i32
      %add3A_67 = arith.addi %mul3A_65, %add3A_66 : i32
      %dma_wait3A = arith.constant 0 : i32
      %dma_wait3A_68 = tpu.memref_slice %arg6[%add3A_67, %dma_wait3A] : memref<158x128xi32, #tpu.memory_space<vmem>> -> memref<1x128xi32, #tpu.memory_space<vmem>>
      %dma_wait3A_69 = tpu.memref_squeeze %dma_wait3A_68 : memref<1x128xi32, #tpu.memory_space<vmem>> -> memref<128xi32, #tpu.memory_space<vmem>>
      %dma_wait3A_70 = arith.constant 0 : i32
      %dma_wait3A_71 = arith.constant 0 : i32
      %dma_wait3A_72 = tpu.memref_slice %arg4[%dma_wait3A_70, %dma_wait3A_71] : memref<20480x64xf32, #tpu.memory_space<hbm>> -> memref<20480x64xf32, #tpu.memory_space<hbm>>
      tpu.wait_indirect_dma semaphore(%arg12 : memref<!tpu.dma_semaphore, #tpu.memory_space<semaphore_mem>>) src(%dma_wait3A_72 : memref<20480x64xf32, #tpu.memory_space<hbm>>) dst(%arg8 : memref<128x64xf32, #tpu.memory_space<vmem>>)
      "tpu.region"() ({
        %run_scoped3A = tpu.sem_alloc : memref<!tpu.dma_semaphore, #tpu.memory_space<semaphore_mem>>
        %dma_start3A_94 = arith.constant 0 : i32
        %dma_start3A_95 = tpu.memref_slice %arg7[%add3A_67, %dma_start3A_94] : memref<158x128xi32, #tpu.memory_space<vmem>> -> memref<1x128xi32, #tpu.memory_space<vmem>>
        %dma_start3A_96 = tpu.memref_squeeze %dma_start3A_95 : memref<1x128xi32, #tpu.memory_space<vmem>> -> memref<128xi32, #tpu.memory_space<vmem>>
        %dma_start3A_97 = arith.constant 0 : i32
        %dma_start3A_98 = arith.constant 0 : i32
        %dma_start3A_99 = tpu.memref_slice %arg11[%dma_start3A_97, %dma_start3A_98] : memref<10240x64xf32, #tpu.memory_space<vmem_shared>> -> memref<10240x64xf32, #tpu.memory_space<vmem_shared>>
        tpu.enqueue_indirect_dma source(%arg8 : memref<128x64xf32, #tpu.memory_space<vmem>>) target(%dma_start3A_99 : memref<10240x64xf32, #tpu.memory_space<vmem_shared>>) offsets(%dma_start3A_96 : memref<128xi32, #tpu.memory_space<vmem>>) semaphore(%run_scoped3A : memref<!tpu.dma_semaphore, #tpu.memory_space<semaphore_mem>>) {add = true}
        %dma_wait3A_100 = arith.constant 0 : i32
        %dma_wait3A_101 = tpu.memref_slice %arg7[%add3A_67, %dma_wait3A_100] : memref<158x128xi32, #tpu.memory_space<vmem>> -> memref<1x128xi32, #tpu.memory_space<vmem>>
        %dma_wait3A_102 = tpu.memref_squeeze %dma_wait3A_101 : memref<1x128xi32, #tpu.memory_space<vmem>> -> memref<128xi32, #tpu.memory_space<vmem>>
        %dma_wait3A_103 = arith.constant 0 : i32
        %dma_wait3A_104 = arith.constant 0 : i32
        %dma_wait3A_105 = tpu.memref_slice %arg11[%dma_wait3A_103, %dma_wait3A_104] : memref<10240x64xf32, #tpu.memory_space<vmem_shared>> -> memref<10240x64xf32, #tpu.memory_space<vmem_shared>>
        tpu.wait_indirect_dma semaphore(%run_scoped3A : memref<!tpu.dma_semaphore, #tpu.memory_space<semaphore_mem>>) src(%arg8 : memref<128x64xf32, #tpu.memory_space<vmem>>) dst(%dma_wait3A_105 : memref<10240x64xf32, #tpu.memory_space<vmem_shared>>)
        tpu.yield
      }) : () -> ()
      %add3A_73 = arith.constant 2 : i32
      %add3A_74 = arith.addi %add3A_67, %add3A_73 : i32
      %lt3A = arith.constant 158 : i32
      %lt3A_75 = arith.cmpi slt, %add3A_74, %lt3A : i32
      %convert_element_type3A = arith.extui %lt3A_75 : i1 to i32
      %cond3A = arith.constant 0 : i32
      %cond3A_76 = arith.cmpi ne, %convert_element_type3A, %cond3A : i32
      scf.if %cond3A_76 {
        %add3A_94 = arith.constant 2 : i32
        %add3A_95 = arith.addi %add3A_67, %add3A_94 : i32
        %dma_start3A_96 = arith.constant 0 : i32
        %dma_start3A_97 = tpu.memref_slice %arg6[%add3A_95, %dma_start3A_96] : memref<158x128xi32, #tpu.memory_space<vmem>> -> memref<1x128xi32, #tpu.memory_space<vmem>>
        %dma_start3A_98 = tpu.memref_squeeze %dma_start3A_97 : memref<1x128xi32, #tpu.memory_space<vmem>> -> memref<128xi32, #tpu.memory_space<vmem>>
        %dma_start3A_99 = arith.constant 0 : i32
        %dma_start3A_100 = arith.constant 0 : i32
        %dma_start3A_101 = tpu.memref_slice %arg4[%dma_start3A_99, %dma_start3A_100] : memref<20480x64xf32, #tpu.memory_space<hbm>> -> memref<20480x64xf32, #tpu.memory_space<hbm>>
        tpu.enqueue_indirect_dma source(%dma_start3A_101 : memref<20480x64xf32, #tpu.memory_space<hbm>>) target(%arg8 : memref<128x64xf32, #tpu.memory_space<vmem>>) offsets(%dma_start3A_98 : memref<128xi32, #tpu.memory_space<vmem>>) semaphore(%arg12 : memref<!tpu.dma_semaphore, #tpu.memory_space<semaphore_mem>>)
      } else {
      }
      %mul3A_77 = arith.constant 2 : i32
      %mul3A_78 = arith.muli %scan3A_63, %mul3A_77 : i32
      %add3A_79 = arith.constant 1 : i32
      %add3A_80 = arith.addi %mul3A_78, %add3A_79 : i32
      %dma_wait3A_81 = arith.constant 0 : i32
      %dma_wait3A_82 = tpu.memref_slice %arg6[%add3A_80, %dma_wait3A_81] : memref<158x128xi32, #tpu.memory_space<vmem>> -> memref<1x128xi32, #tpu.memory_space<vmem>>
      %dma_wait3A_83 = tpu.memref_squeeze %dma_wait3A_82 : memref<1x128xi32, #tpu.memory_space<vmem>> -> memref<128xi32, #tpu.memory_space<vmem>>
      %dma_wait3A_84 = arith.constant 0 : i32
      %dma_wait3A_85 = arith.constant 0 : i32
      %dma_wait3A_86 = tpu.memref_slice %arg4[%dma_wait3A_84, %dma_wait3A_85] : memref<20480x64xf32, #tpu.memory_space<hbm>> -> memref<20480x64xf32, #tpu.memory_space<hbm>>
      tpu.wait_indirect_dma semaphore(%arg13 : memref<!tpu.dma_semaphore, #tpu.memory_space<semaphore_mem>>) src(%dma_wait3A_86 : memref<20480x64xf32, #tpu.memory_space<hbm>>) dst(%arg9 : memref<128x64xf32, #tpu.memory_space<vmem>>)
      "tpu.region"() ({
        %run_scoped3A = tpu.sem_alloc : memref<!tpu.dma_semaphore, #tpu.memory_space<semaphore_mem>>
        %dma_start3A_94 = arith.constant 0 : i32
        %dma_start3A_95 = tpu.memref_slice %arg7[%add3A_80, %dma_start3A_94] : memref<158x128xi32, #tpu.memory_space<vmem>> -> memref<1x128xi32, #tpu.memory_space<vmem>>
        %dma_start3A_96 = tpu.memref_squeeze %dma_start3A_95 : memref<1x128xi32, #tpu.memory_space<vmem>> -> memref<128xi32, #tpu.memory_space<vmem>>
        %dma_start3A_97 = arith.constant 0 : i32
        %dma_start3A_98 = arith.constant 0 : i32
        %dma_start3A_99 = tpu.memref_slice %arg11[%dma_start3A_97, %dma_start3A_98] : memref<10240x64xf32, #tpu.memory_space<vmem_shared>> -> memref<10240x64xf32, #tpu.memory_space<vmem_shared>>
        tpu.enqueue_indirect_dma source(%arg9 : memref<128x64xf32, #tpu.memory_space<vmem>>) target(%dma_start3A_99 : memref<10240x64xf32, #tpu.memory_space<vmem_shared>>) offsets(%dma_start3A_96 : memref<128xi32, #tpu.memory_space<vmem>>) semaphore(%run_scoped3A : memref<!tpu.dma_semaphore, #tpu.memory_space<semaphore_mem>>) {add = true}
        %dma_wait3A_100 = arith.constant 0 : i32
        %dma_wait3A_101 = tpu.memref_slice %arg7[%add3A_80, %dma_wait3A_100] : memref<158x128xi32, #tpu.memory_space<vmem>> -> memref<1x128xi32, #tpu.memory_space<vmem>>
        %dma_wait3A_102 = tpu.memref_squeeze %dma_wait3A_101 : memref<1x128xi32, #tpu.memory_space<vmem>> -> memref<128xi32, #tpu.memory_space<vmem>>
        %dma_wait3A_103 = arith.constant 0 : i32
        %dma_wait3A_104 = arith.constant 0 : i32
        %dma_wait3A_105 = tpu.memref_slice %arg11[%dma_wait3A_103, %dma_wait3A_104] : memref<10240x64xf32, #tpu.memory_space<vmem_shared>> -> memref<10240x64xf32, #tpu.memory_space<vmem_shared>>
        tpu.wait_indirect_dma semaphore(%run_scoped3A : memref<!tpu.dma_semaphore, #tpu.memory_space<semaphore_mem>>) src(%arg9 : memref<128x64xf32, #tpu.memory_space<vmem>>) dst(%dma_wait3A_105 : memref<10240x64xf32, #tpu.memory_space<vmem_shared>>)
        tpu.yield
      }) : () -> ()
      %add3A_87 = arith.constant 2 : i32
      %add3A_88 = arith.addi %add3A_80, %add3A_87 : i32
      %lt3A_89 = arith.constant 158 : i32
      %lt3A_90 = arith.cmpi slt, %add3A_88, %lt3A_89 : i32
      %convert_element_type3A_91 = arith.extui %lt3A_90 : i1 to i32
      %cond3A_92 = arith.constant 0 : i32
      %cond3A_93 = arith.cmpi ne, %convert_element_type3A_91, %cond3A_92 : i32
      scf.if %cond3A_93 {
        %add3A_94 = arith.constant 2 : i32
        %add3A_95 = arith.addi %add3A_80, %add3A_94 : i32
        %dma_start3A_96 = arith.constant 0 : i32
        %dma_start3A_97 = tpu.memref_slice %arg6[%add3A_95, %dma_start3A_96] : memref<158x128xi32, #tpu.memory_space<vmem>> -> memref<1x128xi32, #tpu.memory_space<vmem>>
        %dma_start3A_98 = tpu.memref_squeeze %dma_start3A_97 : memref<1x128xi32, #tpu.memory_space<vmem>> -> memref<128xi32, #tpu.memory_space<vmem>>
        %dma_start3A_99 = arith.constant 0 : i32
        %dma_start3A_100 = arith.constant 0 : i32
        %dma_start3A_101 = tpu.memref_slice %arg4[%dma_start3A_99, %dma_start3A_100] : memref<20480x64xf32, #tpu.memory_space<hbm>> -> memref<20480x64xf32, #tpu.memory_space<hbm>>
        tpu.enqueue_indirect_dma source(%dma_start3A_101 : memref<20480x64xf32, #tpu.memory_space<hbm>>) target(%arg9 : memref<128x64xf32, #tpu.memory_space<vmem>>) offsets(%dma_start3A_98 : memref<128xi32, #tpu.memory_space<vmem>>) semaphore(%arg13 : memref<!tpu.dma_semaphore, #tpu.memory_space<semaphore_mem>>)
      } else {
      }
    }
    %scan3A_41 = arith.constant 79 : i32
    %barrier3A_42 = arith.constant 0 : index
    tpu.barrier barrier_id(%barrier3A_42)
    %mul3A_43 = arith.constant 640 : i32
    %mul3A_44 = arith.muli %arg1, %mul3A_43 : i32
    %add3A_45 = arith.constant 0 : i32
    %add3A_46 = arith.addi %mul3A_44, %add3A_45 : i32
    "tpu.region"() ({
      %run_scoped3A = tpu.sem_alloc : memref<!tpu.dma_semaphore, #tpu.memory_space<semaphore_mem>>
      %dma_start3A_63 = arith.constant 0 : i32
      %dma_start3A_64 = tpu.memref_slice %arg11[%add3A_46, %dma_start3A_63] : memref<10240x64xf32, #tpu.memory_space<vmem_shared>> -> memref<128x64xf32, #tpu.memory_space<vmem_shared>>
      %dma_start3A_65 = arith.constant 0 : i32
      %dma_start3A_66 = tpu.memref_slice %arg11[%add3A_46, %dma_start3A_65] : memref<10240x64xf32, #tpu.memory_space<vmem_shared>> -> memref<128x64xf32, #tpu.memory_space<vmem_shared>>
      tpu.enqueue_dma source(%dma_start3A_66 : memref<128x64xf32, #tpu.memory_space<vmem_shared>>) target(%arg8 : memref<128x64xf32, #tpu.memory_space<vmem>>) target_semaphore(%run_scoped3A : memref<!tpu.dma_semaphore, #tpu.memory_space<semaphore_mem>>)
      %dma_wait3A = arith.constant 0 : i32
      %dma_wait3A_67 = tpu.memref_slice %arg11[%add3A_46, %dma_wait3A] : memref<10240x64xf32, #tpu.memory_space<vmem_shared>> -> memref<128x64xf32, #tpu.memory_space<vmem_shared>>
      %dma_wait3A_68 = arith.constant 0 : i32
      %dma_wait3A_69 = tpu.memref_slice %arg11[%add3A_46, %dma_wait3A_68] : memref<10240x64xf32, #tpu.memory_space<vmem_shared>> -> memref<128x64xf32, #tpu.memory_space<vmem_shared>>
      tpu.wait_dma2 semaphore(%run_scoped3A : memref<!tpu.dma_semaphore, #tpu.memory_space<semaphore_mem>>) src(%dma_wait3A_69 : memref<128x64xf32, #tpu.memory_space<vmem_shared>>) dst(%arg8 : memref<128x64xf32, #tpu.memory_space<vmem>>)
      tpu.yield
    }) : () -> ()
    "tpu.region"() ({
      %run_scoped3A = tpu.sem_alloc : memref<!tpu.dma_semaphore, #tpu.memory_space<semaphore_mem>>
      %dma_start3A_63 = arith.constant 0 : i32
      %dma_start3A_64 = tpu.memref_slice %arg5[%arg0, %add3A_46, %dma_start3A_63] : memref<2x10240x64xf32, #tpu.memory_space<hbm>> -> memref<1x128x64xf32, #tpu.memory_space<hbm>>
      %dma_start3A_65 = tpu.memref_squeeze %dma_start3A_64 : memref<1x128x64xf32, #tpu.memory_space<hbm>> -> memref<128x64xf32, #tpu.memory_space<hbm>>
      %dma_start3A_66 = arith.constant 0 : i32
      %dma_start3A_67 = tpu.memref_slice %arg5[%arg0, %add3A_46, %dma_start3A_66] : memref<2x10240x64xf32, #tpu.memory_space<hbm>> -> memref<1x128x64xf32, #tpu.memory_space<hbm>>
      %dma_start3A_68 = tpu.memref_squeeze %dma_start3A_67 : memref<1x128x64xf32, #tpu.memory_space<hbm>> -> memref<128x64xf32, #tpu.memory_space<hbm>>
      tpu.enqueue_dma source(%arg8 : memref<128x64xf32, #tpu.memory_space<vmem>>) target(%dma_start3A_68 : memref<128x64xf32, #tpu.memory_space<hbm>>) target_semaphore(%run_scoped3A : memref<!tpu.dma_semaphore, #tpu.memory_space<semaphore_mem>>)
      %dma_wait3A = arith.constant 0 : i32
      %dma_wait3A_69 = tpu.memref_slice %arg5[%arg0, %add3A_46, %dma_wait3A] : memref<2x10240x64xf32, #tpu.memory_space<hbm>> -> memref<1x128x64xf32, #tpu.memory_space<hbm>>
      %dma_wait3A_70 = tpu.memref_squeeze %dma_wait3A_69 : memref<1x128x64xf32, #tpu.memory_space<hbm>> -> memref<128x64xf32, #tpu.memory_space<hbm>>
      %dma_wait3A_71 = arith.constant 0 : i32
      %dma_wait3A_72 = tpu.memref_slice %arg5[%arg0, %add3A_46, %dma_wait3A_71] : memref<2x10240x64xf32, #tpu.memory_space<hbm>> -> memref<1x128x64xf32, #tpu.memory_space<hbm>>
      %dma_wait3A_73 = tpu.memref_squeeze %dma_wait3A_72 : memref<1x128x64xf32, #tpu.memory_space<hbm>> -> memref<128x64xf32, #tpu.memory_space<hbm>>
      tpu.wait_dma2 semaphore(%run_scoped3A : memref<!tpu.dma_semaphore, #tpu.memory_space<semaphore_mem>>) src(%arg8 : memref<128x64xf32, #tpu.memory_space<vmem>>) dst(%dma_wait3A_73 : memref<128x64xf32, #tpu.memory_space<hbm>>)
      tpu.yield
    }) : () -> ()
    %mul3A_47 = arith.constant 640 : i32
    %mul3A_48 = arith.muli %arg1, %mul3A_47 : i32
    %add3A_49 = arith.constant 128 : i32
    %add3A_50 = arith.addi %mul3A_48, %add3A_49 : i32
    "tpu.region"() ({
      %run_scoped3A = tpu.sem_alloc : memref<!tpu.dma_semaphore, #tpu.memory_space<semaphore_mem>>
      %dma_start3A_63 = arith.constant 0 : i32
      %dma_start3A_64 = tpu.memref_slice %arg11[%add3A_50, %dma_start3A_63] : memref<10240x64xf32, #tpu.memory_space<vmem_shared>> -> memref<128x64xf32, #tpu.memory_space<vmem_shared>>
      %dma_start3A_65 = arith.constant 0 : i32
      %dma_start3A_66 = tpu.memref_slice %arg11[%add3A_50, %dma_start3A_65] : memref<10240x64xf32, #tpu.memory_space<vmem_shared>> -> memref<128x64xf32, #tpu.memory_space<vmem_shared>>
      tpu.enqueue_dma source(%dma_start3A_66 : memref<128x64xf32, #tpu.memory_space<vmem_shared>>) target(%arg8 : memref<128x64xf32, #tpu.memory_space<vmem>>) target_semaphore(%run_scoped3A : memref<!tpu.dma_semaphore, #tpu.memory_space<semaphore_mem>>)
      %dma_wait3A = arith.constant 0 : i32
      %dma_wait3A_67 = tpu.memref_slice %arg11[%add3A_50, %dma_wait3A] : memref<10240x64xf32, #tpu.memory_space<vmem_shared>> -> memref<128x64xf32, #tpu.memory_space<vmem_shared>>
      %dma_wait3A_68 = arith.constant 0 : i32
      %dma_wait3A_69 = tpu.memref_slice %arg11[%add3A_50, %dma_wait3A_68] : memref<10240x64xf32, #tpu.memory_space<vmem_shared>> -> memref<128x64xf32, #tpu.memory_space<vmem_shared>>
      tpu.wait_dma2 semaphore(%run_scoped3A : memref<!tpu.dma_semaphore, #tpu.memory_space<semaphore_mem>>) src(%dma_wait3A_69 : memref<128x64xf32, #tpu.memory_space<vmem_shared>>) dst(%arg8 : memref<128x64xf32, #tpu.memory_space<vmem>>)
      tpu.yield
    }) : () -> ()
    "tpu.region"() ({
      %run_scoped3A = tpu.sem_alloc : memref<!tpu.dma_semaphore, #tpu.memory_space<semaphore_mem>>
      %dma_start3A_63 = arith.constant 0 : i32
      %dma_start3A_64 = tpu.memref_slice %arg5[%arg0, %add3A_50, %dma_start3A_63] : memref<2x10240x64xf32, #tpu.memory_space<hbm>> -> memref<1x128x64xf32, #tpu.memory_space<hbm>>
      %dma_start3A_65 = tpu.memref_squeeze %dma_start3A_64 : memref<1x128x64xf32, #tpu.memory_space<hbm>> -> memref<128x64xf32, #tpu.memory_space<hbm>>
      %dma_start3A_66 = arith.constant 0 : i32
      %dma_start3A_67 = tpu.memref_slice %arg5[%arg0, %add3A_50, %dma_start3A_66] : memref<2x10240x64xf32, #tpu.memory_space<hbm>> -> memref<1x128x64xf32, #tpu.memory_space<hbm>>
      %dma_start3A_68 = tpu.memref_squeeze %dma_start3A_67 : memref<1x128x64xf32, #tpu.memory_space<hbm>> -> memref<128x64xf32, #tpu.memory_space<hbm>>
      tpu.enqueue_dma source(%arg8 : memref<128x64xf32, #tpu.memory_space<vmem>>) target(%dma_start3A_68 : memref<128x64xf32, #tpu.memory_space<hbm>>) target_semaphore(%run_scoped3A : memref<!tpu.dma_semaphore, #tpu.memory_space<semaphore_mem>>)
      %dma_wait3A = arith.constant 0 : i32
      %dma_wait3A_69 = tpu.memref_slice %arg5[%arg0, %add3A_50, %dma_wait3A] : memref<2x10240x64xf32, #tpu.memory_space<hbm>> -> memref<1x128x64xf32, #tpu.memory_space<hbm>>
      %dma_wait3A_70 = tpu.memref_squeeze %dma_wait3A_69 : memref<1x128x64xf32, #tpu.memory_space<hbm>> -> memref<128x64xf32, #tpu.memory_space<hbm>>
      %dma_wait3A_71 = arith.constant 0 : i32
      %dma_wait3A_72 = tpu.memref_slice %arg5[%arg0, %add3A_50, %dma_wait3A_71] : memref<2x10240x64xf32, #tpu.memory_space<hbm>> -> memref<1x128x64xf32, #tpu.memory_space<hbm>>
      %dma_wait3A_73 = tpu.memref_squeeze %dma_wait3A_72 : memref<1x128x64xf32, #tpu.memory_space<hbm>> -> memref<128x64xf32, #tpu.memory_space<hbm>>
      tpu.wait_dma2 semaphore(%run_scoped3A : memref<!tpu.dma_semaphore, #tpu.memory_space<semaphore_mem>>) src(%arg8 : memref<128x64xf32, #tpu.memory_space<vmem>>) dst(%dma_wait3A_73 : memref<128x64xf32, #tpu.memory_space<hbm>>)
      tpu.yield
    }) : () -> ()
    %mul3A_51 = arith.constant 640 : i32
    %mul3A_52 = arith.muli %arg1, %mul3A_51 : i32
    %add3A_53 = arith.constant 256 : i32
    %add3A_54 = arith.addi %mul3A_52, %add3A_53 : i32
    "tpu.region"() ({
      %run_scoped3A = tpu.sem_alloc : memref<!tpu.dma_semaphore, #tpu.memory_space<semaphore_mem>>
      %dma_start3A_63 = arith.constant 0 : i32
      %dma_start3A_64 = tpu.memref_slice %arg11[%add3A_54, %dma_start3A_63] : memref<10240x64xf32, #tpu.memory_space<vmem_shared>> -> memref<128x64xf32, #tpu.memory_space<vmem_shared>>
      %dma_start3A_65 = arith.constant 0 : i32
      %dma_start3A_66 = tpu.memref_slice %arg11[%add3A_54, %dma_start3A_65] : memref<10240x64xf32, #tpu.memory_space<vmem_shared>> -> memref<128x64xf32, #tpu.memory_space<vmem_shared>>
      tpu.enqueue_dma source(%dma_start3A_66 : memref<128x64xf32, #tpu.memory_space<vmem_shared>>) target(%arg8 : memref<128x64xf32, #tpu.memory_space<vmem>>) target_semaphore(%run_scoped3A : memref<!tpu.dma_semaphore, #tpu.memory_space<semaphore_mem>>)
      %dma_wait3A = arith.constant 0 : i32
      %dma_wait3A_67 = tpu.memref_slice %arg11[%add3A_54, %dma_wait3A] : memref<10240x64xf32, #tpu.memory_space<vmem_shared>> -> memref<128x64xf32, #tpu.memory_space<vmem_shared>>
      %dma_wait3A_68 = arith.constant 0 : i32
      %dma_wait3A_69 = tpu.memref_slice %arg11[%add3A_54, %dma_wait3A_68] : memref<10240x64xf32, #tpu.memory_space<vmem_shared>> -> memref<128x64xf32, #tpu.memory_space<vmem_shared>>
      tpu.wait_dma2 semaphore(%run_scoped3A : memref<!tpu.dma_semaphore, #tpu.memory_space<semaphore_mem>>) src(%dma_wait3A_69 : memref<128x64xf32, #tpu.memory_space<vmem_shared>>) dst(%arg8 : memref<128x64xf32, #tpu.memory_space<vmem>>)
      tpu.yield
    }) : () -> ()
    "tpu.region"() ({
      %run_scoped3A = tpu.sem_alloc : memref<!tpu.dma_semaphore, #tpu.memory_space<semaphore_mem>>
      %dma_start3A_63 = arith.constant 0 : i32
      %dma_start3A_64 = tpu.memref_slice %arg5[%arg0, %add3A_54, %dma_start3A_63] : memref<2x10240x64xf32, #tpu.memory_space<hbm>> -> memref<1x128x64xf32, #tpu.memory_space<hbm>>
      %dma_start3A_65 = tpu.memref_squeeze %dma_start3A_64 : memref<1x128x64xf32, #tpu.memory_space<hbm>> -> memref<128x64xf32, #tpu.memory_space<hbm>>
      %dma_start3A_66 = arith.constant 0 : i32
      %dma_start3A_67 = tpu.memref_slice %arg5[%arg0, %add3A_54, %dma_start3A_66] : memref<2x10240x64xf32, #tpu.memory_space<hbm>> -> memref<1x128x64xf32, #tpu.memory_space<hbm>>
      %dma_start3A_68 = tpu.memref_squeeze %dma_start3A_67 : memref<1x128x64xf32, #tpu.memory_space<hbm>> -> memref<128x64xf32, #tpu.memory_space<hbm>>
      tpu.enqueue_dma source(%arg8 : memref<128x64xf32, #tpu.memory_space<vmem>>) target(%dma_start3A_68 : memref<128x64xf32, #tpu.memory_space<hbm>>) target_semaphore(%run_scoped3A : memref<!tpu.dma_semaphore, #tpu.memory_space<semaphore_mem>>)
      %dma_wait3A = arith.constant 0 : i32
      %dma_wait3A_69 = tpu.memref_slice %arg5[%arg0, %add3A_54, %dma_wait3A] : memref<2x10240x64xf32, #tpu.memory_space<hbm>> -> memref<1x128x64xf32, #tpu.memory_space<hbm>>
      %dma_wait3A_70 = tpu.memref_squeeze %dma_wait3A_69 : memref<1x128x64xf32, #tpu.memory_space<hbm>> -> memref<128x64xf32, #tpu.memory_space<hbm>>
      %dma_wait3A_71 = arith.constant 0 : i32
      %dma_wait3A_72 = tpu.memref_slice %arg5[%arg0, %add3A_54, %dma_wait3A_71] : memref<2x10240x64xf32, #tpu.memory_space<hbm>> -> memref<1x128x64xf32, #tpu.memory_space<hbm>>
      %dma_wait3A_73 = tpu.memref_squeeze %dma_wait3A_72 : memref<1x128x64xf32, #tpu.memory_space<hbm>> -> memref<128x64xf32, #tpu.memory_space<hbm>>
      tpu.wait_dma2 semaphore(%run_scoped3A : memref<!tpu.dma_semaphore, #tpu.memory_space<semaphore_mem>>) src(%arg8 : memref<128x64xf32, #tpu.memory_space<vmem>>) dst(%dma_wait3A_73 : memref<128x64xf32, #tpu.memory_space<hbm>>)
      tpu.yield
    }) : () -> ()
    %mul3A_55 = arith.constant 640 : i32
    %mul3A_56 = arith.muli %arg1, %mul3A_55 : i32
    %add3A_57 = arith.constant 384 : i32
    %add3A_58 = arith.addi %mul3A_56, %add3A_57 : i32
    "tpu.region"() ({
      %run_scoped3A = tpu.sem_alloc : memref<!tpu.dma_semaphore, #tpu.memory_space<semaphore_mem>>
      %dma_start3A_63 = arith.constant 0 : i32
      %dma_start3A_64 = tpu.memref_slice %arg11[%add3A_58, %dma_start3A_63] : memref<10240x64xf32, #tpu.memory_space<vmem_shared>> -> memref<128x64xf32, #tpu.memory_space<vmem_shared>>
      %dma_start3A_65 = arith.constant 0 : i32
      %dma_start3A_66 = tpu.memref_slice %arg11[%add3A_58, %dma_start3A_65] : memref<10240x64xf32, #tpu.memory_space<vmem_shared>> -> memref<128x64xf32, #tpu.memory_space<vmem_shared>>
      tpu.enqueue_dma source(%dma_start3A_66 : memref<128x64xf32, #tpu.memory_space<vmem_shared>>) target(%arg8 : memref<128x64xf32, #tpu.memory_space<vmem>>) target_semaphore(%run_scoped3A : memref<!tpu.dma_semaphore, #tpu.memory_space<semaphore_mem>>)
      %dma_wait3A = arith.constant 0 : i32
      %dma_wait3A_67 = tpu.memref_slice %arg11[%add3A_58, %dma_wait3A] : memref<10240x64xf32, #tpu.memory_space<vmem_shared>> -> memref<128x64xf32, #tpu.memory_space<vmem_shared>>
      %dma_wait3A_68 = arith.constant 0 : i32
      %dma_wait3A_69 = tpu.memref_slice %arg11[%add3A_58, %dma_wait3A_68] : memref<10240x64xf32, #tpu.memory_space<vmem_shared>> -> memref<128x64xf32, #tpu.memory_space<vmem_shared>>
      tpu.wait_dma2 semaphore(%run_scoped3A : memref<!tpu.dma_semaphore, #tpu.memory_space<semaphore_mem>>) src(%dma_wait3A_69 : memref<128x64xf32, #tpu.memory_space<vmem_shared>>) dst(%arg8 : memref<128x64xf32, #tpu.memory_space<vmem>>)
      tpu.yield
    }) : () -> ()
    "tpu.region"() ({
      %run_scoped3A = tpu.sem_alloc : memref<!tpu.dma_semaphore, #tpu.memory_space<semaphore_mem>>
      %dma_start3A_63 = arith.constant 0 : i32
      %dma_start3A_64 = tpu.memref_slice %arg5[%arg0, %add3A_58, %dma_start3A_63] : memref<2x10240x64xf32, #tpu.memory_space<hbm>> -> memref<1x128x64xf32, #tpu.memory_space<hbm>>
      %dma_start3A_65 = tpu.memref_squeeze %dma_start3A_64 : memref<1x128x64xf32, #tpu.memory_space<hbm>> -> memref<128x64xf32, #tpu.memory_space<hbm>>
      %dma_start3A_66 = arith.constant 0 : i32
      %dma_start3A_67 = tpu.memref_slice %arg5[%arg0, %add3A_58, %dma_start3A_66] : memref<2x10240x64xf32, #tpu.memory_space<hbm>> -> memref<1x128x64xf32, #tpu.memory_space<hbm>>
      %dma_start3A_68 = tpu.memref_squeeze %dma_start3A_67 : memref<1x128x64xf32, #tpu.memory_space<hbm>> -> memref<128x64xf32, #tpu.memory_space<hbm>>
      tpu.enqueue_dma source(%arg8 : memref<128x64xf32, #tpu.memory_space<vmem>>) target(%dma_start3A_68 : memref<128x64xf32, #tpu.memory_space<hbm>>) target_semaphore(%run_scoped3A : memref<!tpu.dma_semaphore, #tpu.memory_space<semaphore_mem>>)
      %dma_wait3A = arith.constant 0 : i32
      %dma_wait3A_69 = tpu.memref_slice %arg5[%arg0, %add3A_58, %dma_wait3A] : memref<2x10240x64xf32, #tpu.memory_space<hbm>> -> memref<1x128x64xf32, #tpu.memory_space<hbm>>
      %dma_wait3A_70 = tpu.memref_squeeze %dma_wait3A_69 : memref<1x128x64xf32, #tpu.memory_space<hbm>> -> memref<128x64xf32, #tpu.memory_space<hbm>>
      %dma_wait3A_71 = arith.constant 0 : i32
      %dma_wait3A_72 = tpu.memref_slice %arg5[%arg0, %add3A_58, %dma_wait3A_71] : memref<2x10240x64xf32, #tpu.memory_space<hbm>> -> memref<1x128x64xf32, #tpu.memory_space<hbm>>
      %dma_wait3A_73 = tpu.memref_squeeze %dma_wait3A_72 : memref<1x128x64xf32, #tpu.memory_space<hbm>> -> memref<128x64xf32, #tpu.memory_space<hbm>>
      tpu.wait_dma2 semaphore(%run_scoped3A : memref<!tpu.dma_semaphore, #tpu.memory_space<semaphore_mem>>) src(%arg8 : memref<128x64xf32, #tpu.memory_space<vmem>>) dst(%dma_wait3A_73 : memref<128x64xf32, #tpu.memory_space<hbm>>)
      tpu.yield
    }) : () -> ()
    %mul3A_59 = arith.constant 640 : i32
    %mul3A_60 = arith.muli %arg1, %mul3A_59 : i32
    %add3A_61 = arith.constant 512 : i32
    %add3A_62 = arith.addi %mul3A_60, %add3A_61 : i32
    "tpu.region"() ({
      %run_scoped3A = tpu.sem_alloc : memref<!tpu.dma_semaphore, #tpu.memory_space<semaphore_mem>>
      %dma_start3A_63 = arith.constant 0 : i32
      %dma_start3A_64 = tpu.memref_slice %arg11[%add3A_62, %dma_start3A_63] : memref<10240x64xf32, #tpu.memory_space<vmem_shared>> -> memref<128x64xf32, #tpu.memory_space<vmem_shared>>
      %dma_start3A_65 = arith.constant 0 : i32
      %dma_start3A_66 = tpu.memref_slice %arg11[%add3A_62, %dma_start3A_65] : memref<10240x64xf32, #tpu.memory_space<vmem_shared>> -> memref<128x64xf32, #tpu.memory_space<vmem_shared>>
      tpu.enqueue_dma source(%dma_start3A_66 : memref<128x64xf32, #tpu.memory_space<vmem_shared>>) target(%arg8 : memref<128x64xf32, #tpu.memory_space<vmem>>) target_semaphore(%run_scoped3A : memref<!tpu.dma_semaphore, #tpu.memory_space<semaphore_mem>>)
      %dma_wait3A = arith.constant 0 : i32
      %dma_wait3A_67 = tpu.memref_slice %arg11[%add3A_62, %dma_wait3A] : memref<10240x64xf32, #tpu.memory_space<vmem_shared>> -> memref<128x64xf32, #tpu.memory_space<vmem_shared>>
      %dma_wait3A_68 = arith.constant 0 : i32
      %dma_wait3A_69 = tpu.memref_slice %arg11[%add3A_62, %dma_wait3A_68] : memref<10240x64xf32, #tpu.memory_space<vmem_shared>> -> memref<128x64xf32, #tpu.memory_space<vmem_shared>>
      tpu.wait_dma2 semaphore(%run_scoped3A : memref<!tpu.dma_semaphore, #tpu.memory_space<semaphore_mem>>) src(%dma_wait3A_69 : memref<128x64xf32, #tpu.memory_space<vmem_shared>>) dst(%arg8 : memref<128x64xf32, #tpu.memory_space<vmem>>)
      tpu.yield
    }) : () -> ()
    "tpu.region"() ({
      %run_scoped3A = tpu.sem_alloc : memref<!tpu.dma_semaphore, #tpu.memory_space<semaphore_mem>>
      %dma_start3A_63 = arith.constant 0 : i32
      %dma_start3A_64 = tpu.memref_slice %arg5[%arg0, %add3A_62, %dma_start3A_63] : memref<2x10240x64xf32, #tpu.memory_space<hbm>> -> memref<1x128x64xf32, #tpu.memory_space<hbm>>
      %dma_start3A_65 = tpu.memref_squeeze %dma_start3A_64 : memref<1x128x64xf32, #tpu.memory_space<hbm>> -> memref<128x64xf32, #tpu.memory_space<hbm>>
      %dma_start3A_66 = arith.constant 0 : i32
      %dma_start3A_67 = tpu.memref_slice %arg5[%arg0, %add3A_62, %dma_start3A_66] : memref<2x10240x64xf32, #tpu.memory_space<hbm>> -> memref<1x128x64xf32, #tpu.memory_space<hbm>>
      %dma_start3A_68 = tpu.memref_squeeze %dma_start3A_67 : memref<1x128x64xf32, #tpu.memory_space<hbm>> -> memref<128x64xf32, #tpu.memory_space<hbm>>
      tpu.enqueue_dma source(%arg8 : memref<128x64xf32, #tpu.memory_space<vmem>>) target(%dma_start3A_68 : memref<128x64xf32, #tpu.memory_space<hbm>>) target_semaphore(%run_scoped3A : memref<!tpu.dma_semaphore, #tpu.memory_space<semaphore_mem>>)
      %dma_wait3A = arith.constant 0 : i32
      %dma_wait3A_69 = tpu.memref_slice %arg5[%arg0, %add3A_62, %dma_wait3A] : memref<2x10240x64xf32, #tpu.memory_space<hbm>> -> memref<1x128x64xf32, #tpu.memory_space<hbm>>
      %dma_wait3A_70 = tpu.memref_squeeze %dma_wait3A_69 : memref<1x128x64xf32, #tpu.memory_space<hbm>> -> memref<128x64xf32, #tpu.memory_space<hbm>>
      %dma_wait3A_71 = arith.constant 0 : i32
      %dma_wait3A_72 = tpu.memref_slice %arg5[%arg0, %add3A_62, %dma_wait3A_71] : memref<2x10240x64xf32, #tpu.memory_space<hbm>> -> memref<1x128x64xf32, #tpu.memory_space<hbm>>
      %dma_wait3A_73 = tpu.memref_squeeze %dma_wait3A_72 : memref<1x128x64xf32, #tpu.memory_space<hbm>> -> memref<128x64xf32, #tpu.memory_space<hbm>>
      tpu.wait_dma2 semaphore(%run_scoped3A : memref<!tpu.dma_semaphore, #tpu.memory_space<semaphore_mem>>) src(%arg8 : memref<128x64xf32, #tpu.memory_space<vmem>>) dst(%dma_wait3A_73 : memref<128x64xf32, #tpu.memory_space<hbm>>)
      tpu.yield
    }) : () -> ()
    return
  }
}

module attributes {stable_mosaic.version = 14 : i64} {
  func.func @_mm_body(%arg0: i32, %arg1: memref<2x512x64xf32, #tpu.memory_space<vmem>>, %arg2: memref<2x512x64xf32, #tpu.memory_space<vmem>>, %arg3: memref<128x128xf32, #tpu.memory_space<vmem>>, %arg4: memref<1x128xf32, #tpu.memory_space<vmem>>, %arg5: memref<1x128xf32, #tpu.memory_space<vmem>>, %arg6: memref<2x512x64xf32, #tpu.memory_space<vmem>>) attributes {dimension_semantics = [#tpu.dimension_semantics<arbitrary>], iteration_bounds = array<i64: 20>, scalar_prefetch = 0 : i64, scratch_operands = 0 : i64, tpu.core_type = #tpu.core_type<tc>, window_params = [{transform_indices = @transform_0, window_bounds = array<i64: 2, 512, 64>}, {transform_indices = @transform_1, window_bounds = array<i64: 2, 512, 64>}, {pipeline_mode = #tpu.pipeline_mode<synchronous>, transform_indices = @transform_2, window_bounds = array<i64: 128, 128>}, {pipeline_mode = #tpu.pipeline_mode<synchronous>, transform_indices = @transform_3, window_bounds = array<i64: 1, 128>}, {pipeline_mode = #tpu.pipeline_mode<synchronous>, transform_indices = @transform_4, window_bounds = array<i64: 1, 128>}, {transform_indices = @transform_5, window_bounds = array<i64: 2, 512, 64>}]} {
    %get3A = arith.constant 0 : index
    %get3A_0 = arith.constant 0 : index
    %get3A_1 = arith.constant 0 : index
    %get3A_2 = vector.load %arg1[%get3A, %get3A_0, %get3A_1] : memref<2x512x64xf32, #tpu.memory_space<vmem>>, vector<1x512x64xf32>
    %get3A_3 = vector.shape_cast %get3A_2 : vector<1x512x64xf32> to vector<512x64xf32>
    %get3A_4 = arith.constant 0 : index
    %get3A_5 = arith.constant 0 : index
    %get3A_6 = arith.constant 0 : index
    %get3A_7 = vector.load %arg2[%get3A_4, %get3A_5, %get3A_6] : memref<2x512x64xf32, #tpu.memory_space<vmem>>, vector<1x512x64xf32>
    %get3A_8 = vector.shape_cast %get3A_7 : vector<1x512x64xf32> to vector<512x64xf32>
    %add3A = arith.addf %get3A_3, %get3A_8 : vector<512x64xf32>
    %get3A_9 = arith.constant 1 : index
    %get3A_10 = arith.constant 0 : index
    %get3A_11 = arith.constant 0 : index
    %get3A_12 = vector.load %arg1[%get3A_9, %get3A_10, %get3A_11] : memref<2x512x64xf32, #tpu.memory_space<vmem>>, vector<1x512x64xf32>
    %get3A_13 = vector.shape_cast %get3A_12 : vector<1x512x64xf32> to vector<512x64xf32>
    %get3A_14 = arith.constant 1 : index
    %get3A_15 = arith.constant 0 : index
    %get3A_16 = arith.constant 0 : index
    %get3A_17 = vector.load %arg2[%get3A_14, %get3A_15, %get3A_16] : memref<2x512x64xf32, #tpu.memory_space<vmem>>, vector<1x512x64xf32>
    %get3A_18 = vector.shape_cast %get3A_17 : vector<1x512x64xf32> to vector<512x64xf32>
    %add3A_19 = arith.addf %get3A_13, %get3A_18 : vector<512x64xf32>
    %concatenate3A = tpu.concatenate %add3A, %add3A_19 in 1 : vector<512x64xf32>, vector<512x64xf32> -> vector<512x128xf32>
    %get3A_20 = arith.constant 0 : index
    %get3A_21 = arith.constant 0 : index
    %get3A_22 = vector.load %arg3[%get3A_20, %get3A_21] : memref<128x128xf32, #tpu.memory_space<vmem>>, vector<128x128xf32>
    %dot_general3A = arith.constant dense<0.000000e+00> : vector<512x128xf32>
    %dot_general3A_23 = tpu.matmul %concatenate3A, %get3A_22, %dot_general3A {dimension_numbers = #tpu.dot_dimension_numbers<[1], [0], [0], [1], [0, 0, 1, 1], [], []>, transpose_lhs_hint = false} : vector<512x128xf32>, vector<128x128xf32>, vector<512x128xf32> -> vector<512x128xf32>
    %get3A_24 = arith.constant 0 : index
    %get3A_25 = arith.constant 0 : index
    %get3A_26 = vector.load %arg4[%get3A_24, %get3A_25] : memref<1x128xf32, #tpu.memory_space<vmem>>, vector<1x128xf32>
    %mul3A = vector.broadcast %get3A_26 : vector<1x128xf32> to vector<512x128xf32>
    %mul3A_27 = arith.mulf %dot_general3A_23, %mul3A : vector<512x128xf32>
    %get3A_28 = arith.constant 0 : index
    %get3A_29 = arith.constant 0 : index
    %get3A_30 = vector.load %arg5[%get3A_28, %get3A_29] : memref<1x128xf32, #tpu.memory_space<vmem>>, vector<1x128xf32>
    %add3A_31 = vector.broadcast %get3A_30 : vector<1x128xf32> to vector<512x128xf32>
    %add3A_32 = arith.addf %mul3A_27, %add3A_31 : vector<512x128xf32>
    %max3A = arith.constant 0.000000e+00 : f32
    %max3A_33 = vector.broadcast %max3A : f32 to vector<512x128xf32>
    %max3A_34 = arith.maximumf %add3A_32, %max3A_33 : vector<512x128xf32>
    %slice3A = vector.extract_strided_slice %max3A_34 {offsets = [0, 0], sizes = [512, 64], strides = [1, 1]} : vector<512x128xf32> to vector<512x64xf32>
    %swap3A = arith.constant 0 : index
    %swap3A_35 = arith.constant 0 : index
    %swap3A_36 = arith.constant 0 : index
    %swap3A_37 = vector.load %arg6[%swap3A, %swap3A_35, %swap3A_36] : memref<2x512x64xf32, #tpu.memory_space<vmem>>, vector<1x512x64xf32>
    %swap3A_38 = vector.shape_cast %swap3A_37 : vector<1x512x64xf32> to vector<512x64xf32>
    %swap3A_39 = vector.shape_cast %slice3A : vector<512x64xf32> to vector<1x512x64xf32>
    tpu.vector_store %arg6[%swap3A, %swap3A_35, %swap3A_36], %swap3A_39 {strides = array<i32>} : memref<2x512x64xf32, #tpu.memory_space<vmem>>, vector<1x512x64xf32>,
    %slice3A_40 = vector.extract_strided_slice %max3A_34 {offsets = [0, 64], sizes = [512, 64], strides = [1, 1]} : vector<512x128xf32> to vector<512x64xf32>
    %swap3A_41 = arith.constant 1 : index
    %swap3A_42 = arith.constant 0 : index
    %swap3A_43 = arith.constant 0 : index
    %swap3A_44 = vector.load %arg6[%swap3A_41, %swap3A_42, %swap3A_43] : memref<2x512x64xf32, #tpu.memory_space<vmem>>, vector<1x512x64xf32>
    %swap3A_45 = vector.shape_cast %swap3A_44 : vector<1x512x64xf32> to vector<512x64xf32>
    %swap3A_46 = vector.shape_cast %slice3A_40 : vector<512x64xf32> to vector<1x512x64xf32>
    tpu.vector_store %arg6[%swap3A_41, %swap3A_42, %swap3A_43], %swap3A_46 {strides = array<i32>} : memref<2x512x64xf32, #tpu.memory_space<vmem>>, vector<1x512x64xf32>,
    return
  }
  func.func @transform_0(%arg0: i32) -> (i32, i32, i32) {
    %c0_i32 = arith.constant 0 : i32
    %c0_i32_0 = arith.constant 0 : i32
    %c0_i32_1 = arith.constant 0 : i32
    return %c0_i32, %arg0, %c0_i32_0 : i32, i32, i32
  }
  func.func @transform_1(%arg0: i32) -> (i32, i32, i32) {
    %c0_i32 = arith.constant 0 : i32
    %c0_i32_0 = arith.constant 0 : i32
    %c0_i32_1 = arith.constant 0 : i32
    return %c0_i32, %arg0, %c0_i32_0 : i32, i32, i32
  }
  func.func @transform_2(%arg0: i32) -> (i32, i32) {
    %c0_i32 = arith.constant 0 : i32
    %c0_i32_0 = arith.constant 0 : i32
    %c0_i32_1 = arith.constant 0 : i32
    return %c0_i32, %c0_i32_0 : i32, i32
  }
  func.func @transform_3(%arg0: i32) -> (i32, i32) {
    %c0_i32 = arith.constant 0 : i32
    %c0_i32_0 = arith.constant 0 : i32
    %c0_i32_1 = arith.constant 0 : i32
    return %c0_i32, %c0_i32_0 : i32, i32
  }
  func.func @transform_4(%arg0: i32) -> (i32, i32) {
    %c0_i32 = arith.constant 0 : i32
    %c0_i32_0 = arith.constant 0 : i32
    %c0_i32_1 = arith.constant 0 : i32
    return %c0_i32, %c0_i32_0 : i32, i32
  }
  func.func @transform_5(%arg0: i32) -> (i32, i32, i32) {
    %c0_i32 = arith.constant 0 : i32
    %c0_i32_0 = arith.constant 0 : i32
    %c0_i32_1 = arith.constant 0 : i32
    return %c0_i32, %arg0, %c0_i32_0 : i32, i32, i32
  }
}

module attributes {stable_mosaic.version = 14 : i64} {
  func.func @_mm_body(%arg0: i32, %arg1: memref<2x512x64xf32, #tpu.memory_space<vmem>>, %arg2: memref<2x512x64xf32, #tpu.memory_space<vmem>>, %arg3: memref<128x128xf32, #tpu.memory_space<vmem>>, %arg4: memref<1x128xf32, #tpu.memory_space<vmem>>, %arg5: memref<1x128xf32, #tpu.memory_space<vmem>>, %arg6: memref<2x512x64xf32, #tpu.memory_space<vmem>>) attributes {dimension_semantics = [#tpu.dimension_semantics<arbitrary>], iteration_bounds = array<i64: 20>, scalar_prefetch = 0 : i64, scratch_operands = 0 : i64, tpu.core_type = #tpu.core_type<tc>, window_params = [{transform_indices = @transform_0, window_bounds = array<i64: 2, 512, 64>}, {transform_indices = @transform_1, window_bounds = array<i64: 2, 512, 64>}, {pipeline_mode = #tpu.pipeline_mode<synchronous>, transform_indices = @transform_2, window_bounds = array<i64: 128, 128>}, {pipeline_mode = #tpu.pipeline_mode<synchronous>, transform_indices = @transform_3, window_bounds = array<i64: 1, 128>}, {pipeline_mode = #tpu.pipeline_mode<synchronous>, transform_indices = @transform_4, window_bounds = array<i64: 1, 128>}, {transform_indices = @transform_5, window_bounds = array<i64: 2, 512, 64>}]} {
    %get3A = arith.constant 0 : index
    %get3A_0 = arith.constant 0 : index
    %get3A_1 = arith.constant 0 : index
    %get3A_2 = vector.load %arg1[%get3A, %get3A_0, %get3A_1] : memref<2x512x64xf32, #tpu.memory_space<vmem>>, vector<1x512x64xf32>
    %get3A_3 = vector.shape_cast %get3A_2 : vector<1x512x64xf32> to vector<512x64xf32>
    %get3A_4 = arith.constant 0 : index
    %get3A_5 = arith.constant 0 : index
    %get3A_6 = arith.constant 0 : index
    %get3A_7 = vector.load %arg2[%get3A_4, %get3A_5, %get3A_6] : memref<2x512x64xf32, #tpu.memory_space<vmem>>, vector<1x512x64xf32>
    %get3A_8 = vector.shape_cast %get3A_7 : vector<1x512x64xf32> to vector<512x64xf32>
    %add3A = arith.addf %get3A_3, %get3A_8 : vector<512x64xf32>
    %get3A_9 = arith.constant 1 : index
    %get3A_10 = arith.constant 0 : index
    %get3A_11 = arith.constant 0 : index
    %get3A_12 = vector.load %arg1[%get3A_9, %get3A_10, %get3A_11] : memref<2x512x64xf32, #tpu.memory_space<vmem>>, vector<1x512x64xf32>
    %get3A_13 = vector.shape_cast %get3A_12 : vector<1x512x64xf32> to vector<512x64xf32>
    %get3A_14 = arith.constant 1 : index
    %get3A_15 = arith.constant 0 : index
    %get3A_16 = arith.constant 0 : index
    %get3A_17 = vector.load %arg2[%get3A_14, %get3A_15, %get3A_16] : memref<2x512x64xf32, #tpu.memory_space<vmem>>, vector<1x512x64xf32>
    %get3A_18 = vector.shape_cast %get3A_17 : vector<1x512x64xf32> to vector<512x64xf32>
    %add3A_19 = arith.addf %get3A_13, %get3A_18 : vector<512x64xf32>
    %concatenate3A = tpu.concatenate %add3A, %add3A_19 in 1 : vector<512x64xf32>, vector<512x64xf32> -> vector<512x128xf32>
    %get3A_20 = arith.constant 0 : index
    %get3A_21 = arith.constant 0 : index
    %get3A_22 = vector.load %arg3[%get3A_20, %get3A_21] : memref<128x128xf32, #tpu.memory_space<vmem>>, vector<128x128xf32>
    %dot_general3A = arith.constant dense<0.000000e+00> : vector<512x128xf32>
    %dot_general3A_23 = tpu.matmul %concatenate3A, %get3A_22, %dot_general3A {dimension_numbers = #tpu.dot_dimension_numbers<[1], [0], [0], [1], [0, 0, 1, 1], [], []>, transpose_lhs_hint = false} : vector<512x128xf32>, vector<128x128xf32>, vector<512x128xf32> -> vector<512x128xf32>
    %get3A_24 = arith.constant 0 : index
    %get3A_25 = arith.constant 0 : index
    %get3A_26 = vector.load %arg4[%get3A_24, %get3A_25] : memref<1x128xf32, #tpu.memory_space<vmem>>, vector<1x128xf32>
    %mul3A = vector.broadcast %get3A_26 : vector<1x128xf32> to vector<512x128xf32>
    %mul3A_27 = arith.mulf %dot_general3A_23, %mul3A : vector<512x128xf32>
    %get3A_28 = arith.constant 0 : index
    %get3A_29 = arith.constant 0 : index
    %get3A_30 = vector.load %arg5[%get3A_28, %get3A_29] : memref<1x128xf32, #tpu.memory_space<vmem>>, vector<1x128xf32>
    %add3A_31 = vector.broadcast %get3A_30 : vector<1x128xf32> to vector<512x128xf32>
    %add3A_32 = arith.addf %mul3A_27, %add3A_31 : vector<512x128xf32>
    %slice3A = vector.extract_strided_slice %add3A_32 {offsets = [0, 0], sizes = [512, 64], strides = [1, 1]} : vector<512x128xf32> to vector<512x64xf32>
    %swap3A = arith.constant 0 : index
    %swap3A_33 = arith.constant 0 : index
    %swap3A_34 = arith.constant 0 : index
    %swap3A_35 = vector.load %arg6[%swap3A, %swap3A_33, %swap3A_34] : memref<2x512x64xf32, #tpu.memory_space<vmem>>, vector<1x512x64xf32>
    %swap3A_36 = vector.shape_cast %swap3A_35 : vector<1x512x64xf32> to vector<512x64xf32>
    %swap3A_37 = vector.shape_cast %slice3A : vector<512x64xf32> to vector<1x512x64xf32>
    tpu.vector_store %arg6[%swap3A, %swap3A_33, %swap3A_34], %swap3A_37 {strides = array<i32>} : memref<2x512x64xf32, #tpu.memory_space<vmem>>, vector<1x512x64xf32>,
    %slice3A_38 = vector.extract_strided_slice %add3A_32 {offsets = [0, 64], sizes = [512, 64], strides = [1, 1]} : vector<512x128xf32> to vector<512x64xf32>
    %swap3A_39 = arith.constant 1 : index
    %swap3A_40 = arith.constant 0 : index
    %swap3A_41 = arith.constant 0 : index
    %swap3A_42 = vector.load %arg6[%swap3A_39, %swap3A_40, %swap3A_41] : memref<2x512x64xf32, #tpu.memory_space<vmem>>, vector<1x512x64xf32>
    %swap3A_43 = vector.shape_cast %swap3A_42 : vector<1x512x64xf32> to vector<512x64xf32>
    %swap3A_44 = vector.shape_cast %slice3A_38 : vector<512x64xf32> to vector<1x512x64xf32>
    tpu.vector_store %arg6[%swap3A_39, %swap3A_40, %swap3A_41], %swap3A_44 {strides = array<i32>} : memref<2x512x64xf32, #tpu.memory_space<vmem>>, vector<1x512x64xf32>,
    return
  }
  func.func @transform_0(%arg0: i32) -> (i32, i32, i32) {
    %c0_i32 = arith.constant 0 : i32
    %c0_i32_0 = arith.constant 0 : i32
    %c0_i32_1 = arith.constant 0 : i32
    return %c0_i32, %arg0, %c0_i32_0 : i32, i32, i32
  }
  func.func @transform_1(%arg0: i32) -> (i32, i32, i32) {
    %c0_i32 = arith.constant 0 : i32
    %c0_i32_0 = arith.constant 0 : i32
    %c0_i32_1 = arith.constant 0 : i32
    return %c0_i32, %arg0, %c0_i32_0 : i32, i32, i32
  }
  func.func @transform_2(%arg0: i32) -> (i32, i32) {
    %c0_i32 = arith.constant 0 : i32
    %c0_i32_0 = arith.constant 0 : i32
    %c0_i32_1 = arith.constant 0 : i32
    return %c0_i32, %c0_i32_0 : i32, i32
  }
  func.func @transform_3(%arg0: i32) -> (i32, i32) {
    %c0_i32 = arith.constant 0 : i32
    %c0_i32_0 = arith.constant 0 : i32
    %c0_i32_1 = arith.constant 0 : i32
    return %c0_i32, %c0_i32_0 : i32, i32
  }
  func.func @transform_4(%arg0: i32) -> (i32, i32) {
    %c0_i32 = arith.constant 0 : i32
    %c0_i32_0 = arith.constant 0 : i32
    %c0_i32_1 = arith.constant 0 : i32
    return %c0_i32, %c0_i32_0 : i32, i32
  }
  func.func @transform_5(%arg0: i32) -> (i32, i32, i32) {
    %c0_i32 = arith.constant 0 : i32
    %c0_i32_0 = arith.constant 0 : i32
    %c0_i32_1 = arith.constant 0 : i32
    return %c0_i32, %arg0, %c0_i32_0 : i32, i32, i32
  }
}

</mosaic_0001>

<sc_bundles>
// kernel: kernel.11.cloned.1.call-start
scs
__scs_entry_jumppad:
0x0: {  	(pc) =	sbr.rel $0x88, $3  }
0x1: {  	(tag) =	ssettag $0x0;
	lr =	simm.s32 $0x1  }
0x2: {  	[smem:$0x3F97] =	sst lr;
	_ =	strace $0xD0000000  }
0x3: {  	_ = 	snop  }
0x4: {  	_ = 	snop  }
0x5: {  	_ = 	snop  }
0x6: {  	_ = 	snop  }
0x7: {  	_ = 	snop  }
__scs_overlays_trampoline_lowered:
0x8: {  	[smem:$0x3FA6] =	sst s0  }
0x9: {  	[smem:$0x3FA7] =	sst s1  }
0xa: {  	[smem:$0x3FA8] =	sst s2  }
0xb: {  	[smem:$0x3FA9] =	sst s3  }
0xc: {  	[smem:$0x3FAA] =	sst s4  }
0xd: {  	[smem:$0x3FAB] =	sst s5  }
0xe: {  	[smem:$0x3FAC] =	sst s6  }
0xf: {  	[smem:$0x3FAD] =	sst s7  }
0x10: {  	[smem:$0x3FAE] =	sst s8  }
0x11: {  	[smem:$0x3FAF] =	sst s9;
	s0 =	simm.s32 @!p0 $0x0  }
0x12: {  	s1 =	sld [smem:$0x3F95];
	s0 =	simm.s32 @p0 $0x1  }
0x13: {  	[smem:$0x3FB0] =	sst s0;
	s0 =	simm.s32 @!p1 $0x0  }
0x14: {  	s2 =	sld [smem:$0x3F94];
	s0 =	simm.s32 @p1 $0x1  }
0x15: {  	[smem:$0x3FB1] =	sst s0;
	s0 =	simm.s32 @!p2 $0x0  }
0x16: {  	s3 =	sld [smem:$0x3FDB];
	s0 =	simm.s32 @p2 $0x1  }
0x17: {  	s4 =	simm.s32 $0x1BF5;
	[smem:$0x3FB3] =	sst s0  }
0x18: {  	s0 =	sld [smem:$0x3F96];
	_ =	swait.ge [sflag:s4], $0x0  }
0x19: {  	s7 =	sld [smem:$0x3F97]  }
0x1a: {  	s8 =	sadd.s32 $0xFFFFE003, lr  }
0x1b: {  	s9 =	sadd.s32 $0xFFFFFEF7, lr;
	s5 =	simm.s32 $0xFFFFFFFF;
	p2 =	slt.u32 s8, $0xFFFFF086  }
0x1c: {  	p1 =	slt.u32 s9, $0xF7A;
	s5 =	simm.s32 @!p2 $0x0  }
0x1d: {  	s5 =	simm.s32 @p1 $0x1;
	p0 =	seq.s32 s7, s2  }
0x1e: {  	s7 =	smul.u32 @!p0 $0xF7A, s2;
	p2 =	seq.s32 @!p0 s5, $0x0  }
0x1f: {  	s9 =	smul.u32 $0xF7A, s1;
	s8 =	simm.s32 @!p0 $0x1BF5;
	p2 =	por !p2, p0  }
0x20: {  	[sflag:s8] =	ssyncset.s32 @!p0 $0xFFFFF086;
	s6 =	sadd.s32 @!p0 s3, s7;
	s7 =	simm.s32 @!p0 $0x108  }
0x21: {  	s3 =	sadd.s32 s3, s9;
	s6 =	sadd.s32 @!p0 $0x88, s6;
	s7 =	simm.s32 @p2 $0x1082  }
0x22: {  	[simem:s7], [sflag:s8] =	dma.local @!p0 [hbm:s6], $0xF7A  }
0x23: {  	s9 =	sor.u32 $0xD0000000, s2;
	s6 =	simm.s32 $0x108;
	_ =	swait.ge @!p0 [sflag:s8], $0x0  }
0x24: {  	s3 =	sadd.s32 $0x88, s3;
	s6 =	simm.s32 @!p1 $0x1082;
	[sflag:s4] =	ssyncset.s32 $0xFFFFF086  }
0x25: {  	[simem:s6], [sflag:s4] =	dma.local [hbm:s3], $0xF7A  }
0x26: {  	[smem:$0x3F97] =	sst s1;
	(tag) =	ssettag s2;
	_ =	strace s9  }
0x27: {  	s1 =	sld [smem:$0x3FA7]  }
0x28: {  	s2 =	sld [smem:$0x3FA8]  }
0x29: {  	s4 =	sld [smem:$0x3FAA]  }
0x2a: {  	p0 =	seq.s32 s5, $0x0;
	s5 =	sld [smem:$0x3FAB]  }
0x2b: {  	s6 =	sld [smem:$0x3FAC]  }
0x2c: {  	s7 =	sld [smem:$0x3FAD]  }
0x2d: {  	s3 =	simm.s32 $0x108;
	s8 =	sld [smem:$0x3FAE]  }
0x2e: {  	s3 =	simm.s32 @!p0 $0x1082;
	s9 =	sld [smem:$0x3FAF]  }
0x2f: {  	lr =	sadd.s32 s0, s3;
	s0 =	sld [smem:$0x3FA6]  }
0x30: {  	s3 =	sld [smem:$0x3FA9]  }
0x31: {  	[smem:$0x3FB2] =	sst s10  }
0x32: {  	s10 =	sld [smem:$0x3FB0];
	_ =	sdelay $0x3  }
0x33: {  	p0 =	seq.s32 s10, $0x1;
	s10 =	sld [smem:$0x3FB2];
	_ =	sdelay $0x3  }
0x34: {  	[smem:$0x3FB2] =	sst s10  }
0x35: {  	s10 =	sld [smem:$0x3FB1];
	_ =	sdelay $0x3  }
0x36: {  	p1 =	seq.s32 s10, $0x1;
	s10 =	sld [smem:$0x3FB2];
	_ =	sdelay $0x3  }
0x37: {  	[smem:$0x3FB2] =	sst s10  }
0x38: {  	s10 =	sld [smem:$0x3FB3]  }
0x39: {  	_ = 	snop;
	(pc) =	sbr.ind lr, $3  }
0x3a: {  	_ = 	snop  }
0x3b: {  	_ = 	snop  }
0x3c: {  	p2 =	seq.s32 s10, $0x1;
	s10 =	sld [smem:$0x3FB2]  }
0x3d: {  	_ =	shalt  }
0x3e: {  	_ =	shalt  }
0x3f: {  	_ =	shalt  }
0x40: {  	_ =	shalt  }
0x41: {  	_ =	shalt  }
0x42: {  	_ =	shalt  }
0x43: {  	_ =	shalt  }
0x44: {  	_ =	shalt  }
0x45: {  	_ =	shalt  }
0x46: {  	_ =	shalt  }
0x47: {  	_ =	shalt  }
0x48: {  	_ =	shalt  }
0x49: {  	_ =	shalt  }
0x4a: {  	_ =	shalt  }
0x4b: {  	_ =	shalt  }
0x4c: {  	_ =	shalt  }
0x4d: {  	_ =	shalt  }
0x4e: {  	_ =	shalt  }
0x4f: {  	_ =	shalt  }
0x50: {  	_ =	shalt  }
0x51: {  	_ =	shalt  }
0x52: {  	_ =	shalt  }
0x53: {  	_ =	shalt  }
0x54: {  	_ =	shalt  }
0x55: {  	_ =	shalt  }
0x56: {  	_ =	shalt  }
0x57: {  	_ =	shalt  }
0x58: {  	_ =	shalt  }
0x59: {  	_ =	shalt  }
0x5a: {  	_ =	shalt  }
0x5b: {  	_ =	shalt  }
0x5c: {  	_ =	shalt  }
0x5d: {  	_ =	shalt  }
0x5e: {  	_ =	shalt  }
0x5f: {  	_ =	shalt  }
0x60: {  	_ =	shalt  }
0x61: {  	_ =	shalt  }
0x62: {  	_ =	shalt  }
0x63: {  	_ =	shalt  }
0x64: {  	_ =	shalt  }
0x65: {  	_ =	shalt  }
0x66: {  	_ =	shalt  }
0x67: {  	_ =	shalt  }
0x68: {  	_ =	shalt  }
0x69: {  	_ =	shalt  }
0x6a: {  	_ =	shalt  }
0x6b: {  	_ =	shalt  }
0x6c: {  	_ =	shalt  }
0x6d: {  	_ =	shalt  }
0x6e: {  	_ =	shalt  }
0x6f: {  	_ =	shalt  }
0x70: {  	_ =	shalt  }
0x71: {  	_ =	shalt  }
0x72: {  	_ =	shalt  }
0x73: {  	_ =	shalt  }
0x74: {  	_ =	shalt  }
0x75: {  	_ =	shalt  }
0x76: {  	_ =	shalt  }
0x77: {  	_ =	shalt  }
0x78: {  	_ =	shalt  }
0x79: {  	_ =	shalt  }
0x7a: {  	_ =	shalt  }
0x7b: {  	_ =	shalt  }
0x7c: {  	_ =	shalt  }
0x7d: {  	_ =	shalt  }
0x7e: {  	_ =	shalt  }
0x7f: {  	_ =	shalt  }
0x80: {  	_ =	shalt  }
0x81: {  	_ =	shalt  }
0x82: {  	_ =	shalt  }
0x83: {  	_ =	shalt  }
0x84: {  	_ =	shalt  }
0x85: {  	_ =	shalt  }
0x86: {  	_ =	shalt  }
0x87: {  	_ =	shalt  }
.Lfunc_end0:
.L_simem_size_0:
called_computation.1_lowered:
.L_overlay_start_0:
0x88: {  	s2 =	sld [smem:$0x3FD9]  }
0x89: {  	s3 =	sld [smem:$0x3FFE];
	_ =	sdelay $0x1  }
0x8a: {  	s1 =	srdreg.scid  }
0x8b: {  	s0 =	sand.u32 $0x1, s1  }
0x8c: {  	s17 =	sshll.u32 s0, $0xA;
	s2 =	sadd.s32 s3, s2  }
0x8d: {  	s2 =	sadd.s32 s2, s17  }
0x8e: {  	[smem:$0x3FBE] =	sst s2  }
0x8f: {  	_ = 	snop  }
0x90: {  	s2 =	sld [smem:$0x3FD0];
	(tm) =	ssettm $0x1  }
0x91: {  	s18 =	sld [smem:$0x3FFB];
	_ =	sdelay $0x3  }
0x92: {  	_ =	strace s18  }
0x93: {  	s3 =	sld [smem:$0x3FFC];
	_ =	sdelay $0x3  }
0x94: {  	_ =	strace s3  }
0x95: {  	s3 =	sld [smem:$0x3FFD];
	_ =	sdelay $0x3  }
0x96: {  	_ =	strace s3  }
0x97: {  	_ =	strace $0x8FFFFFFF  }
0x98: {  	s19 =	sld [smem:$0x3FDB];
	_ =	sdelay $0x1  }
0x99: {  	s4 =	simm.s32 $_scs_section_size  }
0x9a: {  	s5 =	simm.s32 $_size__tile_overlayer_lowered;
	s6 =	simm.s32 $_tile_overlayer_lowered  }
0x9b: {  	s22 =	simm.s32 $0x1BFF;
	s21 =	sshll.u32 s6, $0x1;
	s3 =	sadd.s32 s4, s19  }
0x9c: {  	s7 =	simm.s32 $0x0;
	s20 =	sshll.u32 s5, $0x1;
	s5 =	sadd.s32 s21, s3  }
0x9d: {  	[timem:s7], [sflag:s22] =	dma.local [hbm:s5], s20  }
0x9e: {  	_ =	swait.ge [sflag:s22], s20  }
0x9f: {  	s4 =	ssub.s32 $0x0, s20;
	[sflag:s22] =	ssyncset.done $0x0  }
0xa0: {  	[sflag:s22] =	ssyncadd.s32 s4;
	_ =	sdelay $0x1  }
0xa1: {  	s23 =	simm.s32 $0x1B8B  }
0xa2: {  	_ =	swait.ge [sflag:s23], $0x1  }
0xa3: {  	[sflag:s23] =	ssyncset.done $0x0  }
0xa4: {  	s25 =	simm.s32 $0x1B8E;
	s24 =	sld [smem:$0x3FFE];
	[sflag:s23] =	ssyncadd.s32 $0xFFFFFFFF  }
0xa5: {  	s26 =	simm.s32 $execute0_lowered;
	[smem:$0x3FD2] =	sst s25  }
0xa6: {  	s5 =	sshll.u32 s26, $0x1;
	_ =	strace $0x80000049;
	[dreg:$0x1] =	wrdreg $0xFFFFFFFF  }
0xa7: {  	s28 =	simm.s32 $_size_execute0_lowered;
	s3 =	sadd.s32 s3, s5;
	[dreg:$0x0] =	wrdreg $0x0  }
0xa8: {  	s5 =	sshll.u32 s28, $0x1;
	[dreg:$0x2] =	wrdreg s3  }
0xa9: {  	[dreg:$0x3] =	wrdreg s5  }
0xaa: {  	[dreg:$0x4] =	wrdreg $0xC0  }
0xab: {  	_ =	task [dreg:s7], $0x5FFFF  }
0xac: {  	[dreg:$0x1] =	wrdreg $0xFFFFFFFF  }
0xad: {  	[dreg:$0x0] =	wrdreg $0x60  }
0xae: {  	[dreg:$0x2] =	wrdreg s2  }
0xaf: {  	[dreg:$0x3] =	wrdreg s24  }
0xb0: {  	[dreg:$0x4] =	wrdreg $0xFE000  }
0xb1: {  	[dreg:$0x5] =	wrdreg $0x9  }
0xb2: {  	_ =	task.clear_ibuf [dreg:s7], $0x6FFFF;
	_ =	strace $0x90000049  }
0xb3: {  	s29 =	simm.s32 $0x9;
	_ =	strace $0x8000004B  }
0xb4: {  	_ =	swait.ge [sflag:s29], $0x1  }
0xb5: {  	[sflag:s29] =	ssyncadd.s32 $0xFFFFFFFF  }
0xb6: {  	_ =	strace $0x9000004B  }
0xb7: {  	_ =	sfence  }
0xb8: {  	s30 =	sld [smem:$0x0];
	_ =	sdelay $0x2  }
0xb9: {  	s31 =	sshll.u32 s1, $0xD;
	s1 =	sshrl.u32 s1, $0x2  }
0xba: {  	s3 =	sand.u32 $0x4000, s31;
	s1 =	sadd.s32 s1, s30  }
0xbb: {  	s0 =	sor.u32 s3, s0;
	s1 =	sshll.u32 s1, $0x11  }
0xbc: {  	s0 =	sor.u32 s1, s0  }
0xbd: {  	s0 =	sadd.s32 $0x8F2B, s0  }
0xbe: {  	[sflag:s0] =	ssyncadd.remote.s32 $0x1  }
0xbf: {  	_ =	sfence.sel $0xFFFF  }
0xc0: {  	[dreg:$0x0] =	wrdreg $0xFFFFFFFF;
	(pc) =	sbr.abs _section_cstart, $3  }
0xc1: {  	[dreg:$0x1] =	wrdreg $0xFFFFFFFF  }
0xc2: {  	_ =	task.clear_ibuf [dreg:s7], $0x2FFFF;
	_ =	strace $0x9FFFFFFF  }
0xc3: {  	(tm) =	ssettm $0x7FFFFFFF  }
tec
execute0_lowered:
.L_overlay_start_1:
0x0: {  	(tag) =	ssettag $0x1  }
0x1: {  	s5 =	rddreg [dreg:$0x0]  }
0x2: {  	s6 =	rddreg [dreg:$0x1]  }
0x3: {  	s2 =	rddreg [dreg:$0x2]  }
0x4: {  	s1 =	stileid.u32;
	s3 =	simm.s32 $0x0;
	s4 =	srdreg.scid  }
0x5: {  	s20 =	simm.s32 $0xDE00;
	s21 =	simm.s32 $0x80;
	s22 =	simm.s32 $0x9E00  }
0x6: {  	s23 =	simm.s32 $0xBE00;
	s28 =	simm.s32 $0x9D80;
	s29 =	simm.s32 $0x0  }
0x7: {  	s7 =	smul.u32 $0x4F00, s1;
	[smem:$0x7FF] =	sst s3;
	s8 =	sand.u32 $0x1, s4  }
0x8: {  	s4 =	sadd.s32 $0x2200, s6;
	s13 =	smul.u32 $0xA000, s1;
	s16 =	sadd.s32 $0x34000, s6  }
0x9: {  	_ =	strace $0x8000004A;
	s9 =	smul.u32 $0x4F000, s8;
	s11 =	ssub.s32 $0x2, s8  }
0xa: {  	s15 =	smul.u32 $0xA0000, s8;
	s24 =	sshrl.u32 s7, $0x3;
	s12 =	sshrl.u32 s11, $0x1  }
0xb: {  	s26 =	sadd.s32 $0x2000, s13;
	s14 =	sadd.s32 $0x4000, s13;
	s18 =	sadd.s32 $0x6000, s13  }
0xc: {  	s19 =	sadd.s32 $0x8000, s13;
	s10 =	sadd.s32 s24, s6;
	s7 =	sadd.s32 s7, s9  }
0xd: {  	s17 =	ssub.s32 s11, s12;
	s8 =	sadd.s32 s26, s2;
	s9 =	sadd.s32 s14, s2  }
0xe: {  	s30 =	sadd.s32 s13, s15;
	s11 =	sadd.s32 s15, s26;
	s14 =	sadd.s32 s15, s14  }
0xf: {  	s24 =	simm.s32 $0x1;
	s26 =	simm.s32 $0x9D00;
	s25 =	sshrl.u32 s7, $0x3  }
0x10: {  	s6 =	sadd.s32 $0x2A200, s10;
	s7 =	sadd.s32 s13, s2;
	s10 =	sadd.s32 s18, s2  }
0x11: {  	s12 =	sshrl.u32 s30, $0x3;
	s31 =	sshrl.u32 s11, $0x3;
	s11 =	sadd.s32 s19, s2  }
0x12: {  	s18 =	sadd.s32 s15, s18;
	s15 =	sadd.s32 s15, s19;
	s14 =	sshrl.u32 s14, $0x3  }
0x13: {  	s17 =	smax.u32 s17, $0x1;
	s5 =	sadd.s32 s5, s25;
	s12 =	sadd.s32 s16, s12  }
0x14: {  	s13 =	sadd.s32 s16, s31;
	s18 =	sshrl.u32 s18, $0x3;
	s19 =	sshrl.u32 s15, $0x3  }
0x15: {  	s14 =	sadd.s32 s16, s14;
	s25 =	simm.s32 $0x2;
	s15 =	sadd.s32 s16, s18  }
0x16: {  	v0 =	vimm.f32 $0.0e+00;
	s16 =	sadd.s32 s16, s19;
	s18 =	simm.s32 $0x3;
	s19 =	simm.s32 $0x4F00  }
.LBB2_1:
0x17: {  	[tilespmem:s3], [sflag:$0x3] =	stream.linear.gather [hbm4b:s5+s3], $0x4F00, $0x38;
	[tilespmem:$0x19E00] =	vst v63  }
0x18: {  	_ =	swait.ge [sflag:s18], $0x4F00  }
0x19: {  	[sflag:s18] =	ssyncset.done $0x0  }
0x1a: {  	[sflag:s18] =	ssyncadd.s32 $0xFFFFB100  }
0x1b: {  	[tilespmem:s19], [sflag:$0x3] =	stream.linear.gather [hbm4b:s6+s3], $0x4F00, $0x38;
	[tilespmem:$0x19E00] =	vst v63  }
0x1c: {  	_ =	swait.ge [sflag:s18], $0x4F00  }
0x1d: {  	[sflag:s18] =	ssyncset.done $0x0  }
0x1e: {  	s31 =	simm.s32 $0x100;
	s30 =	simm.s32 $0x0;
	[sflag:s18] =	ssyncadd.s32 $0xFFFFB100  }
.LBB2_2:
0x1f: {  	p0 =	sne.s32 s31, $0x7F00;
	[tilespmem:s30+$0xDE30] =	vst v0;
	s0 =	smov.u32 s31;
	s31 =	sadd.s32 $0x100, s31  }
.Ltmp0:
0x20: {  	[tilespmem:s30+$0xDE20] =	vst v0;
	(pc) =	sbr.rel @p0 .LBB2_2-.Ltmp0, $3  }
0x21: {  	[tilespmem:s30+$0xDE00] =	vst v0  }
0x22: {  	[tilespmem:s30+$0xDE10] =	vst v0;
	_ =	sdelay $0x1  }
0x23: {  	s30 =	sshra.s32 s0, $0x2  }
0x24: {  	[tilespmem:s30+$0xDE30] =	vst v0  }
0x25: {  	[tilespmem:s30+$0xDE20] =	vst v0  }
0x26: {  	[tilespmem:s30+$0xDE00] =	vst v0  }
0x27: {  	[tilespmem:s30+$0xDE10] =	vst v0  }
0x28: {  	[spmem:s7] =	stream.linear.scatter [tilespmem:s20], [sflag:$0x3], $0x2000, $0x38;
	[tilespmem:$0x19E00] =	vst v63  }
0x29: {  	_ =	swait.ge [sflag:s18], $0x2000  }
0x2a: {  	[sflag:s18] =	ssyncset.done $0x0  }
0x2b: {  	[sflag:s18] =	ssyncadd.s32 $0xFFFFE000  }
0x2c: {  	[spmem:s8] =	stream.linear.scatter [tilespmem:s20], [sflag:$0x3], $0x2000, $0x38;
	[tilespmem:$0x19E00] =	vst v63  }
0x2d: {  	_ =	swait.ge [sflag:s18], $0x2000  }
0x2e: {  	[sflag:s18] =	ssyncset.done $0x0  }
0x2f: {  	[sflag:s18] =	ssyncadd.s32 $0xFFFFE000  }
0x30: {  	[spmem:s9] =	stream.linear.scatter [tilespmem:s20], [sflag:$0x3], $0x2000, $0x38;
	[tilespmem:$0x19E00] =	vst v63  }
0x31: {  	_ =	swait.ge [sflag:s18], $0x2000  }
0x32: {  	[sflag:s18] =	ssyncset.done $0x0  }
0x33: {  	[sflag:s18] =	ssyncadd.s32 $0xFFFFE000  }
0x34: {  	[spmem:s10] =	stream.linear.scatter [tilespmem:s20], [sflag:$0x3], $0x2000, $0x38;
	[tilespmem:$0x19E00] =	vst v63  }
0x35: {  	_ =	swait.ge [sflag:s18], $0x2000  }
0x36: {  	[sflag:s18] =	ssyncset.done $0x0  }
0x37: {  	[sflag:s18] =	ssyncadd.s32 $0xFFFFE000  }
0x38: {  	[spmem:s11] =	stream.linear.scatter [tilespmem:s20], [sflag:$0x3], $0x2000, $0x38;
	[tilespmem:$0x19E00] =	vst v63  }
0x39: {  	_ =	swait.ge [sflag:s18], $0x2000  }
0x3a: {  	[sflag:s18] =	ssyncset.done $0x0  }
0x3b: {  	[sflag:s18] =	ssyncadd.s32 $0xFFFFE000  }
0x3c: {  	s0 =	simm.s32 $0x0;
	[bflag:$0x0] =	sbarrier.arrive $0xFFFF  }
0x3d: {  	[tilespmem:s22], [sflag:$0x1] =	stream.indirect.gather [hbm4b:s4+s21], $0x40, s0, s21, $0xb8;
	[tilespmem:$0x19E00] =	vst v63  }
0x3e: {  	_ = 	snop  }
0x3f: {  	[tilespmem:s23], [sflag:$0x2] =	stream.indirect.gather [hbm4b:s4+s21], $0x40, s21, s21, $0xb8;
	[tilespmem:$0x19E00] =	vst v63  }
0x40: {  	_ =	swait.ge [sflag:s24], $0x2000  }
0x41: {  	[sflag:s24] =	ssyncset.done $0x0  }
0x42: {  	s0 =	simm.s32 $0x4F00;
	[sflag:s24] =	ssyncadd.s32 $0xFFFFE000  }
0x43: {  	[spmem:s2] =	stream.indirect.scatter.add.f32 [tilespmem:s22], [sflag:$0x3], $0x40, s0, s21, $0xb8;
	[tilespmem:$0x19E00] =	vst v63  }
0x44: {  	_ =	swait.ge [sflag:s18], $0x2000  }
0x45: {  	[sflag:s18] =	ssyncset.done $0x0  }
0x46: {  	s0 =	simm.s32 $0x100;
	[sflag:s18] =	ssyncadd.s32 $0xFFFFE000  }
0x47: {  	[tilespmem:s22], [sflag:$0x1] =	stream.indirect.gather [hbm4b:s4+s21], $0x40, s0, s21, $0xb8;
	[tilespmem:$0x19E00] =	vst v63  }
0x48: {  	_ =	swait.ge [sflag:s25], $0x2000  }
0x49: {  	[sflag:s25] =	ssyncset.done $0x0  }
0x4a: {  	s0 =	simm.s32 $0x4F80;
	[sflag:s25] =	ssyncadd.s32 $0xFFFFE000  }
0x4b: {  	[spmem:s2] =	stream.indirect.scatter.add.f32 [tilespmem:s23], [sflag:$0x3], $0x40, s0, s21, $0xb8;
	[tilespmem:$0x19E00] =	vst v63  }
0x4c: {  	_ =	swait.ge [sflag:s18], $0x2000  }
0x4d: {  	[sflag:s18] =	ssyncset.done $0x0  }
0x4e: {  	s30 =	simm.s32 $0x400;
	s31 =	simm.s32 $0x180;
	[sflag:s18] =	ssyncadd.s32 $0xFFFFE000  }
.LBB2_4:
0x4f: {  	[tilespmem:s23], [sflag:$0x2] =	stream.indirect.gather [hbm4b:s4+s21], $0x40, s31, s21, $0xb8;
	[tilespmem:$0x19E00] =	vst v63  }
0x50: {  	s0 =	smov.u32 s30  }
0x51: {  	p0 =	sne.s32 s30, $0x13400;
	s30 =	sadd.s32 $0x400, s30;
	_ =	swait.ge [sflag:s24], $0x2000  }
0x52: {  	s0 =	sshra.s32 s0, $0x2;
	[sflag:s24] =	ssyncset.done $0x0  }
0x53: {  	s31 =	sadd.s32 $0x4F00, s0;
	[sflag:s24] =	ssyncadd.s32 $0xFFFFE000  }
0x54: {  	[spmem:s2] =	stream.indirect.scatter.add.f32 [tilespmem:s22], [sflag:$0x3], $0x40, s31, s21, $0xb8;
	[tilespmem:$0x19E00] =	vst v63  }
0x55: {  	_ =	swait.ge [sflag:s18], $0x2000  }
0x56: {  	[sflag:s18] =	ssyncset.done $0x0  }
0x57: {  	s31 =	sadd.s32 $0x100, s0;
	[sflag:s18] =	ssyncadd.s32 $0xFFFFE000  }
0x58: {  	[tilespmem:s22], [sflag:$0x1] =	stream.indirect.gather [hbm4b:s4+s21], $0x40, s31, s21, $0xb8;
	[tilespmem:$0x19E00] =	vst v63  }
0x59: {  	_ =	swait.ge [sflag:s25], $0x2000  }
0x5a: {  	[sflag:s25] =	ssyncset.done $0x0  }
.Ltmp1:
0x5b: {  	s31 =	sadd.s32 $0x4F80, s0;
	[sflag:s25] =	ssyncadd.s32 $0xFFFFE000;
	(pc) =	sbr.rel @p0 .LBB2_4-.Ltmp1, $4  }
0x5c: {  	[spmem:s2] =	stream.indirect.scatter.add.f32 [tilespmem:s23], [sflag:$0x3], $0x40, s31, s21, $0xb8;
	[tilespmem:$0x19E00] =	vst v63  }
0x5d: {  	_ =	swait.ge [sflag:s18], $0x2000  }
0x5e: {  	[sflag:s18] =	ssyncset.done $0x0  }
0x5f: {  	s31 =	sadd.s32 $0x180, s0;
	[sflag:s18] =	ssyncadd.s32 $0xFFFFE000  }
0x60: {  	[tilespmem:s23], [sflag:$0x2] =	stream.indirect.gather [hbm4b:s4+s21], $0x40, s31, s21, $0xb8;
	[tilespmem:$0x19E00] =	vst v63  }
0x61: {  	_ =	swait.ge [sflag:s24], $0x2000  }
0x62: {  	[sflag:s24] =	ssyncset.done $0x0  }
0x63: {  	[sflag:s24] =	ssyncadd.s32 $0xFFFFE000  }
0x64: {  	[spmem:s2] =	stream.indirect.scatter.add.f32 [tilespmem:s22], [sflag:$0x3], $0x40, s26, s21, $0xb8;
	[tilespmem:$0x19E00] =	vst v63  }
0x65: {  	_ =	swait.ge [sflag:s18], $0x2000  }
0x66: {  	[sflag:s18] =	ssyncset.done $0x0  }
0x67: {  	[sflag:s18] =	ssyncadd.s32 $0xFFFFE000  }
0x68: {  	_ =	swait.ge [sflag:s25], $0x2000  }
0x69: {  	[sflag:s25] =	ssyncset.done $0x0  }
0x6a: {  	[sflag:s25] =	ssyncadd.s32 $0xFFFFE000  }
0x6b: {  	[spmem:s2] =	stream.indirect.scatter.add.f32 [tilespmem:s23], [sflag:$0x3], $0x40, s28, s21, $0xb8;
	[tilespmem:$0x19E00] =	vst v63  }
0x6c: {  	_ =	swait.ge [sflag:s18], $0x2000  }
0x6d: {  	[sflag:s18] =	ssyncset.done $0x0  }
0x6e: {  	[sflag:s18] =	ssyncadd.s32 $0xFFFFE000  }
0x6f: {  	[bflag:$0x0] =	sbarrier.arrive $0xFFFF  }
0x70: {  	[tilespmem:s22], [sflag:$0x3] =	stream.linear.gather [spmem:s7], $0x2000, $0x38;
	[tilespmem:$0x19E00] =	vst v63  }
0x71: {  	_ =	swait.ge [sflag:s18], $0x2000  }
0x72: {  	[sflag:s18] =	ssyncset.done $0x0  }
0x73: {  	[sflag:s18] =	ssyncadd.s32 $0xFFFFE000  }
0x74: {  	[hbm4b:s12+s3] =	stream.linear.scatter [tilespmem:s22], [sflag:$0x3], $0x2000, $0x38;
	[tilespmem:$0x19E00] =	vst v63  }
0x75: {  	_ =	swait.ge [sflag:s18], $0x2000  }
0x76: {  	[sflag:s18] =	ssyncset.done $0x0  }
0x77: {  	[sflag:s18] =	ssyncadd.s32 $0xFFFFE000  }
0x78: {  	[tilespmem:s22], [sflag:$0x3] =	stream.linear.gather [spmem:s8], $0x2000, $0x38;
	[tilespmem:$0x19E00] =	vst v63  }
0x79: {  	_ =	swait.ge [sflag:s18], $0x2000  }
0x7a: {  	[sflag:s18] =	ssyncset.done $0x0  }
0x7b: {  	[sflag:s18] =	ssyncadd.s32 $0xFFFFE000  }
0x7c: {  	[hbm4b:s13+s3] =	stream.linear.scatter [tilespmem:s22], [sflag:$0x3], $0x2000, $0x38;
	[tilespmem:$0x19E00] =	vst v63  }
0x7d: {  	_ =	swait.ge [sflag:s18], $0x2000  }
0x7e: {  	[sflag:s18] =	ssyncset.done $0x0  }
0x7f: {  	[sflag:s18] =	ssyncadd.s32 $0xFFFFE000  }
0x80: {  	[tilespmem:s22], [sflag:$0x3] =	stream.linear.gather [spmem:s9], $0x2000, $0x38;
	[tilespmem:$0x19E00] =	vst v63  }
0x81: {  	_ =	swait.ge [sflag:s18], $0x2000  }
0x82: {  	[sflag:s18] =	ssyncset.done $0x0  }
0x83: {  	[sflag:s18] =	ssyncadd.s32 $0xFFFFE000  }
0x84: {  	[hbm4b:s14+s3] =	stream.linear.scatter [tilespmem:s22], [sflag:$0x3], $0x2000, $0x38;
	[tilespmem:$0x19E00] =	vst v63  }
0x85: {  	_ =	swait.ge [sflag:s18], $0x2000  }
0x86: {  	[sflag:s18] =	ssyncset.done $0x0  }
0x87: {  	[sflag:s18] =	ssyncadd.s32 $0xFFFFE000  }
0x88: {  	[tilespmem:s22], [sflag:$0x3] =	stream.linear.gather [spmem:s10], $0x2000, $0x38;
	[tilespmem:$0x19E00] =	vst v63  }
0x89: {  	_ =	swait.ge [sflag:s18], $0x2000  }
0x8a: {  	[sflag:s18] =	ssyncset.done $0x0  }
0x8b: {  	[sflag:s18] =	ssyncadd.s32 $0xFFFFE000  }
0x8c: {  	[hbm4b:s15+s3] =	stream.linear.scatter [tilespmem:s22], [sflag:$0x3], $0x2000, $0x38;
	[tilespmem:$0x19E00] =	vst v63  }
0x8d: {  	_ =	swait.ge [sflag:s18], $0x2000  }
0x8e: {  	[sflag:s18] =	ssyncset.done $0x0  }
0x8f: {  	[sflag:s18] =	ssyncadd.s32 $0xFFFFE000  }
0x90: {  	[tilespmem:s22], [sflag:$0x3] =	stream.linear.gather [spmem:s11], $0x2000, $0x38;
	[tilespmem:$0x19E00] =	vst v63  }
0x91: {  	s29 =	sadd.s32 $0x1, s29;
	_ =	swait.ge [sflag:s18], $0x2000  }
0x92: {  	p0 =	sne.s32 s29, s17;
	[sflag:s18] =	ssyncset.done $0x0  }
.Ltmp2:
0x93: {  	[sflag:s18] =	ssyncadd.s32 $0xFFFFE000;
	(pc) =	sbr.rel @p0 .LBB2_1-.Ltmp2, $4  }
0x94: {  	[hbm4b:s16+s3] =	stream.linear.scatter [tilespmem:s22], [sflag:$0x3], $0x2000, $0x38;
	[tilespmem:$0x19E00] =	vst v63  }
0x95: {  	_ =	swait.ge [sflag:s18], $0x2000  }
0x96: {  	[sflag:s18] =	ssyncset.done $0x0  }
0x97: {  	[sflag:s18] =	ssyncadd.s32 $0xFFFFE000  }
0x98: {  	_ =	sfence.sel $0x180000  }
0x99: {  	[bflag:$0x0] =	sbarrier.arrive $0xFFFF  }
0x9a: {  	_ =	strace $0x9000004A  }
0x9b: {  	[bflag:$0x2] =	sbarrier.arrive $0xFFFF  }
0x9c: {  	p0 =	sne.s32 s1, $0x0;
	s0 =	rddreg [dreg:$0x3]  }
0x9d: {  	s0 =	sadd.s32 @!p0 $0x100000, s0  }
0x9e: {  	[sflag:s0] =	ssyncadd.tile.s32 @!p0 $0x1;
	_ =	shalt  }
.Lfunc_end2:
_tile_overlayer_lowered:
.L_overlay_start_2:
0x9f: {  	(tag) =	ssettag $0x2  }
0xa0: {  	s0 =	rddreg [dreg:$0x0];
	s2 =	stileid.u32  }
0xa1: {  	s1 =	rddreg [dreg:$0x1];
	p0 =	sne.s32 s2, $0x0  }
0xa2: {  	s3 =	rddreg [dreg:$0x2];
	[bflag:$0x3] =	sbarrier.arrive $0xFFFF;
	s2 =	simm.s32 @!p0 $0x1C03  }
0xa3: {  	[timem:s3], [sflag:s2] =	dma.local @!p0 [hbm:s0], s1  }
0xa4: {  	s0 =	simm.s32 @!p0 $0x3  }
0xa5: {  	_ =	swait.ge @!p0 [sflag:s0], s1  }
0xa6: {  	s1 =	ssub.s32 @!p0 $0x0, s1;
	[sflag:s0] =	ssyncset.done @!p0 $0x0  }
0xa7: {  	[sflag:s0] =	ssyncadd.s32 @!p0 s1  }
0xa8: {  	[bflag:$0x3] =	sbarrier.arrive $0xFFFF  }
0xa9: {  	_ =	shalt  }

// kernel: kernel.14.cloned.1.call-start
scs
__scs_entry_jumppad:
0x0: {  	(pc) =	sbr.rel $0x88, $3  }
0x1: {  	(tag) =	ssettag $0x0;
	lr =	simm.s32 $0x1  }
0x2: {  	[smem:$0x3F97] =	sst lr;
	_ =	strace $0xD0000000  }
0x3: {  	_ = 	snop  }
0x4: {  	_ = 	snop  }
0x5: {  	_ = 	snop  }
0x6: {  	_ = 	snop  }
0x7: {  	_ = 	snop  }
__scs_overlays_trampoline_lowered:
0x8: {  	[smem:$0x3FA6] =	sst s0  }
0x9: {  	[smem:$0x3FA7] =	sst s1  }
0xa: {  	[smem:$0x3FA8] =	sst s2  }
0xb: {  	[smem:$0x3FA9] =	sst s3  }
0xc: {  	[smem:$0x3FAA] =	sst s4  }
0xd: {  	[smem:$0x3FAB] =	sst s5  }
0xe: {  	[smem:$0x3FAC] =	sst s6  }
0xf: {  	[smem:$0x3FAD] =	sst s7  }
0x10: {  	[smem:$0x3FAE] =	sst s8  }
0x11: {  	[smem:$0x3FAF] =	sst s9;
	s0 =	simm.s32 @!p0 $0x0  }
0x12: {  	s1 =	sld [smem:$0x3F95];
	s0 =	simm.s32 @p0 $0x1  }
0x13: {  	[smem:$0x3FB0] =	sst s0;
	s0 =	simm.s32 @!p1 $0x0  }
0x14: {  	s2 =	sld [smem:$0x3F94];
	s0 =	simm.s32 @p1 $0x1  }
0x15: {  	[smem:$0x3FB1] =	sst s0;
	s0 =	simm.s32 @!p2 $0x0  }
0x16: {  	s3 =	sld [smem:$0x3FDB];
	s0 =	simm.s32 @p2 $0x1  }
0x17: {  	s4 =	simm.s32 $0x1BF5;
	[smem:$0x3FB3] =	sst s0  }
0x18: {  	s0 =	sld [smem:$0x3F96];
	_ =	swait.ge [sflag:s4], $0x0  }
0x19: {  	s7 =	sld [smem:$0x3F97]  }
0x1a: {  	s8 =	sadd.s32 $0xFFFFE003, lr  }
0x1b: {  	s9 =	sadd.s32 $0xFFFFFEF7, lr;
	s5 =	simm.s32 $0xFFFFFFFF;
	p2 =	slt.u32 s8, $0xFFFFF086  }
0x1c: {  	p1 =	slt.u32 s9, $0xF7A;
	s5 =	simm.s32 @!p2 $0x0  }
0x1d: {  	s5 =	simm.s32 @p1 $0x1;
	p0 =	seq.s32 s7, s2  }
0x1e: {  	s7 =	smul.u32 @!p0 $0xF7A, s2;
	p2 =	seq.s32 @!p0 s5, $0x0  }
0x1f: {  	s9 =	smul.u32 $0xF7A, s1;
	s8 =	simm.s32 @!p0 $0x1BF5;
	p2 =	por !p2, p0  }
0x20: {  	[sflag:s8] =	ssyncset.s32 @!p0 $0xFFFFF086;
	s6 =	sadd.s32 @!p0 s3, s7;
	s7 =	simm.s32 @!p0 $0x108  }
0x21: {  	s3 =	sadd.s32 s3, s9;
	s6 =	sadd.s32 @!p0 $0x88, s6;
	s7 =	simm.s32 @p2 $0x1082  }
0x22: {  	[simem:s7], [sflag:s8] =	dma.local @!p0 [hbm:s6], $0xF7A  }
0x23: {  	s9 =	sor.u32 $0xD0000000, s2;
	s6 =	simm.s32 $0x108;
	_ =	swait.ge @!p0 [sflag:s8], $0x0  }
0x24: {  	s3 =	sadd.s32 $0x88, s3;
	s6 =	simm.s32 @!p1 $0x1082;
	[sflag:s4] =	ssyncset.s32 $0xFFFFF086  }
0x25: {  	[simem:s6], [sflag:s4] =	dma.local [hbm:s3], $0xF7A  }
0x26: {  	[smem:$0x3F97] =	sst s1;
	(tag) =	ssettag s2;
	_ =	strace s9  }
0x27: {  	s1 =	sld [smem:$0x3FA7]  }
0x28: {  	s2 =	sld [smem:$0x3FA8]  }
0x29: {  	s4 =	sld [smem:$0x3FAA]  }
0x2a: {  	p0 =	seq.s32 s5, $0x0;
	s5 =	sld [smem:$0x3FAB]  }
0x2b: {  	s6 =	sld [smem:$0x3FAC]  }
0x2c: {  	s7 =	sld [smem:$0x3FAD]  }
0x2d: {  	s3 =	simm.s32 $0x108;
	s8 =	sld [smem:$0x3FAE]  }
0x2e: {  	s3 =	simm.s32 @!p0 $0x1082;
	s9 =	sld [smem:$0x3FAF]  }
0x2f: {  	lr =	sadd.s32 s0, s3;
	s0 =	sld [smem:$0x3FA6]  }
0x30: {  	s3 =	sld [smem:$0x3FA9]  }
0x31: {  	[smem:$0x3FB2] =	sst s10  }
0x32: {  	s10 =	sld [smem:$0x3FB0];
	_ =	sdelay $0x3  }
0x33: {  	p0 =	seq.s32 s10, $0x1;
	s10 =	sld [smem:$0x3FB2];
	_ =	sdelay $0x3  }
0x34: {  	[smem:$0x3FB2] =	sst s10  }
0x35: {  	s10 =	sld [smem:$0x3FB1];
	_ =	sdelay $0x3  }
0x36: {  	p1 =	seq.s32 s10, $0x1;
	s10 =	sld [smem:$0x3FB2];
	_ =	sdelay $0x3  }
0x37: {  	[smem:$0x3FB2] =	sst s10  }
0x38: {  	s10 =	sld [smem:$0x3FB3]  }
0x39: {  	_ = 	snop;
	(pc) =	sbr.ind lr, $3  }
0x3a: {  	_ = 	snop  }
0x3b: {  	_ = 	snop  }
0x3c: {  	p2 =	seq.s32 s10, $0x1;
	s10 =	sld [smem:$0x3FB2]  }
0x3d: {  	_ =	shalt  }
0x3e: {  	_ =	shalt  }
0x3f: {  	_ =	shalt  }
0x40: {  	_ =	shalt  }
0x41: {  	_ =	shalt  }
0x42: {  	_ =	shalt  }
0x43: {  	_ =	shalt  }
0x44: {  	_ =	shalt  }
0x45: {  	_ =	shalt  }
0x46: {  	_ =	shalt  }
0x47: {  	_ =	shalt  }
0x48: {  	_ =	shalt  }
0x49: {  	_ =	shalt  }
0x4a: {  	_ =	shalt  }
0x4b: {  	_ =	shalt  }
0x4c: {  	_ =	shalt  }
0x4d: {  	_ =	shalt  }
0x4e: {  	_ =	shalt  }
0x4f: {  	_ =	shalt  }
0x50: {  	_ =	shalt  }
0x51: {  	_ =	shalt  }
0x52: {  	_ =	shalt  }
0x53: {  	_ =	shalt  }
0x54: {  	_ =	shalt  }
0x55: {  	_ =	shalt  }
0x56: {  	_ =	shalt  }
0x57: {  	_ =	shalt  }
0x58: {  	_ =	shalt  }
0x59: {  	_ =	shalt  }
0x5a: {  	_ =	shalt  }
0x5b: {  	_ =	shalt  }
0x5c: {  	_ =	shalt  }
0x5d: {  	_ =	shalt  }
0x5e: {  	_ =	shalt  }
0x5f: {  	_ =	shalt  }
0x60: {  	_ =	shalt  }
0x61: {  	_ =	shalt  }
0x62: {  	_ =	shalt  }
0x63: {  	_ =	shalt  }
0x64: {  	_ =	shalt  }
0x65: {  	_ =	shalt  }
0x66: {  	_ =	shalt  }
0x67: {  	_ =	shalt  }
0x68: {  	_ =	shalt  }
0x69: {  	_ =	shalt  }
0x6a: {  	_ =	shalt  }
0x6b: {  	_ =	shalt  }
0x6c: {  	_ =	shalt  }
0x6d: {  	_ =	shalt  }
0x6e: {  	_ =	shalt  }
0x6f: {  	_ =	shalt  }
0x70: {  	_ =	shalt  }
0x71: {  	_ =	shalt  }
0x72: {  	_ =	shalt  }
0x73: {  	_ =	shalt  }
0x74: {  	_ =	shalt  }
0x75: {  	_ =	shalt  }
0x76: {  	_ =	shalt  }
0x77: {  	_ =	shalt  }
0x78: {  	_ =	shalt  }
0x79: {  	_ =	shalt  }
0x7a: {  	_ =	shalt  }
0x7b: {  	_ =	shalt  }
0x7c: {  	_ =	shalt  }
0x7d: {  	_ =	shalt  }
0x7e: {  	_ =	shalt  }
0x7f: {  	_ =	shalt  }
0x80: {  	_ =	shalt  }
0x81: {  	_ =	shalt  }
0x82: {  	_ =	shalt  }
0x83: {  	_ =	shalt  }
0x84: {  	_ =	shalt  }
0x85: {  	_ =	shalt  }
0x86: {  	_ =	shalt  }
0x87: {  	_ =	shalt  }
.Lfunc_end0:
.L_simem_size_0:
called_computation.2_lowered:
.L_overlay_start_0:
0x88: {  	s2 =	sld [smem:$0x3FD9]  }
0x89: {  	s3 =	sld [smem:$0x3FFE];
	_ =	sdelay $0x1  }
0x8a: {  	s1 =	srdreg.scid  }
0x8b: {  	s0 =	sand.u32 $0x1, s1  }
0x8c: {  	s17 =	sshll.u32 s0, $0xA;
	s2 =	sadd.s32 s3, s2  }
0x8d: {  	s2 =	sadd.s32 s2, s17  }
0x8e: {  	[smem:$0x3FBE] =	sst s2  }
0x8f: {  	_ = 	snop  }
0x90: {  	s2 =	sld [smem:$0x3FD0];
	(tm) =	ssettm $0x1  }
0x91: {  	s18 =	sld [smem:$0x3FFB];
	_ =	sdelay $0x3  }
0x92: {  	_ =	strace s18  }
0x93: {  	s3 =	sld [smem:$0x3FFC];
	_ =	sdelay $0x3  }
0x94: {  	_ =	strace s3  }
0x95: {  	s3 =	sld [smem:$0x3FFD];
	_ =	sdelay $0x3  }
0x96: {  	_ =	strace s3  }
0x97: {  	_ =	strace $0x8FFFFFFF  }
0x98: {  	s19 =	sld [smem:$0x3FDB];
	_ =	sdelay $0x1  }
0x99: {  	s4 =	simm.s32 $_scs_section_size  }
0x9a: {  	s5 =	simm.s32 $_size__tile_overlayer_lowered;
	s6 =	simm.s32 $_tile_overlayer_lowered  }
0x9b: {  	s22 =	simm.s32 $0x1BFF;
	s21 =	sshll.u32 s6, $0x1;
	s3 =	sadd.s32 s4, s19  }
0x9c: {  	s7 =	simm.s32 $0x0;
	s20 =	sshll.u32 s5, $0x1;
	s5 =	sadd.s32 s21, s3  }
0x9d: {  	[timem:s7], [sflag:s22] =	dma.local [hbm:s5], s20  }
0x9e: {  	_ =	swait.ge [sflag:s22], s20  }
0x9f: {  	s4 =	ssub.s32 $0x0, s20;
	[sflag:s22] =	ssyncset.done $0x0  }
0xa0: {  	[sflag:s22] =	ssyncadd.s32 s4;
	_ =	sdelay $0x1  }
0xa1: {  	s23 =	simm.s32 $0x1B8B  }
0xa2: {  	_ =	swait.ge [sflag:s23], $0x1  }
0xa3: {  	[sflag:s23] =	ssyncset.done $0x0  }
0xa4: {  	s25 =	simm.s32 $0x1B8E;
	s24 =	sld [smem:$0x3FFE];
	[sflag:s23] =	ssyncadd.s32 $0xFFFFFFFF  }
0xa5: {  	s26 =	simm.s32 $execute0_lowered;
	[smem:$0x3FD2] =	sst s25  }
0xa6: {  	s5 =	sshll.u32 s26, $0x1;
	_ =	strace $0x8000004C;
	[dreg:$0x1] =	wrdreg $0xFFFFFFFF  }
0xa7: {  	s28 =	simm.s32 $_size_execute0_lowered;
	s3 =	sadd.s32 s3, s5;
	[dreg:$0x0] =	wrdreg $0x0  }
0xa8: {  	s5 =	sshll.u32 s28, $0x1;
	[dreg:$0x2] =	wrdreg s3  }
0xa9: {  	[dreg:$0x3] =	wrdreg s5  }
0xaa: {  	[dreg:$0x4] =	wrdreg $0xC0  }
0xab: {  	_ =	task [dreg:s7], $0x5FFFF  }
0xac: {  	[dreg:$0x1] =	wrdreg $0xFFFFFFFF  }
0xad: {  	[dreg:$0x0] =	wrdreg $0x60  }
0xae: {  	[dreg:$0x2] =	wrdreg s2  }
0xaf: {  	[dreg:$0x3] =	wrdreg s24  }
0xb0: {  	[dreg:$0x4] =	wrdreg $0xFE000  }
0xb1: {  	[dreg:$0x5] =	wrdreg $0x9  }
0xb2: {  	_ =	task.clear_ibuf [dreg:s7], $0x6FFFF;
	_ =	strace $0x9000004C  }
0xb3: {  	s29 =	simm.s32 $0x9;
	_ =	strace $0x8000004E  }
0xb4: {  	_ =	swait.ge [sflag:s29], $0x1  }
0xb5: {  	[sflag:s29] =	ssyncadd.s32 $0xFFFFFFFF  }
0xb6: {  	_ =	strace $0x9000004E  }
0xb7: {  	_ =	sfence  }
0xb8: {  	s30 =	sld [smem:$0x0];
	_ =	sdelay $0x2  }
0xb9: {  	s31 =	sshll.u32 s1, $0xD;
	s1 =	sshrl.u32 s1, $0x2  }
0xba: {  	s3 =	sand.u32 $0x4000, s31;
	s1 =	sadd.s32 s1, s30  }
0xbb: {  	s0 =	sor.u32 s3, s0;
	s1 =	sshll.u32 s1, $0x11  }
0xbc: {  	s0 =	sor.u32 s1, s0  }
0xbd: {  	s0 =	sadd.s32 $0x8F2B, s0  }
0xbe: {  	[sflag:s0] =	ssyncadd.remote.s32 $0x1  }
0xbf: {  	_ =	sfence.sel $0xFFFF  }
0xc0: {  	[dreg:$0x0] =	wrdreg $0xFFFFFFFF;
	(pc) =	sbr.abs _section_cstart, $3  }
0xc1: {  	[dreg:$0x1] =	wrdreg $0xFFFFFFFF  }
0xc2: {  	_ =	task.clear_ibuf [dreg:s7], $0x2FFFF;
	_ =	strace $0x9FFFFFFF  }
0xc3: {  	(tm) =	ssettm $0x7FFFFFFF  }
tec
execute0_lowered:
.L_overlay_start_1:
0x0: {  	(tag) =	ssettag $0x1  }
0x1: {  	s5 =	rddreg [dreg:$0x0]  }
0x2: {  	s6 =	rddreg [dreg:$0x1]  }
0x3: {  	s2 =	rddreg [dreg:$0x2]  }
0x4: {  	s1 =	stileid.u32;
	s3 =	simm.s32 $0x0;
	s4 =	srdreg.scid  }
0x5: {  	s20 =	simm.s32 $0xDE00;
	s21 =	simm.s32 $0x80;
	s22 =	simm.s32 $0x9E00  }
0x6: {  	s23 =	simm.s32 $0xBE00;
	s28 =	simm.s32 $0x9D80;
	s29 =	simm.s32 $0x0  }
0x7: {  	s7 =	smul.u32 $0x4F00, s1;
	[smem:$0x7FF] =	sst s3;
	s8 =	sand.u32 $0x1, s4  }
0x8: {  	s4 =	sadd.s32 $0x2200, s6;
	s13 =	smul.u32 $0xA000, s1;
	s16 =	sadd.s32 $0x34000, s6  }
0x9: {  	_ =	strace $0x8000004D;
	s9 =	smul.u32 $0x4F000, s8;
	s11 =	ssub.s32 $0x2, s8  }
0xa: {  	s15 =	smul.u32 $0xA0000, s8;
	s24 =	sshrl.u32 s7, $0x3;
	s12 =	sshrl.u32 s11, $0x1  }
0xb: {  	s26 =	sadd.s32 $0x2000, s13;
	s14 =	sadd.s32 $0x4000, s13;
	s18 =	sadd.s32 $0x6000, s13  }
0xc: {  	s19 =	sadd.s32 $0x8000, s13;
	s10 =	sadd.s32 s24, s6;
	s7 =	sadd.s32 s7, s9  }
0xd: {  	s17 =	ssub.s32 s11, s12;
	s8 =	sadd.s32 s26, s2;
	s9 =	sadd.s32 s14, s2  }
0xe: {  	s30 =	sadd.s32 s13, s15;
	s11 =	sadd.s32 s15, s26;
	s14 =	sadd.s32 s15, s14  }
0xf: {  	s24 =	simm.s32 $0x1;
	s26 =	simm.s32 $0x9D00;
	s25 =	sshrl.u32 s7, $0x3  }
0x10: {  	s6 =	sadd.s32 $0x2A200, s10;
	s7 =	sadd.s32 s13, s2;
	s10 =	sadd.s32 s18, s2  }
0x11: {  	s12 =	sshrl.u32 s30, $0x3;
	s31 =	sshrl.u32 s11, $0x3;
	s11 =	sadd.s32 s19, s2  }
0x12: {  	s18 =	sadd.s32 s15, s18;
	s15 =	sadd.s32 s15, s19;
	s14 =	sshrl.u32 s14, $0x3  }
0x13: {  	s17 =	smax.u32 s17, $0x1;
	s5 =	sadd.s32 s5, s25;
	s12 =	sadd.s32 s16, s12  }
0x14: {  	s13 =	sadd.s32 s16, s31;
	s18 =	sshrl.u32 s18, $0x3;
	s19 =	sshrl.u32 s15, $0x3  }
0x15: {  	s14 =	sadd.s32 s16, s14;
	s25 =	simm.s32 $0x2;
	s15 =	sadd.s32 s16, s18  }
0x16: {  	v0 =	vimm.f32 $0.0e+00;
	s16 =	sadd.s32 s16, s19;
	s18 =	simm.s32 $0x3;
	s19 =	simm.s32 $0x4F00  }
.LBB2_1:
0x17: {  	[tilespmem:s3], [sflag:$0x3] =	stream.linear.gather [hbm4b:s5+s3], $0x4F00, $0x38;
	[tilespmem:$0x19E00] =	vst v63  }
0x18: {  	_ =	swait.ge [sflag:s18], $0x4F00  }
0x19: {  	[sflag:s18] =	ssyncset.done $0x0  }
0x1a: {  	[sflag:s18] =	ssyncadd.s32 $0xFFFFB100  }
0x1b: {  	[tilespmem:s19], [sflag:$0x3] =	stream.linear.gather [hbm4b:s6+s3], $0x4F00, $0x38;
	[tilespmem:$0x19E00] =	vst v63  }
0x1c: {  	_ =	swait.ge [sflag:s18], $0x4F00  }
0x1d: {  	[sflag:s18] =	ssyncset.done $0x0  }
0x1e: {  	s31 =	simm.s32 $0x100;
	s30 =	simm.s32 $0x0;
	[sflag:s18] =	ssyncadd.s32 $0xFFFFB100  }
.LBB2_2:
0x1f: {  	p0 =	sne.s32 s31, $0x7F00;
	[tilespmem:s30+$0xDE30] =	vst v0;
	s0 =	smov.u32 s31;
	s31 =	sadd.s32 $0x100, s31  }
.Ltmp0:
0x20: {  	[tilespmem:s30+$0xDE20] =	vst v0;
	(pc) =	sbr.rel @p0 .LBB2_2-.Ltmp0, $3  }
0x21: {  	[tilespmem:s30+$0xDE00] =	vst v0  }
0x22: {  	[tilespmem:s30+$0xDE10] =	vst v0;
	_ =	sdelay $0x1  }
0x23: {  	s30 =	sshra.s32 s0, $0x2  }
0x24: {  	[tilespmem:s30+$0xDE30] =	vst v0  }
0x25: {  	[tilespmem:s30+$0xDE20] =	vst v0  }
0x26: {  	[tilespmem:s30+$0xDE00] =	vst v0  }
0x27: {  	[tilespmem:s30+$0xDE10] =	vst v0  }
0x28: {  	[spmem:s7] =	stream.linear.scatter [tilespmem:s20], [sflag:$0x3], $0x2000, $0x38;
	[tilespmem:$0x19E00] =	vst v63  }
0x29: {  	_ =	swait.ge [sflag:s18], $0x2000  }
0x2a: {  	[sflag:s18] =	ssyncset.done $0x0  }
0x2b: {  	[sflag:s18] =	ssyncadd.s32 $0xFFFFE000  }
0x2c: {  	[spmem:s8] =	stream.linear.scatter [tilespmem:s20], [sflag:$0x3], $0x2000, $0x38;
	[tilespmem:$0x19E00] =	vst v63  }
0x2d: {  	_ =	swait.ge [sflag:s18], $0x2000  }
0x2e: {  	[sflag:s18] =	ssyncset.done $0x0  }
0x2f: {  	[sflag:s18] =	ssyncadd.s32 $0xFFFFE000  }
0x30: {  	[spmem:s9] =	stream.linear.scatter [tilespmem:s20], [sflag:$0x3], $0x2000, $0x38;
	[tilespmem:$0x19E00] =	vst v63  }
0x31: {  	_ =	swait.ge [sflag:s18], $0x2000  }
0x32: {  	[sflag:s18] =	ssyncset.done $0x0  }
0x33: {  	[sflag:s18] =	ssyncadd.s32 $0xFFFFE000  }
0x34: {  	[spmem:s10] =	stream.linear.scatter [tilespmem:s20], [sflag:$0x3], $0x2000, $0x38;
	[tilespmem:$0x19E00] =	vst v63  }
0x35: {  	_ =	swait.ge [sflag:s18], $0x2000  }
0x36: {  	[sflag:s18] =	ssyncset.done $0x0  }
0x37: {  	[sflag:s18] =	ssyncadd.s32 $0xFFFFE000  }
0x38: {  	[spmem:s11] =	stream.linear.scatter [tilespmem:s20], [sflag:$0x3], $0x2000, $0x38;
	[tilespmem:$0x19E00] =	vst v63  }
0x39: {  	_ =	swait.ge [sflag:s18], $0x2000  }
0x3a: {  	[sflag:s18] =	ssyncset.done $0x0  }
0x3b: {  	[sflag:s18] =	ssyncadd.s32 $0xFFFFE000  }
0x3c: {  	s0 =	simm.s32 $0x0;
	[bflag:$0x0] =	sbarrier.arrive $0xFFFF  }
0x3d: {  	[tilespmem:s22], [sflag:$0x1] =	stream.indirect.gather [hbm4b:s4+s21], $0x40, s0, s21, $0xb8;
	[tilespmem:$0x19E00] =	vst v63  }
0x3e: {  	_ = 	snop  }
0x3f: {  	[tilespmem:s23], [sflag:$0x2] =	stream.indirect.gather [hbm4b:s4+s21], $0x40, s21, s21, $0xb8;
	[tilespmem:$0x19E00] =	vst v63  }
0x40: {  	_ =	swait.ge [sflag:s24], $0x2000  }
0x41: {  	[sflag:s24] =	ssyncset.done $0x0  }
0x42: {  	s0 =	simm.s32 $0x4F00;
	[sflag:s24] =	ssyncadd.s32 $0xFFFFE000  }
0x43: {  	[spmem:s2] =	stream.indirect.scatter.add.f32 [tilespmem:s22], [sflag:$0x3], $0x40, s0, s21, $0xb8;
	[tilespmem:$0x19E00] =	vst v63  }
0x44: {  	_ =	swait.ge [sflag:s18], $0x2000  }
0x45: {  	[sflag:s18] =	ssyncset.done $0x0  }
0x46: {  	s0 =	simm.s32 $0x100;
	[sflag:s18] =	ssyncadd.s32 $0xFFFFE000  }
0x47: {  	[tilespmem:s22], [sflag:$0x1] =	stream.indirect.gather [hbm4b:s4+s21], $0x40, s0, s21, $0xb8;
	[tilespmem:$0x19E00] =	vst v63  }
0x48: {  	_ =	swait.ge [sflag:s25], $0x2000  }
0x49: {  	[sflag:s25] =	ssyncset.done $0x0  }
0x4a: {  	s0 =	simm.s32 $0x4F80;
	[sflag:s25] =	ssyncadd.s32 $0xFFFFE000  }
0x4b: {  	[spmem:s2] =	stream.indirect.scatter.add.f32 [tilespmem:s23], [sflag:$0x3], $0x40, s0, s21, $0xb8;
	[tilespmem:$0x19E00] =	vst v63  }
0x4c: {  	_ =	swait.ge [sflag:s18], $0x2000  }
0x4d: {  	[sflag:s18] =	ssyncset.done $0x0  }
0x4e: {  	s30 =	simm.s32 $0x400;
	s31 =	simm.s32 $0x180;
	[sflag:s18] =	ssyncadd.s32 $0xFFFFE000  }
.LBB2_4:
0x4f: {  	[tilespmem:s23], [sflag:$0x2] =	stream.indirect.gather [hbm4b:s4+s21], $0x40, s31, s21, $0xb8;
	[tilespmem:$0x19E00] =	vst v63  }
0x50: {  	s0 =	smov.u32 s30  }
0x51: {  	p0 =	sne.s32 s30, $0x13400;
	s30 =	sadd.s32 $0x400, s30;
	_ =	swait.ge [sflag:s24], $0x2000  }
0x52: {  	s0 =	sshra.s32 s0, $0x2;
	[sflag:s24] =	ssyncset.done $0x0  }
0x53: {  	s31 =	sadd.s32 $0x4F00, s0;
	[sflag:s24] =	ssyncadd.s32 $0xFFFFE000  }
0x54: {  	[spmem:s2] =	stream.indirect.scatter.add.f32 [tilespmem:s22], [sflag:$0x3], $0x40, s31, s21, $0xb8;
	[tilespmem:$0x19E00] =	vst v63  }
0x55: {  	_ =	swait.ge [sflag:s18], $0x2000  }
0x56: {  	[sflag:s18] =	ssyncset.done $0x0  }
0x57: {  	s31 =	sadd.s32 $0x100, s0;
	[sflag:s18] =	ssyncadd.s32 $0xFFFFE000  }
0x58: {  	[tilespmem:s22], [sflag:$0x1] =	stream.indirect.gather [hbm4b:s4+s21], $0x40, s31, s21, $0xb8;
	[tilespmem:$0x19E00] =	vst v63  }
0x59: {  	_ =	swait.ge [sflag:s25], $0x2000  }
0x5a: {  	[sflag:s25] =	ssyncset.done $0x0  }
.Ltmp1:
0x5b: {  	s31 =	sadd.s32 $0x4F80, s0;
	[sflag:s25] =	ssyncadd.s32 $0xFFFFE000;
	(pc) =	sbr.rel @p0 .LBB2_4-.Ltmp1, $4  }
0x5c: {  	[spmem:s2] =	stream.indirect.scatter.add.f32 [tilespmem:s23], [sflag:$0x3], $0x40, s31, s21, $0xb8;
	[tilespmem:$0x19E00] =	vst v63  }
0x5d: {  	_ =	swait.ge [sflag:s18], $0x2000  }
0x5e: {  	[sflag:s18] =	ssyncset.done $0x0  }
0x5f: {  	s31 =	sadd.s32 $0x180, s0;
	[sflag:s18] =	ssyncadd.s32 $0xFFFFE000  }
0x60: {  	[tilespmem:s23], [sflag:$0x2] =	stream.indirect.gather [hbm4b:s4+s21], $0x40, s31, s21, $0xb8;
	[tilespmem:$0x19E00] =	vst v63  }
0x61: {  	_ =	swait.ge [sflag:s24], $0x2000  }
0x62: {  	[sflag:s24] =	ssyncset.done $0x0  }
0x63: {  	[sflag:s24] =	ssyncadd.s32 $0xFFFFE000  }
0x64: {  	[spmem:s2] =	stream.indirect.scatter.add.f32 [tilespmem:s22], [sflag:$0x3], $0x40, s26, s21, $0xb8;
	[tilespmem:$0x19E00] =	vst v63  }
0x65: {  	_ =	swait.ge [sflag:s18], $0x2000  }
0x66: {  	[sflag:s18] =	ssyncset.done $0x0  }
0x67: {  	[sflag:s18] =	ssyncadd.s32 $0xFFFFE000  }
0x68: {  	_ =	swait.ge [sflag:s25], $0x2000  }
0x69: {  	[sflag:s25] =	ssyncset.done $0x0  }
0x6a: {  	[sflag:s25] =	ssyncadd.s32 $0xFFFFE000  }
0x6b: {  	[spmem:s2] =	stream.indirect.scatter.add.f32 [tilespmem:s23], [sflag:$0x3], $0x40, s28, s21, $0xb8;
	[tilespmem:$0x19E00] =	vst v63  }
0x6c: {  	_ =	swait.ge [sflag:s18], $0x2000  }
0x6d: {  	[sflag:s18] =	ssyncset.done $0x0  }
0x6e: {  	[sflag:s18] =	ssyncadd.s32 $0xFFFFE000  }
0x6f: {  	[bflag:$0x0] =	sbarrier.arrive $0xFFFF  }
0x70: {  	[tilespmem:s22], [sflag:$0x3] =	stream.linear.gather [spmem:s7], $0x2000, $0x38;
	[tilespmem:$0x19E00] =	vst v63  }
0x71: {  	_ =	swait.ge [sflag:s18], $0x2000  }
0x72: {  	[sflag:s18] =	ssyncset.done $0x0  }
0x73: {  	[sflag:s18] =	ssyncadd.s32 $0xFFFFE000  }
0x74: {  	[hbm4b:s12+s3] =	stream.linear.scatter [tilespmem:s22], [sflag:$0x3], $0x2000, $0x38;
	[tilespmem:$0x19E00] =	vst v63  }
0x75: {  	_ =	swait.ge [sflag:s18], $0x2000  }
0x76: {  	[sflag:s18] =	ssyncset.done $0x0  }
0x77: {  	[sflag:s18] =	ssyncadd.s32 $0xFFFFE000  }
0x78: {  	[tilespmem:s22], [sflag:$0x3] =	stream.linear.gather [spmem:s8], $0x2000, $0x38;
	[tilespmem:$0x19E00] =	vst v63  }
0x79: {  	_ =	swait.ge [sflag:s18], $0x2000  }
0x7a: {  	[sflag:s18] =	ssyncset.done $0x0  }
0x7b: {  	[sflag:s18] =	ssyncadd.s32 $0xFFFFE000  }
0x7c: {  	[hbm4b:s13+s3] =	stream.linear.scatter [tilespmem:s22], [sflag:$0x3], $0x2000, $0x38;
	[tilespmem:$0x19E00] =	vst v63  }
0x7d: {  	_ =	swait.ge [sflag:s18], $0x2000  }
0x7e: {  	[sflag:s18] =	ssyncset.done $0x0  }
0x7f: {  	[sflag:s18] =	ssyncadd.s32 $0xFFFFE000  }
0x80: {  	[tilespmem:s22], [sflag:$0x3] =	stream.linear.gather [spmem:s9], $0x2000, $0x38;
	[tilespmem:$0x19E00] =	vst v63  }
0x81: {  	_ =	swait.ge [sflag:s18], $0x2000  }
0x82: {  	[sflag:s18] =	ssyncset.done $0x0  }
0x83: {  	[sflag:s18] =	ssyncadd.s32 $0xFFFFE000  }
0x84: {  	[hbm4b:s14+s3] =	stream.linear.scatter [tilespmem:s22], [sflag:$0x3], $0x2000, $0x38;
	[tilespmem:$0x19E00] =	vst v63  }
0x85: {  	_ =	swait.ge [sflag:s18], $0x2000  }
0x86: {  	[sflag:s18] =	ssyncset.done $0x0  }
0x87: {  	[sflag:s18] =	ssyncadd.s32 $0xFFFFE000  }
0x88: {  	[tilespmem:s22], [sflag:$0x3] =	stream.linear.gather [spmem:s10], $0x2000, $0x38;
	[tilespmem:$0x19E00] =	vst v63  }
0x89: {  	_ =	swait.ge [sflag:s18], $0x2000  }
0x8a: {  	[sflag:s18] =	ssyncset.done $0x0  }
0x8b: {  	[sflag:s18] =	ssyncadd.s32 $0xFFFFE000  }
0x8c: {  	[hbm4b:s15+s3] =	stream.linear.scatter [tilespmem:s22], [sflag:$0x3], $0x2000, $0x38;
	[tilespmem:$0x19E00] =	vst v63  }
0x8d: {  	_ =	swait.ge [sflag:s18], $0x2000  }
0x8e: {  	[sflag:s18] =	ssyncset.done $0x0  }
0x8f: {  	[sflag:s18] =	ssyncadd.s32 $0xFFFFE000  }
0x90: {  	[tilespmem:s22], [sflag:$0x3] =	stream.linear.gather [spmem:s11], $0x2000, $0x38;
	[tilespmem:$0x19E00] =	vst v63  }
0x91: {  	s29 =	sadd.s32 $0x1, s29;
	_ =	swait.ge [sflag:s18], $0x2000  }
0x92: {  	p0 =	sne.s32 s29, s17;
	[sflag:s18] =	ssyncset.done $0x0  }
.Ltmp2:
0x93: {  	[sflag:s18] =	ssyncadd.s32 $0xFFFFE000;
	(pc) =	sbr.rel @p0 .LBB2_1-.Ltmp2, $4  }
0x94: {  	[hbm4b:s16+s3] =	stream.linear.scatter [tilespmem:s22], [sflag:$0x3], $0x2000, $0x38;
	[tilespmem:$0x19E00] =	vst v63  }
0x95: {  	_ =	swait.ge [sflag:s18], $0x2000  }
0x96: {  	[sflag:s18] =	ssyncset.done $0x0  }
0x97: {  	[sflag:s18] =	ssyncadd.s32 $0xFFFFE000  }
0x98: {  	_ =	sfence.sel $0x180000  }
0x99: {  	[bflag:$0x0] =	sbarrier.arrive $0xFFFF  }
0x9a: {  	_ =	strace $0x9000004D  }
0x9b: {  	[bflag:$0x2] =	sbarrier.arrive $0xFFFF  }
0x9c: {  	p0 =	sne.s32 s1, $0x0;
	s0 =	rddreg [dreg:$0x3]  }
0x9d: {  	s0 =	sadd.s32 @!p0 $0x100000, s0  }
0x9e: {  	[sflag:s0] =	ssyncadd.tile.s32 @!p0 $0x1;
	_ =	shalt  }
.Lfunc_end2:
_tile_overlayer_lowered:
.L_overlay_start_2:
0x9f: {  	(tag) =	ssettag $0x2  }
0xa0: {  	s0 =	rddreg [dreg:$0x0];
	s2 =	stileid.u32  }
0xa1: {  	s1 =	rddreg [dreg:$0x1];
	p0 =	sne.s32 s2, $0x0  }
0xa2: {  	s3 =	rddreg [dreg:$0x2];
	[bflag:$0x3] =	sbarrier.arrive $0xFFFF;
	s2 =	simm.s32 @!p0 $0x1C03  }
0xa3: {  	[timem:s3], [sflag:s2] =	dma.local @!p0 [hbm:s0], s1  }
0xa4: {  	s0 =	simm.s32 @!p0 $0x3  }
0xa5: {  	_ =	swait.ge @!p0 [sflag:s0], s1  }
0xa6: {  	s1 =	ssub.s32 @!p0 $0x0, s1;
	[sflag:s0] =	ssyncset.done @!p0 $0x0  }
0xa7: {  	[sflag:s0] =	ssyncadd.s32 @!p0 s1  }
0xa8: {  	[bflag:$0x3] =	sbarrier.arrive $0xFFFF  }
0xa9: {  	_ =	shalt  }

// kernel: kernel.8.cloned.1.call-start
scs
__scs_entry_jumppad:
0x0: {  	(pc) =	sbr.rel $0x88, $3  }
0x1: {  	(tag) =	ssettag $0x0;
	lr =	simm.s32 $0x1  }
0x2: {  	[smem:$0x3F97] =	sst lr;
	_ =	strace $0xD0000000  }
0x3: {  	_ = 	snop  }
0x4: {  	_ = 	snop  }
0x5: {  	_ = 	snop  }
0x6: {  	_ = 	snop  }
0x7: {  	_ = 	snop  }
__scs_overlays_trampoline_lowered:
0x8: {  	[smem:$0x3FA6] =	sst s0  }
0x9: {  	[smem:$0x3FA7] =	sst s1  }
0xa: {  	[smem:$0x3FA8] =	sst s2  }
0xb: {  	[smem:$0x3FA9] =	sst s3  }
0xc: {  	[smem:$0x3FAA] =	sst s4  }
0xd: {  	[smem:$0x3FAB] =	sst s5  }
0xe: {  	[smem:$0x3FAC] =	sst s6  }
0xf: {  	[smem:$0x3FAD] =	sst s7  }
0x10: {  	[smem:$0x3FAE] =	sst s8  }
0x11: {  	[smem:$0x3FAF] =	sst s9;
	s0 =	simm.s32 @!p0 $0x0  }
0x12: {  	s1 =	sld [smem:$0x3F95];
	s0 =	simm.s32 @p0 $0x1  }
0x13: {  	[smem:$0x3FB0] =	sst s0;
	s0 =	simm.s32 @!p1 $0x0  }
0x14: {  	s2 =	sld [smem:$0x3F94];
	s0 =	simm.s32 @p1 $0x1  }
0x15: {  	[smem:$0x3FB1] =	sst s0;
	s0 =	simm.s32 @!p2 $0x0  }
0x16: {  	s3 =	sld [smem:$0x3FDB];
	s0 =	simm.s32 @p2 $0x1  }
0x17: {  	s4 =	simm.s32 $0x1BF5;
	[smem:$0x3FB3] =	sst s0  }
0x18: {  	s0 =	sld [smem:$0x3F96];
	_ =	swait.ge [sflag:s4], $0x0  }
0x19: {  	s7 =	sld [smem:$0x3F97]  }
0x1a: {  	s8 =	sadd.s32 $0xFFFFE003, lr  }
0x1b: {  	s9 =	sadd.s32 $0xFFFFFEF7, lr;
	s5 =	simm.s32 $0xFFFFFFFF;
	p2 =	slt.u32 s8, $0xFFFFF086  }
0x1c: {  	p1 =	slt.u32 s9, $0xF7A;
	s5 =	simm.s32 @!p2 $0x0  }
0x1d: {  	s5 =	simm.s32 @p1 $0x1;
	p0 =	seq.s32 s7, s2  }
0x1e: {  	s7 =	smul.u32 @!p0 $0xF7A, s2;
	p2 =	seq.s32 @!p0 s5, $0x0  }
0x1f: {  	s9 =	smul.u32 $0xF7A, s1;
	s8 =	simm.s32 @!p0 $0x1BF5;
	p2 =	por !p2, p0  }
0x20: {  	[sflag:s8] =	ssyncset.s32 @!p0 $0xFFFFF086;
	s6 =	sadd.s32 @!p0 s3, s7;
	s7 =	simm.s32 @!p0 $0x108  }
0x21: {  	s3 =	sadd.s32 s3, s9;
	s6 =	sadd.s32 @!p0 $0x88, s6;
	s7 =	simm.s32 @p2 $0x1082  }
0x22: {  	[simem:s7], [sflag:s8] =	dma.local @!p0 [hbm:s6], $0xF7A  }
0x23: {  	s9 =	sor.u32 $0xD0000000, s2;
	s6 =	simm.s32 $0x108;
	_ =	swait.ge @!p0 [sflag:s8], $0x0  }
0x24: {  	s3 =	sadd.s32 $0x88, s3;
	s6 =	simm.s32 @!p1 $0x1082;
	[sflag:s4] =	ssyncset.s32 $0xFFFFF086  }
0x25: {  	[simem:s6], [sflag:s4] =	dma.local [hbm:s3], $0xF7A  }
0x26: {  	[smem:$0x3F97] =	sst s1;
	(tag) =	ssettag s2;
	_ =	strace s9  }
0x27: {  	s1 =	sld [smem:$0x3FA7]  }
0x28: {  	s2 =	sld [smem:$0x3FA8]  }
0x29: {  	s4 =	sld [smem:$0x3FAA]  }
0x2a: {  	p0 =	seq.s32 s5, $0x0;
	s5 =	sld [smem:$0x3FAB]  }
0x2b: {  	s6 =	sld [smem:$0x3FAC]  }
0x2c: {  	s7 =	sld [smem:$0x3FAD]  }
0x2d: {  	s3 =	simm.s32 $0x108;
	s8 =	sld [smem:$0x3FAE]  }
0x2e: {  	s3 =	simm.s32 @!p0 $0x1082;
	s9 =	sld [smem:$0x3FAF]  }
0x2f: {  	lr =	sadd.s32 s0, s3;
	s0 =	sld [smem:$0x3FA6]  }
0x30: {  	s3 =	sld [smem:$0x3FA9]  }
0x31: {  	[smem:$0x3FB2] =	sst s10  }
0x32: {  	s10 =	sld [smem:$0x3FB0];
	_ =	sdelay $0x3  }
0x33: {  	p0 =	seq.s32 s10, $0x1;
	s10 =	sld [smem:$0x3FB2];
	_ =	sdelay $0x3  }
0x34: {  	[smem:$0x3FB2] =	sst s10  }
0x35: {  	s10 =	sld [smem:$0x3FB1];
	_ =	sdelay $0x3  }
0x36: {  	p1 =	seq.s32 s10, $0x1;
	s10 =	sld [smem:$0x3FB2];
	_ =	sdelay $0x3  }
0x37: {  	[smem:$0x3FB2] =	sst s10  }
0x38: {  	s10 =	sld [smem:$0x3FB3]  }
0x39: {  	_ = 	snop;
	(pc) =	sbr.ind lr, $3  }
0x3a: {  	_ = 	snop  }
0x3b: {  	_ = 	snop  }
0x3c: {  	p2 =	seq.s32 s10, $0x1;
	s10 =	sld [smem:$0x3FB2]  }
0x3d: {  	_ =	shalt  }
0x3e: {  	_ =	shalt  }
0x3f: {  	_ =	shalt  }
0x40: {  	_ =	shalt  }
0x41: {  	_ =	shalt  }
0x42: {  	_ =	shalt  }
0x43: {  	_ =	shalt  }
0x44: {  	_ =	shalt  }
0x45: {  	_ =	shalt  }
0x46: {  	_ =	shalt  }
0x47: {  	_ =	shalt  }
0x48: {  	_ =	shalt  }
0x49: {  	_ =	shalt  }
0x4a: {  	_ =	shalt  }
0x4b: {  	_ =	shalt  }
0x4c: {  	_ =	shalt  }
0x4d: {  	_ =	shalt  }
0x4e: {  	_ =	shalt  }
0x4f: {  	_ =	shalt  }
0x50: {  	_ =	shalt  }
0x51: {  	_ =	shalt  }
0x52: {  	_ =	shalt  }
0x53: {  	_ =	shalt  }
0x54: {  	_ =	shalt  }
0x55: {  	_ =	shalt  }
0x56: {  	_ =	shalt  }
0x57: {  	_ =	shalt  }
0x58: {  	_ =	shalt  }
0x59: {  	_ =	shalt  }
0x5a: {  	_ =	shalt  }
0x5b: {  	_ =	shalt  }
0x5c: {  	_ =	shalt  }
0x5d: {  	_ =	shalt  }
0x5e: {  	_ =	shalt  }
0x5f: {  	_ =	shalt  }
0x60: {  	_ =	shalt  }
0x61: {  	_ =	shalt  }
0x62: {  	_ =	shalt  }
0x63: {  	_ =	shalt  }
0x64: {  	_ =	shalt  }
0x65: {  	_ =	shalt  }
0x66: {  	_ =	shalt  }
0x67: {  	_ =	shalt  }
0x68: {  	_ =	shalt  }
0x69: {  	_ =	shalt  }
0x6a: {  	_ =	shalt  }
0x6b: {  	_ =	shalt  }
0x6c: {  	_ =	shalt  }
0x6d: {  	_ =	shalt  }
0x6e: {  	_ =	shalt  }
0x6f: {  	_ =	shalt  }
0x70: {  	_ =	shalt  }
0x71: {  	_ =	shalt  }
0x72: {  	_ =	shalt  }
0x73: {  	_ =	shalt  }
0x74: {  	_ =	shalt  }
0x75: {  	_ =	shalt  }
0x76: {  	_ =	shalt  }
0x77: {  	_ =	shalt  }
0x78: {  	_ =	shalt  }
0x79: {  	_ =	shalt  }
0x7a: {  	_ =	shalt  }
0x7b: {  	_ =	shalt  }
0x7c: {  	_ =	shalt  }
0x7d: {  	_ =	shalt  }
0x7e: {  	_ =	shalt  }
0x7f: {  	_ =	shalt  }
0x80: {  	_ =	shalt  }
0x81: {  	_ =	shalt  }
0x82: {  	_ =	shalt  }
0x83: {  	_ =	shalt  }
0x84: {  	_ =	shalt  }
0x85: {  	_ =	shalt  }
0x86: {  	_ =	shalt  }
0x87: {  	_ =	shalt  }
.Lfunc_end0:
.L_simem_size_0:
called_computation_lowered:
.L_overlay_start_0:
0x88: {  	s2 =	sld [smem:$0x3FD9]  }
0x89: {  	s3 =	sld [smem:$0x3FFE];
	_ =	sdelay $0x1  }
0x8a: {  	s1 =	srdreg.scid  }
0x8b: {  	s0 =	sand.u32 $0x1, s1  }
0x8c: {  	s17 =	sshll.u32 s0, $0xA;
	s2 =	sadd.s32 s3, s2  }
0x8d: {  	s2 =	sadd.s32 s2, s17  }
0x8e: {  	[smem:$0x3FBE] =	sst s2  }
0x8f: {  	_ = 	snop  }
0x90: {  	s2 =	sld [smem:$0x3FD0];
	(tm) =	ssettm $0x1  }
0x91: {  	s18 =	sld [smem:$0x3FFB];
	_ =	sdelay $0x3  }
0x92: {  	_ =	strace s18  }
0x93: {  	s3 =	sld [smem:$0x3FFC];
	_ =	sdelay $0x3  }
0x94: {  	_ =	strace s3  }
0x95: {  	s3 =	sld [smem:$0x3FFD];
	_ =	sdelay $0x3  }
0x96: {  	_ =	strace s3  }
0x97: {  	_ =	strace $0x8FFFFFFF  }
0x98: {  	s19 =	sld [smem:$0x3FDB];
	_ =	sdelay $0x1  }
0x99: {  	s4 =	simm.s32 $_scs_section_size  }
0x9a: {  	s5 =	simm.s32 $_size__tile_overlayer_lowered;
	s6 =	simm.s32 $_tile_overlayer_lowered  }
0x9b: {  	s22 =	simm.s32 $0x1BFF;
	s21 =	sshll.u32 s6, $0x1;
	s3 =	sadd.s32 s4, s19  }
0x9c: {  	s7 =	simm.s32 $0x0;
	s20 =	sshll.u32 s5, $0x1;
	s5 =	sadd.s32 s21, s3  }
0x9d: {  	[timem:s7], [sflag:s22] =	dma.local [hbm:s5], s20  }
0x9e: {  	_ =	swait.ge [sflag:s22], s20  }
0x9f: {  	s4 =	ssub.s32 $0x0, s20;
	[sflag:s22] =	ssyncset.done $0x0  }
0xa0: {  	[sflag:s22] =	ssyncadd.s32 s4;
	_ =	sdelay $0x1  }
0xa1: {  	s23 =	simm.s32 $0x1B8B  }
0xa2: {  	_ =	swait.ge [sflag:s23], $0x1  }
0xa3: {  	[sflag:s23] =	ssyncset.done $0x0  }
0xa4: {  	s25 =	simm.s32 $0x1B8E;
	s24 =	sld [smem:$0x3FFE];
	[sflag:s23] =	ssyncadd.s32 $0xFFFFFFFF  }
0xa5: {  	s26 =	simm.s32 $execute0_lowered;
	[smem:$0x3FD2] =	sst s25  }
0xa6: {  	s5 =	sshll.u32 s26, $0x1;
	_ =	strace $0x80000046;
	[dreg:$0x1] =	wrdreg $0xFFFFFFFF  }
0xa7: {  	s28 =	simm.s32 $_size_execute0_lowered;
	s3 =	sadd.s32 s3, s5;
	[dreg:$0x0] =	wrdreg $0x0  }
0xa8: {  	s5 =	sshll.u32 s28, $0x1;
	[dreg:$0x2] =	wrdreg s3  }
0xa9: {  	[dreg:$0x3] =	wrdreg s5  }
0xaa: {  	[dreg:$0x4] =	wrdreg $0xC0  }
0xab: {  	_ =	task [dreg:s7], $0x5FFFF  }
0xac: {  	[dreg:$0x1] =	wrdreg $0xFFFFFFFF  }
0xad: {  	[dreg:$0x0] =	wrdreg $0x60  }
0xae: {  	[dreg:$0x2] =	wrdreg s2  }
0xaf: {  	[dreg:$0x3] =	wrdreg s24  }
0xb0: {  	[dreg:$0x4] =	wrdreg $0xFE000  }
0xb1: {  	[dreg:$0x5] =	wrdreg $0x9  }
0xb2: {  	_ =	task.clear_ibuf [dreg:s7], $0x6FFFF;
	_ =	strace $0x90000046  }
0xb3: {  	s29 =	simm.s32 $0x9;
	_ =	strace $0x80000048  }
0xb4: {  	_ =	swait.ge [sflag:s29], $0x1  }
0xb5: {  	[sflag:s29] =	ssyncadd.s32 $0xFFFFFFFF  }
0xb6: {  	_ =	strace $0x90000048  }
0xb7: {  	_ =	sfence  }
0xb8: {  	s30 =	sld [smem:$0x0];
	_ =	sdelay $0x2  }
0xb9: {  	s31 =	sshll.u32 s1, $0xD;
	s1 =	sshrl.u32 s1, $0x2  }
0xba: {  	s3 =	sand.u32 $0x4000, s31;
	s1 =	sadd.s32 s1, s30  }
0xbb: {  	s0 =	sor.u32 s3, s0;
	s1 =	sshll.u32 s1, $0x11  }
0xbc: {  	s0 =	sor.u32 s1, s0  }
0xbd: {  	s0 =	sadd.s32 $0x8F2B, s0  }
0xbe: {  	[sflag:s0] =	ssyncadd.remote.s32 $0x1  }
0xbf: {  	_ =	sfence.sel $0xFFFF  }
0xc0: {  	[dreg:$0x0] =	wrdreg $0xFFFFFFFF;
	(pc) =	sbr.abs _section_cstart, $3  }
0xc1: {  	[dreg:$0x1] =	wrdreg $0xFFFFFFFF  }
0xc2: {  	_ =	task.clear_ibuf [dreg:s7], $0x2FFFF;
	_ =	strace $0x9FFFFFFF  }
0xc3: {  	(tm) =	ssettm $0x7FFFFFFF  }
tec
execute0_lowered:
.L_overlay_start_1:
0x0: {  	(tag) =	ssettag $0x1  }
0x1: {  	s5 =	rddreg [dreg:$0x0]  }
0x2: {  	s6 =	rddreg [dreg:$0x1]  }
0x3: {  	s2 =	rddreg [dreg:$0x2]  }
0x4: {  	s1 =	stileid.u32;
	s3 =	simm.s32 $0x0;
	s4 =	srdreg.scid  }
0x5: {  	s20 =	simm.s32 $0xDE00;
	s21 =	simm.s32 $0x80;
	s22 =	simm.s32 $0x9E00  }
0x6: {  	s23 =	simm.s32 $0xBE00;
	s28 =	simm.s32 $0x9D80;
	s29 =	simm.s32 $0x0  }
0x7: {  	s7 =	smul.u32 $0x4F00, s1;
	[smem:$0x7FF] =	sst s3;
	s8 =	sand.u32 $0x1, s4  }
0x8: {  	s4 =	sadd.s32 $0x2200, s6;
	s13 =	smul.u32 $0xA000, s1;
	s16 =	sadd.s32 $0x34000, s6  }
0x9: {  	_ =	strace $0x80000047;
	s9 =	smul.u32 $0x4F000, s8;
	s11 =	ssub.s32 $0x2, s8  }
0xa: {  	s15 =	smul.u32 $0xA0000, s8;
	s24 =	sshrl.u32 s7, $0x3;
	s12 =	sshrl.u32 s11, $0x1  }
0xb: {  	s26 =	sadd.s32 $0x2000, s13;
	s14 =	sadd.s32 $0x4000, s13;
	s18 =	sadd.s32 $0x6000, s13  }
0xc: {  	s19 =	sadd.s32 $0x8000, s13;
	s10 =	sadd.s32 s24, s6;
	s7 =	sadd.s32 s7, s9  }
0xd: {  	s17 =	ssub.s32 s11, s12;
	s8 =	sadd.s32 s26, s2;
	s9 =	sadd.s32 s14, s2  }
0xe: {  	s30 =	sadd.s32 s13, s15;
	s11 =	sadd.s32 s15, s26;
	s14 =	sadd.s32 s15, s14  }
0xf: {  	s24 =	simm.s32 $0x1;
	s26 =	simm.s32 $0x9D00;
	s25 =	sshrl.u32 s7, $0x3  }
0x10: {  	s6 =	sadd.s32 $0x2A200, s10;
	s7 =	sadd.s32 s13, s2;
	s10 =	sadd.s32 s18, s2  }
0x11: {  	s12 =	sshrl.u32 s30, $0x3;
	s31 =	sshrl.u32 s11, $0x3;
	s11 =	sadd.s32 s19, s2  }
0x12: {  	s18 =	sadd.s32 s15, s18;
	s15 =	sadd.s32 s15, s19;
	s14 =	sshrl.u32 s14, $0x3  }
0x13: {  	s17 =	smax.u32 s17, $0x1;
	s5 =	sadd.s32 s5, s25;
	s12 =	sadd.s32 s16, s12  }
0x14: {  	s13 =	sadd.s32 s16, s31;
	s18 =	sshrl.u32 s18, $0x3;
	s19 =	sshrl.u32 s15, $0x3  }
0x15: {  	s14 =	sadd.s32 s16, s14;
	s25 =	simm.s32 $0x2;
	s15 =	sadd.s32 s16, s18  }
0x16: {  	v0 =	vimm.f32 $0.0e+00;
	s16 =	sadd.s32 s16, s19;
	s18 =	simm.s32 $0x3;
	s19 =	simm.s32 $0x4F00  }
.LBB2_1:
0x17: {  	[tilespmem:s3], [sflag:$0x3] =	stream.linear.gather [hbm4b:s5+s3], $0x4F00, $0x38;
	[tilespmem:$0x19E00] =	vst v63  }
0x18: {  	_ =	swait.ge [sflag:s18], $0x4F00  }
0x19: {  	[sflag:s18] =	ssyncset.done $0x0  }
0x1a: {  	[sflag:s18] =	ssyncadd.s32 $0xFFFFB100  }
0x1b: {  	[tilespmem:s19], [sflag:$0x3] =	stream.linear.gather [hbm4b:s6+s3], $0x4F00, $0x38;
	[tilespmem:$0x19E00] =	vst v63  }
0x1c: {  	_ =	swait.ge [sflag:s18], $0x4F00  }
0x1d: {  	[sflag:s18] =	ssyncset.done $0x0  }
0x1e: {  	s31 =	simm.s32 $0x100;
	s30 =	simm.s32 $0x0;
	[sflag:s18] =	ssyncadd.s32 $0xFFFFB100  }
.LBB2_2:
0x1f: {  	p0 =	sne.s32 s31, $0x7F00;
	[tilespmem:s30+$0xDE30] =	vst v0;
	s0 =	smov.u32 s31;
	s31 =	sadd.s32 $0x100, s31  }
.Ltmp0:
0x20: {  	[tilespmem:s30+$0xDE20] =	vst v0;
	(pc) =	sbr.rel @p0 .LBB2_2-.Ltmp0, $3  }
0x21: {  	[tilespmem:s30+$0xDE00] =	vst v0  }
0x22: {  	[tilespmem:s30+$0xDE10] =	vst v0;
	_ =	sdelay $0x1  }
0x23: {  	s30 =	sshra.s32 s0, $0x2  }
0x24: {  	[tilespmem:s30+$0xDE30] =	vst v0  }
0x25: {  	[tilespmem:s30+$0xDE20] =	vst v0  }
0x26: {  	[tilespmem:s30+$0xDE00] =	vst v0  }
0x27: {  	[tilespmem:s30+$0xDE10] =	vst v0  }
0x28: {  	[spmem:s7] =	stream.linear.scatter [tilespmem:s20], [sflag:$0x3], $0x2000, $0x38;
	[tilespmem:$0x19E00] =	vst v63  }
0x29: {  	_ =	swait.ge [sflag:s18], $0x2000  }
0x2a: {  	[sflag:s18] =	ssyncset.done $0x0  }
0x2b: {  	[sflag:s18] =	ssyncadd.s32 $0xFFFFE000  }
0x2c: {  	[spmem:s8] =	stream.linear.scatter [tilespmem:s20], [sflag:$0x3], $0x2000, $0x38;
	[tilespmem:$0x19E00] =	vst v63  }
0x2d: {  	_ =	swait.ge [sflag:s18], $0x2000  }
0x2e: {  	[sflag:s18] =	ssyncset.done $0x0  }
0x2f: {  	[sflag:s18] =	ssyncadd.s32 $0xFFFFE000  }
0x30: {  	[spmem:s9] =	stream.linear.scatter [tilespmem:s20], [sflag:$0x3], $0x2000, $0x38;
	[tilespmem:$0x19E00] =	vst v63  }
0x31: {  	_ =	swait.ge [sflag:s18], $0x2000  }
0x32: {  	[sflag:s18] =	ssyncset.done $0x0  }
0x33: {  	[sflag:s18] =	ssyncadd.s32 $0xFFFFE000  }
0x34: {  	[spmem:s10] =	stream.linear.scatter [tilespmem:s20], [sflag:$0x3], $0x2000, $0x38;
	[tilespmem:$0x19E00] =	vst v63  }
0x35: {  	_ =	swait.ge [sflag:s18], $0x2000  }
0x36: {  	[sflag:s18] =	ssyncset.done $0x0  }
0x37: {  	[sflag:s18] =	ssyncadd.s32 $0xFFFFE000  }
0x38: {  	[spmem:s11] =	stream.linear.scatter [tilespmem:s20], [sflag:$0x3], $0x2000, $0x38;
	[tilespmem:$0x19E00] =	vst v63  }
0x39: {  	_ =	swait.ge [sflag:s18], $0x2000  }
0x3a: {  	[sflag:s18] =	ssyncset.done $0x0  }
0x3b: {  	[sflag:s18] =	ssyncadd.s32 $0xFFFFE000  }
0x3c: {  	s0 =	simm.s32 $0x0;
	[bflag:$0x0] =	sbarrier.arrive $0xFFFF  }
0x3d: {  	[tilespmem:s22], [sflag:$0x1] =	stream.indirect.gather [hbm4b:s4+s21], $0x40, s0, s21, $0xb8;
	[tilespmem:$0x19E00] =	vst v63  }
0x3e: {  	_ = 	snop  }
0x3f: {  	[tilespmem:s23], [sflag:$0x2] =	stream.indirect.gather [hbm4b:s4+s21], $0x40, s21, s21, $0xb8;
	[tilespmem:$0x19E00] =	vst v63  }
0x40: {  	_ =	swait.ge [sflag:s24], $0x2000  }
0x41: {  	[sflag:s24] =	ssyncset.done $0x0  }
0x42: {  	s0 =	simm.s32 $0x4F00;
	[sflag:s24] =	ssyncadd.s32 $0xFFFFE000  }
0x43: {  	[spmem:s2] =	stream.indirect.scatter.add.f32 [tilespmem:s22], [sflag:$0x3], $0x40, s0, s21, $0xb8;
	[tilespmem:$0x19E00] =	vst v63  }
0x44: {  	_ =	swait.ge [sflag:s18], $0x2000  }
0x45: {  	[sflag:s18] =	ssyncset.done $0x0  }
0x46: {  	s0 =	simm.s32 $0x100;
	[sflag:s18] =	ssyncadd.s32 $0xFFFFE000  }
0x47: {  	[tilespmem:s22], [sflag:$0x1] =	stream.indirect.gather [hbm4b:s4+s21], $0x40, s0, s21, $0xb8;
	[tilespmem:$0x19E00] =	vst v63  }
0x48: {  	_ =	swait.ge [sflag:s25], $0x2000  }
0x49: {  	[sflag:s25] =	ssyncset.done $0x0  }
0x4a: {  	s0 =	simm.s32 $0x4F80;
	[sflag:s25] =	ssyncadd.s32 $0xFFFFE000  }
0x4b: {  	[spmem:s2] =	stream.indirect.scatter.add.f32 [tilespmem:s23], [sflag:$0x3], $0x40, s0, s21, $0xb8;
	[tilespmem:$0x19E00] =	vst v63  }
0x4c: {  	_ =	swait.ge [sflag:s18], $0x2000  }
0x4d: {  	[sflag:s18] =	ssyncset.done $0x0  }
0x4e: {  	s30 =	simm.s32 $0x400;
	s31 =	simm.s32 $0x180;
	[sflag:s18] =	ssyncadd.s32 $0xFFFFE000  }
.LBB2_4:
0x4f: {  	[tilespmem:s23], [sflag:$0x2] =	stream.indirect.gather [hbm4b:s4+s21], $0x40, s31, s21, $0xb8;
	[tilespmem:$0x19E00] =	vst v63  }
0x50: {  	s0 =	smov.u32 s30  }
0x51: {  	p0 =	sne.s32 s30, $0x13400;
	s30 =	sadd.s32 $0x400, s30;
	_ =	swait.ge [sflag:s24], $0x2000  }
0x52: {  	s0 =	sshra.s32 s0, $0x2;
	[sflag:s24] =	ssyncset.done $0x0  }
0x53: {  	s31 =	sadd.s32 $0x4F00, s0;
	[sflag:s24] =	ssyncadd.s32 $0xFFFFE000  }
0x54: {  	[spmem:s2] =	stream.indirect.scatter.add.f32 [tilespmem:s22], [sflag:$0x3], $0x40, s31, s21, $0xb8;
	[tilespmem:$0x19E00] =	vst v63  }
0x55: {  	_ =	swait.ge [sflag:s18], $0x2000  }
0x56: {  	[sflag:s18] =	ssyncset.done $0x0  }
0x57: {  	s31 =	sadd.s32 $0x100, s0;
	[sflag:s18] =	ssyncadd.s32 $0xFFFFE000  }
0x58: {  	[tilespmem:s22], [sflag:$0x1] =	stream.indirect.gather [hbm4b:s4+s21], $0x40, s31, s21, $0xb8;
	[tilespmem:$0x19E00] =	vst v63  }
0x59: {  	_ =	swait.ge [sflag:s25], $0x2000  }
0x5a: {  	[sflag:s25] =	ssyncset.done $0x0  }
.Ltmp1:
0x5b: {  	s31 =	sadd.s32 $0x4F80, s0;
	[sflag:s25] =	ssyncadd.s32 $0xFFFFE000;
	(pc) =	sbr.rel @p0 .LBB2_4-.Ltmp1, $4  }
0x5c: {  	[spmem:s2] =	stream.indirect.scatter.add.f32 [tilespmem:s23], [sflag:$0x3], $0x40, s31, s21, $0xb8;
	[tilespmem:$0x19E00] =	vst v63  }
0x5d: {  	_ =	swait.ge [sflag:s18], $0x2000  }
0x5e: {  	[sflag:s18] =	ssyncset.done $0x0  }
0x5f: {  	s31 =	sadd.s32 $0x180, s0;
	[sflag:s18] =	ssyncadd.s32 $0xFFFFE000  }
0x60: {  	[tilespmem:s23], [sflag:$0x2] =	stream.indirect.gather [hbm4b:s4+s21], $0x40, s31, s21, $0xb8;
	[tilespmem:$0x19E00] =	vst v63  }
0x61: {  	_ =	swait.ge [sflag:s24], $0x2000  }
0x62: {  	[sflag:s24] =	ssyncset.done $0x0  }
0x63: {  	[sflag:s24] =	ssyncadd.s32 $0xFFFFE000  }
0x64: {  	[spmem:s2] =	stream.indirect.scatter.add.f32 [tilespmem:s22], [sflag:$0x3], $0x40, s26, s21, $0xb8;
	[tilespmem:$0x19E00] =	vst v63  }
0x65: {  	_ =	swait.ge [sflag:s18], $0x2000  }
0x66: {  	[sflag:s18] =	ssyncset.done $0x0  }
0x67: {  	[sflag:s18] =	ssyncadd.s32 $0xFFFFE000  }
0x68: {  	_ =	swait.ge [sflag:s25], $0x2000  }
0x69: {  	[sflag:s25] =	ssyncset.done $0x0  }
0x6a: {  	[sflag:s25] =	ssyncadd.s32 $0xFFFFE000  }
0x6b: {  	[spmem:s2] =	stream.indirect.scatter.add.f32 [tilespmem:s23], [sflag:$0x3], $0x40, s28, s21, $0xb8;
	[tilespmem:$0x19E00] =	vst v63  }
0x6c: {  	_ =	swait.ge [sflag:s18], $0x2000  }
0x6d: {  	[sflag:s18] =	ssyncset.done $0x0  }
0x6e: {  	[sflag:s18] =	ssyncadd.s32 $0xFFFFE000  }
0x6f: {  	[bflag:$0x0] =	sbarrier.arrive $0xFFFF  }
0x70: {  	[tilespmem:s22], [sflag:$0x3] =	stream.linear.gather [spmem:s7], $0x2000, $0x38;
	[tilespmem:$0x19E00] =	vst v63  }
0x71: {  	_ =	swait.ge [sflag:s18], $0x2000  }
0x72: {  	[sflag:s18] =	ssyncset.done $0x0  }
0x73: {  	[sflag:s18] =	ssyncadd.s32 $0xFFFFE000  }
0x74: {  	[hbm4b:s12+s3] =	stream.linear.scatter [tilespmem:s22], [sflag:$0x3], $0x2000, $0x38;
	[tilespmem:$0x19E00] =	vst v63  }
0x75: {  	_ =	swait.ge [sflag:s18], $0x2000  }
0x76: {  	[sflag:s18] =	ssyncset.done $0x0  }
0x77: {  	[sflag:s18] =	ssyncadd.s32 $0xFFFFE000  }
0x78: {  	[tilespmem:s22], [sflag:$0x3] =	stream.linear.gather [spmem:s8], $0x2000, $0x38;
	[tilespmem:$0x19E00] =	vst v63  }
0x79: {  	_ =	swait.ge [sflag:s18], $0x2000  }
0x7a: {  	[sflag:s18] =	ssyncset.done $0x0  }
0x7b: {  	[sflag:s18] =	ssyncadd.s32 $0xFFFFE000  }
0x7c: {  	[hbm4b:s13+s3] =	stream.linear.scatter [tilespmem:s22], [sflag:$0x3], $0x2000, $0x38;
	[tilespmem:$0x19E00] =	vst v63  }
0x7d: {  	_ =	swait.ge [sflag:s18], $0x2000  }
0x7e: {  	[sflag:s18] =	ssyncset.done $0x0  }
0x7f: {  	[sflag:s18] =	ssyncadd.s32 $0xFFFFE000  }
0x80: {  	[tilespmem:s22], [sflag:$0x3] =	stream.linear.gather [spmem:s9], $0x2000, $0x38;
	[tilespmem:$0x19E00] =	vst v63  }
0x81: {  	_ =	swait.ge [sflag:s18], $0x2000  }
0x82: {  	[sflag:s18] =	ssyncset.done $0x0  }
0x83: {  	[sflag:s18] =	ssyncadd.s32 $0xFFFFE000  }
0x84: {  	[hbm4b:s14+s3] =	stream.linear.scatter [tilespmem:s22], [sflag:$0x3], $0x2000, $0x38;
	[tilespmem:$0x19E00] =	vst v63  }
0x85: {  	_ =	swait.ge [sflag:s18], $0x2000  }
0x86: {  	[sflag:s18] =	ssyncset.done $0x0  }
0x87: {  	[sflag:s18] =	ssyncadd.s32 $0xFFFFE000  }
0x88: {  	[tilespmem:s22], [sflag:$0x3] =	stream.linear.gather [spmem:s10], $0x2000, $0x38;
	[tilespmem:$0x19E00] =	vst v63  }
0x89: {  	_ =	swait.ge [sflag:s18], $0x2000  }
0x8a: {  	[sflag:s18] =	ssyncset.done $0x0  }
0x8b: {  	[sflag:s18] =	ssyncadd.s32 $0xFFFFE000  }
0x8c: {  	[hbm4b:s15+s3] =	stream.linear.scatter [tilespmem:s22], [sflag:$0x3], $0x2000, $0x38;
	[tilespmem:$0x19E00] =	vst v63  }
0x8d: {  	_ =	swait.ge [sflag:s18], $0x2000  }
0x8e: {  	[sflag:s18] =	ssyncset.done $0x0  }
0x8f: {  	[sflag:s18] =	ssyncadd.s32 $0xFFFFE000  }
0x90: {  	[tilespmem:s22], [sflag:$0x3] =	stream.linear.gather [spmem:s11], $0x2000, $0x38;
	[tilespmem:$0x19E00] =	vst v63  }
0x91: {  	s29 =	sadd.s32 $0x1, s29;
	_ =	swait.ge [sflag:s18], $0x2000  }
0x92: {  	p0 =	sne.s32 s29, s17;
	[sflag:s18] =	ssyncset.done $0x0  }
.Ltmp2:
0x93: {  	[sflag:s18] =	ssyncadd.s32 $0xFFFFE000;
	(pc) =	sbr.rel @p0 .LBB2_1-.Ltmp2, $4  }
0x94: {  	[hbm4b:s16+s3] =	stream.linear.scatter [tilespmem:s22], [sflag:$0x3], $0x2000, $0x38;
	[tilespmem:$0x19E00] =	vst v63  }
0x95: {  	_ =	swait.ge [sflag:s18], $0x2000  }
0x96: {  	[sflag:s18] =	ssyncset.done $0x0  }
0x97: {  	[sflag:s18] =	ssyncadd.s32 $0xFFFFE000  }
0x98: {  	_ =	sfence.sel $0x180000  }
0x99: {  	[bflag:$0x0] =	sbarrier.arrive $0xFFFF  }
0x9a: {  	_ =	strace $0x90000047  }
0x9b: {  	[bflag:$0x2] =	sbarrier.arrive $0xFFFF  }
0x9c: {  	p0 =	sne.s32 s1, $0x0;
	s0 =	rddreg [dreg:$0x3]  }
0x9d: {  	s0 =	sadd.s32 @!p0 $0x100000, s0  }
0x9e: {  	[sflag:s0] =	ssyncadd.tile.s32 @!p0 $0x1;
	_ =	shalt  }
.Lfunc_end2:
_tile_overlayer_lowered:
.L_overlay_start_2:
0x9f: {  	(tag) =	ssettag $0x2  }
0xa0: {  	s0 =	rddreg [dreg:$0x0];
	s2 =	stileid.u32  }
0xa1: {  	s1 =	rddreg [dreg:$0x1];
	p0 =	sne.s32 s2, $0x0  }
0xa2: {  	s3 =	rddreg [dreg:$0x2];
	[bflag:$0x3] =	sbarrier.arrive $0xFFFF;
	s2 =	simm.s32 @!p0 $0x1C03  }
0xa3: {  	[timem:s3], [sflag:s2] =	dma.local @!p0 [hbm:s0], s1  }
0xa4: {  	s0 =	simm.s32 @!p0 $0x3  }
0xa5: {  	_ =	swait.ge @!p0 [sflag:s0], s1  }
0xa6: {  	s1 =	ssub.s32 @!p0 $0x0, s1;
	[sflag:s0] =	ssyncset.done @!p0 $0x0  }
0xa7: {  	[sflag:s0] =	ssyncadd.s32 @!p0 s1  }
0xa8: {  	[bflag:$0x3] =	sbarrier.arrive $0xFFFF  }
0xa9: {  	_ =	shalt  }

</sc_bundles>
